<compile_context>
chip_gen: v7x
topology: tpu7x:2x2x1
jax: 0.10.2.dev20260603
libtpu: 0.0.44.dev20260713+nightly
codegen_flags: <defaults>
</compile_context>

<pallas_src>
import functools

import jax
import jax.numpy as jnp
from jax import lax
from jax.experimental import pallas as pl
from jax.experimental.pallas import tpu as pltpu
from jax.experimental.pallas import tpu_sc as plsc

_EPS = 0.001


def _seg_sum_dims(N, D, E):
    CHUNK = 128
    WIN = 8
    NCH = -(-E // CHUNK)
    NC, NS = 2, 16
    NW = NC * NS
    CPW = -(-NCH // NW)
    CPW = ((CPW + WIN - 1) // WIN) * WIN
    NCHP = CPW * NW
    RPT = 640
    NPAD = RPT * NS
    assert NPAD > N and RPT % 8 == 0 and WIN % 2 == 0 and WIN % 8 == 0
    return CHUNK, WIN, NCH, NC, NS, NW, CPW, NCHP, RPT, NPAD


@functools.cache
def _make_seg_sum(N, D, E):
    CHUNK, WIN, NCH, NC, NS, NW, CPW, NCHP, RPT, NPAD = _seg_sum_dims(N, D, E)
    TAIL = N - RPT * (NS - 1)
    assert 0 < TAIL <= RPT and TAIL % 8 == 0
    assert RPT % CHUNK == 0 and CPW % 4 == 0 and NCH % 4 == 0

    mesh = plsc.VectorSubcoreMesh(
        core_axis_name="c", subcore_axis_name="s", num_cores=NC, num_subcores=NS
    )

    @functools.partial(
        pl.kernel,
        out_type=jax.ShapeDtypeStruct((NC * N, D), jnp.float32),
        mesh=mesh,
        scratch_types=[
            pltpu.VMEM((CHUNK,), jnp.int32),
            pltpu.VMEM((CHUNK,), jnp.int32),
            pltpu.VMEM((CHUNK,), jnp.int32),
            pltpu.VMEM((CHUNK,), jnp.int32),
            pltpu.VMEM((CHUNK,), jnp.int32),
            pltpu.VMEM((CHUNK,), jnp.int32),
            pltpu.VMEM((CHUNK,), jnp.int32),
            pltpu.VMEM((CHUNK,), jnp.int32),
            pltpu.VMEM((CHUNK, D), jnp.float32),
            pltpu.VMEM((CHUNK, D), jnp.float32),
            pltpu.VMEM_SHARED((NPAD, D), jnp.float32),
            pltpu.SemaphoreType.DMA,
            pltpu.SemaphoreType.DMA,
            pltpu.SemaphoreType.DMA,
            pltpu.SemaphoreType.DMA,
            pltpu.SemaphoreType.DMA,
        ],
    )
    def seg_sum(h_hbm, src_hbm, dst_hbm, out_hbm, src0, src1, src2, src3,
                dst0, dst1, dst2, dst3, rows0, rows1, acc_sh,
                sem_i, sem_g0, sem_g1, sem_s0, sem_s1):
        cid = lax.axis_index("c")
        sid = lax.axis_index("s")
        wid = sid * NC + cid
        start = wid * CPW

        srcs = (src0, src1, src2, src3)
        dsts = (dst0, dst1, dst2, dst3)
        rows = (rows0, rows1)
        sgs = (sem_g0, sem_g1)
        sss = (sem_s0, sem_s1)

        def fetch_idx(c, j):
            base = (start + c) * CHUNK
            pltpu.async_copy(src_hbm.at[pl.ds(base, CHUNK)], srcs[j], sem_i)
            pltpu.async_copy(dst_hbm.at[pl.ds(base, CHUNK)], dsts[j], sem_i)

        def wait_idx():
            pltpu.make_async_copy(src_hbm.at[pl.ds(0, CHUNK)], src0,
                                  sem_i).wait()
            pltpu.make_async_copy(dst_hbm.at[pl.ds(0, CHUNK)], dst0,
                                  sem_i).wait()

        fetch_idx(0, 0)
        fetch_idx(1, 1)

        def zrow(r, carry):
            for c in range(D // 16):
                rows0[r, pl.ds(c * 16, 16)] = jnp.zeros((16,), jnp.float32)
            return carry

        lax.fori_loop(0, CHUNK, zrow, 0)

        def zcopy(i, carry):
            pltpu.sync_copy(rows0, acc_sh.at[pl.ds(sid * RPT + i * CHUNK,
                                                   CHUNK)])
            return carry

        lax.fori_loop(0, RPT // CHUNK, zcopy, 0)
        plsc.subcore_barrier()

        def wait_gather(b, j):
            pltpu.make_async_copy(h_hbm.at[srcs[j]], rows[b], sgs[b]).wait()

        def drain_scatter(b, j):
            pltpu.make_async_copy(rows[b], acc_sh.at[dsts[j]], sss[b]).wait()

        def chunk(c, k, first):
            b, j = k % 2, k % 4
            pb, pj = 1 - b, (k - 1) % 4
            wait_idx()
            if not (first and k < 2):
                drain_scatter(b, j)
            pltpu.async_copy(h_hbm.at[srcs[j]], rows[b], sgs[b])
            fetch_idx(jnp.minimum(c + 2, CPW - 1), (k + 2) % 4)
            if not (first and k < 1):
                wait_gather(pb, pj)
                pltpu.async_copy(rows[pb], acc_sh.at[dsts[pj]], sss[pb],
                                 add=True)

        nch = jnp.clip(NCH - start, 0, CPW)

        for k in range(4):
            chunk(k, k, True)

        def body(t, carry):
            for k in range(4):
                chunk(4 * t + k, k, False)
            return carry

        lax.fori_loop(1, nch // 4, body, 0)
        wait_gather(1, 3)
        pltpu.async_copy(rows1, acc_sh.at[dst3], sem_s1, add=True)
        drain_scatter(0, 2)
        drain_scatter(1, 3)
        wait_idx()
        wait_idx()
        plsc.subcore_barrier()

        @pl.when(sid < NS - 1)
        def _copy_full():
            pltpu.sync_copy(
                acc_sh.at[pl.ds(sid * RPT, RPT)],
                out_hbm.at[pl.ds(cid * N + sid * RPT, RPT)],
            )

        @pl.when(sid == NS - 1)
        def _copy_tail():
            pltpu.sync_copy(
                acc_sh.at[pl.ds((NS - 1) * RPT, TAIL)],
                out_hbm.at[pl.ds(cid * N + (NS - 1) * RPT, TAIL)],
            )

    return seg_sum


@functools.cache
def _make_layer(N, D, B):
    NB = N // B
    assert N % B == 0

    def body(p0, p1, xb, wrel, brel, wroot, ob):
        agg = p0[...] + p1[...]
        h = (
            jnp.dot(agg, wrel[...], preferred_element_type=jnp.float32)
            + brel[...]
            + jnp.dot(xb[...], wroot[...], preferred_element_type=jnp.float32)
        )
        ob[...] = jnp.maximum(h, 0.0)

    return pl.pallas_call(
        body,
        grid=(NB,),
        in_specs=[
            pl.BlockSpec((B, D), lambda i: (i, 0)),
            pl.BlockSpec((B, D), lambda i: (i + NB, 0)),
            pl.BlockSpec((B, D), lambda i: (i, 0)),
            pl.BlockSpec((D, D), lambda i: (0, 0)),
            pl.BlockSpec((1, D), lambda i: (0, 0)),
            pl.BlockSpec((D, D), lambda i: (0, 0)),
        ],
        out_specs=pl.BlockSpec((B, D), lambda i: (i, 0)),
        out_shape=jax.ShapeDtypeStruct((N, D), jnp.float32),
    )


@functools.cache
def _make_layer2_head(N, D, B):
    NB = N // B
    HB = B // 2
    B2D = D
    assert N % B == 0 and B % 2 == 0

    def body(p0, p1, hb, wrel, brel, wroot, wlin, blin,
             probs_o, out_o, x1_o, x2_o):
        agg = p0[...] + p1[...]
        h2 = (
            jnp.dot(agg, wrel[...], preferred_element_type=jnp.float32)
            + brel[...]
            + jnp.dot(hb[...], wroot[...], preferred_element_type=jnp.float32)
        )
        h2 = jnp.maximum(h2, 0.0)
        h2p = jnp.reshape(h2, (HB, 2 * B2D))
        x1 = h2p[:, :B2D]
        x2 = h2p[:, B2D:]
        out = jnp.sqrt((x1 - x2) ** 2 + _EPS)
        logit = jnp.dot(out, wlin[...], preferred_element_type=jnp.float32)
        probs_o[...] = 1.0 / (1.0 + jnp.exp(-(logit + blin[...])))
        out_o[...] = out
        x1_o[...] = x1
        x2_o[...] = x2

    return pl.pallas_call(
        body,
        grid=(NB,),
        in_specs=[
            pl.BlockSpec((B, D), lambda i: (i, 0)),
            pl.BlockSpec((B, D), lambda i: (i + NB, 0)),
            pl.BlockSpec((B, D), lambda i: (i, 0)),
            pl.BlockSpec((D, D), lambda i: (0, 0)),
            pl.BlockSpec((1, D), lambda i: (0, 0)),
            pl.BlockSpec((D, D), lambda i: (0, 0)),
            pl.BlockSpec((D, 1), lambda i: (0, 0)),
            pl.BlockSpec((1, 1), lambda i: (0, 0)),
        ],
        out_specs=[
            pl.BlockSpec((HB, 1), lambda i: (i, 0)),
            pl.BlockSpec((HB, D), lambda i: (i, 0)),
            pl.BlockSpec((HB, D), lambda i: (i, 0)),
            pl.BlockSpec((HB, D), lambda i: (i, 0)),
        ],
        out_shape=[
            jax.ShapeDtypeStruct((N // 2, 1), jnp.float32),
            jax.ShapeDtypeStruct((N // 2, D), jnp.float32),
            jax.ShapeDtypeStruct((N // 2, D), jnp.float32),
            jax.ShapeDtypeStruct((N // 2, D), jnp.float32),
        ],
    )


def kernel(x, edge_index, batch, W_rel1, b_rel1, W_root1, W_rel2, b_rel2,
           W_root2, W_lin, b_lin):
    N, D = x.shape
    E = edge_index.shape[1]
    CHUNK, WIN, NCH, NC, NS, NW, CPW, NCHP, RPT, NPAD = _seg_sum_dims(N, D, E)
    pad = NCHP * CHUNK - E
    src = jnp.concatenate([edge_index[0], jnp.zeros((pad,), jnp.int32)])
    pad_dst = N + (jnp.arange(pad, dtype=jnp.int32) % (NPAD - N))
    dst = jnp.concatenate([edge_index[1], pad_dst])

    seg_sum = _make_seg_sum(N, D, E)
    layer1 = _make_layer(N, D, 1000)
    layer2 = _make_layer2_head(N, D, 400)

    brel1 = b_rel1.reshape(1, D)
    brel2 = b_rel2.reshape(1, D)
    wlin = W_lin.reshape(D, 1)
    blin = b_lin.reshape(1, 1)

    part1 = seg_sum(x, src, dst)
    h1 = layer1(part1, part1, x, W_rel1, brel1, W_root1)
    part2 = seg_sum(h1, src, dst)
    probs, out, x1, x2 = layer2(part2, part2, h1, W_rel2, brel2, W_root2,
                                wlin, blin)
    return (probs, out, x1, x2)

# --- scband reference (transcript-rebuilt; emitter-appended) ---
"""Pipeline reference for scband-gconvdiff-words-60224031425326 (READ-ONLY COPY).

The authoritative reference and input builder live on the scoring server;
editing this copy changes nothing except your own understanding.
"""

import jax, jax.numpy as jnp
import numpy as np

N = 10000
E = 320000
D = 128
H = 128
O = 1
EPS = 0.001


def setup_inputs(seed: int = 0):
    key = jax.random.key(seed)
    ks = jax.random.split(key, 12)
    x = jax.random.normal(ks[0], (N, D), dtype=jnp.float32)
    edge_index = jax.random.randint(ks[1], (2, E), 0, N, dtype=jnp.int32)
    batch = jnp.zeros((N,), dtype=jnp.int32)
    s1 = float(1.0 / np.sqrt(D))
    W_rel1 = jax.random.uniform(ks[2], (D, H), jnp.float32, -s1, s1)
    b_rel1 = jax.random.uniform(ks[3], (H,), jnp.float32, -s1, s1)
    W_root1 = jax.random.uniform(ks[4], (D, H), jnp.float32, -s1, s1)
    s2 = float(1.0 / np.sqrt(H))
    W_rel2 = jax.random.uniform(ks[5], (H, H), jnp.float32, -s2, s2)
    b_rel2 = jax.random.uniform(ks[6], (H,), jnp.float32, -s2, s2)
    W_root2 = jax.random.uniform(ks[7], (H, H), jnp.float32, -s2, s2)
    s3 = float(1.0 / np.sqrt(H))
    W_lin = jax.random.uniform(ks[8], (H, O), jnp.float32, -s3, s3)
    b_lin = jax.random.uniform(ks[9], (O,), jnp.float32, -s3, s3)
    return {
        "x": x,
        "edge_index": edge_index,
        "batch": batch,
        "W_rel1": W_rel1,
        "b_rel1": b_rel1,
        "W_root1": W_root1,
        "W_rel2": W_rel2,
        "b_rel2": b_rel2,
        "W_root2": W_root2,
        "W_lin": W_lin,
        "b_lin": b_lin,
    }


def _graph_conv(h, edge_index, W_rel, b_rel, W_root):
    # PyG GraphConv with aggr='add':
    # out_i = lin_rel(sum_{j in N(i)} x_j) + lin_root(x_i)
    src = edge_index[0]
    dst = edge_index[1]
    msgs = jnp.take(h, src, axis=0)
    agg = jax.ops.segment_sum(msgs, dst, num_segments=h.shape[0])
    return agg @ W_rel + b_rel + h @ W_root


def reference(x, edge_index, batch, W_rel1, b_rel1, W_root1, W_rel2, b_rel2, W_root2, W_lin, b_lin):
    h = jax.nn.relu(_graph_conv(x, edge_index, W_rel1, b_rel1, W_root1))
    h = jax.nn.relu(_graph_conv(h, edge_index, W_rel2, b_rel2, W_root2))
    h2 = jnp.reshape(h, (-1, 2 * H))
    x1 = h2[:, :H]
    x2 = h2[:, H:]
    out = jnp.sqrt((x1 - x2) ** 2 + EPS)
    probs = jax.nn.sigmoid(out @ W_lin + b_lin)
    return (probs, out, x1, x2)

if __name__ == "__main__":
    import jax
    _d = setup_inputs()
    print(jax.jit(kernel)(*tuple(_d.values())))

</pallas_src>

<mosaic_0001>
#map = affine_map<(d0, d1) -> (0, 0)>
#map1 = affine_map<(d0, d1) -> (0)>
module attributes {stable_mosaic.version = 14 : i64} {
  func.func @seg_sum(%arg0: i32, %arg1: i32, %arg2: memref<10000x128xf32, #tpu.memory_space<hbm>>, %arg3: memref<327680xi32, #tpu.memory_space<hbm>>, %arg4: memref<327680xi32, #tpu.memory_space<hbm>>, %arg5: memref<20000x128xf32, #tpu.memory_space<hbm>>, %arg6: memref<128xi32, #tpu.memory_space<vmem>>, %arg7: memref<128xi32, #tpu.memory_space<vmem>>, %arg8: memref<128xi32, #tpu.memory_space<vmem>>, %arg9: memref<128xi32, #tpu.memory_space<vmem>>, %arg10: memref<128xi32, #tpu.memory_space<vmem>>, %arg11: memref<128xi32, #tpu.memory_space<vmem>>, %arg12: memref<128xi32, #tpu.memory_space<vmem>>, %arg13: memref<128xi32, #tpu.memory_space<vmem>>, %arg14: memref<128x128xf32, #tpu.memory_space<vmem>>, %arg15: memref<128x128xf32, #tpu.memory_space<vmem>>, %arg16: memref<10240x128xf32, #tpu.memory_space<vmem_shared>>, %arg17: memref<!tpu.dma_semaphore, #tpu.memory_space<semaphore_mem>>, %arg18: memref<!tpu.dma_semaphore, #tpu.memory_space<semaphore_mem>>, %arg19: memref<!tpu.dma_semaphore, #tpu.memory_space<semaphore_mem>>, %arg20: memref<!tpu.dma_semaphore, #tpu.memory_space<semaphore_mem>>, %arg21: memref<!tpu.dma_semaphore, #tpu.memory_space<semaphore_mem>>) attributes {dimension_semantics = [#tpu.dimension_semantics<core_parallel>, #tpu.dimension_semantics<subcore_parallel>], iteration_bounds = array<i64: 2, 16>, scalar_prefetch = 0 : i64, scratch_operands = 16 : i64, tpu.core_type = #tpu.core_type<sc_vector_subcore>, window_params = [{transform_indices = #map}, {transform_indices = #map1}, {transform_indices = #map1}, {transform_indices = #map}]} {
    %mul3A = arith.constant 2 : i32
    %mul3A_0 = arith.muli %arg1, %mul3A : i32
    %add3A = arith.addi %mul3A_0, %arg0 : i32
    %mul3A_1 = arith.constant 80 : i32
    %mul3A_2 = arith.muli %add3A, %mul3A_1 : i32
    %add3A_3 = arith.constant 0 : i32
    %add3A_4 = arith.addi %mul3A_2, %add3A_3 : i32
    %mul3A_5 = arith.constant 128 : i32
    %mul3A_6 = arith.muli %add3A_4, %mul3A_5 : i32
    %dma_start3A = tpu.memref_slice %arg3[%mul3A_6] : memref<327680xi32, #tpu.memory_space<hbm>> -> memref<128xi32, #tpu.memory_space<hbm>>
    %dma_start3A_7 = tpu.memref_slice %arg3[%mul3A_6] : memref<327680xi32, #tpu.memory_space<hbm>> -> memref<128xi32, #tpu.memory_space<hbm>>
    tpu.enqueue_dma source(%dma_start3A_7 : memref<128xi32, #tpu.memory_space<hbm>>) target(%arg6 : memref<128xi32, #tpu.memory_space<vmem>>) target_semaphore(%arg17 : memref<!tpu.dma_semaphore, #tpu.memory_space<semaphore_mem>>)
    %dma_start3A_8 = tpu.memref_slice %arg4[%mul3A_6] : memref<327680xi32, #tpu.memory_space<hbm>> -> memref<128xi32, #tpu.memory_space<hbm>>
    %dma_start3A_9 = tpu.memref_slice %arg4[%mul3A_6] : memref<327680xi32, #tpu.memory_space<hbm>> -> memref<128xi32, #tpu.memory_space<hbm>>
    tpu.enqueue_dma source(%dma_start3A_9 : memref<128xi32, #tpu.memory_space<hbm>>) target(%arg10 : memref<128xi32, #tpu.memory_space<vmem>>) target_semaphore(%arg17 : memref<!tpu.dma_semaphore, #tpu.memory_space<semaphore_mem>>)
    %add3A_10 = arith.constant 1 : i32
    %add3A_11 = arith.addi %mul3A_2, %add3A_10 : i32
    %mul3A_12 = arith.constant 128 : i32
    %mul3A_13 = arith.muli %add3A_11, %mul3A_12 : i32
    %dma_start3A_14 = tpu.memref_slice %arg3[%mul3A_13] : memref<327680xi32, #tpu.memory_space<hbm>> -> memref<128xi32, #tpu.memory_space<hbm>>
    %dma_start3A_15 = tpu.memref_slice %arg3[%mul3A_13] : memref<327680xi32, #tpu.memory_space<hbm>> -> memref<128xi32, #tpu.memory_space<hbm>>
    tpu.enqueue_dma source(%dma_start3A_15 : memref<128xi32, #tpu.memory_space<hbm>>) target(%arg7 : memref<128xi32, #tpu.memory_space<vmem>>) target_semaphore(%arg17 : memref<!tpu.dma_semaphore, #tpu.memory_space<semaphore_mem>>)
    %dma_start3A_16 = tpu.memref_slice %arg4[%mul3A_13] : memref<327680xi32, #tpu.memory_space<hbm>> -> memref<128xi32, #tpu.memory_space<hbm>>
    %dma_start3A_17 = tpu.memref_slice %arg4[%mul3A_13] : memref<327680xi32, #tpu.memory_space<hbm>> -> memref<128xi32, #tpu.memory_space<hbm>>
    tpu.enqueue_dma source(%dma_start3A_17 : memref<128xi32, #tpu.memory_space<hbm>>) target(%arg11 : memref<128xi32, #tpu.memory_space<vmem>>) target_semaphore(%arg17 : memref<!tpu.dma_semaphore, #tpu.memory_space<semaphore_mem>>)
    %scan3A = arith.constant 0 : i32
    %scan3A_18 = arith.constant 0 : i32
    %scan3A_19 = arith.constant 128 : i32
    %scan3A_20 = arith.addi %scan3A_18, %scan3A_19 : i32
    %scan3A_21 = arith.constant 1 : i32
    scf.for %scan3A_200 = %scan3A_18 to %scan3A_20 step %scan3A_21  : i32 {
      %broadcast_in_dim3A = arith.constant 0.000000e+00 : f32
      %broadcast_in_dim3A_201 = vector.broadcast %broadcast_in_dim3A : f32 to vector<16xf32>
      %swap3A = arith.index_cast %scan3A_200 : i32 to index
      %swap3A_202 = arith.constant 0 : index
      %swap3A_203 = tpu.vector_load %arg14[%swap3A, %swap3A_202] {strides = array<i32>} : memref<128x128xf32, #tpu.memory_space<vmem>>, vector<1x16xf32>,
      %swap3A_204 = vector.shape_cast %swap3A_203 : vector<1x16xf32> to vector<16xf32>
      %swap3A_205 = vector.shape_cast %broadcast_in_dim3A_201 : vector<16xf32> to vector<1x16xf32>
      tpu.vector_store %arg14[%swap3A, %swap3A_202], %swap3A_205 {strides = array<i32>} : memref<128x128xf32, #tpu.memory_space<vmem>>, vector<1x16xf32>,
      %broadcast_in_dim3A_206 = arith.constant 0.000000e+00 : f32
      %broadcast_in_dim3A_207 = vector.broadcast %broadcast_in_dim3A_206 : f32 to vector<16xf32>
      %swap3A_208 = arith.index_cast %scan3A_200 : i32 to index
      %swap3A_209 = arith.constant 16 : index
      %swap3A_210 = tpu.vector_load %arg14[%swap3A_208, %swap3A_209] {strides = array<i32>} : memref<128x128xf32, #tpu.memory_space<vmem>>, vector<1x16xf32>,
      %swap3A_211 = vector.shape_cast %swap3A_210 : vector<1x16xf32> to vector<16xf32>
      %swap3A_212 = vector.shape_cast %broadcast_in_dim3A_207 : vector<16xf32> to vector<1x16xf32>
      tpu.vector_store %arg14[%swap3A_208, %swap3A_209], %swap3A_212 {strides = array<i32>} : memref<128x128xf32, #tpu.memory_space<vmem>>, vector<1x16xf32>,
      %broadcast_in_dim3A_213 = arith.constant 0.000000e+00 : f32
      %broadcast_in_dim3A_214 = vector.broadcast %broadcast_in_dim3A_213 : f32 to vector<16xf32>
      %swap3A_215 = arith.index_cast %scan3A_200 : i32 to index
      %swap3A_216 = arith.constant 32 : index
      %swap3A_217 = tpu.vector_load %arg14[%swap3A_215, %swap3A_216] {strides = array<i32>} : memref<128x128xf32, #tpu.memory_space<vmem>>, vector<1x16xf32>,
      %swap3A_218 = vector.shape_cast %swap3A_217 : vector<1x16xf32> to vector<16xf32>
      %swap3A_219 = vector.shape_cast %broadcast_in_dim3A_214 : vector<16xf32> to vector<1x16xf32>
      tpu.vector_store %arg14[%swap3A_215, %swap3A_216], %swap3A_219 {strides = array<i32>} : memref<128x128xf32, #tpu.memory_space<vmem>>, vector<1x16xf32>,
      %broadcast_in_dim3A_220 = arith.constant 0.000000e+00 : f32
      %broadcast_in_dim3A_221 = vector.broadcast %broadcast_in_dim3A_220 : f32 to vector<16xf32>
      %swap3A_222 = arith.index_cast %scan3A_200 : i32 to index
      %swap3A_223 = arith.constant 48 : index
      %swap3A_224 = tpu.vector_load %arg14[%swap3A_222, %swap3A_223] {strides = array<i32>} : memref<128x128xf32, #tpu.memory_space<vmem>>, vector<1x16xf32>,
      %swap3A_225 = vector.shape_cast %swap3A_224 : vector<1x16xf32> to vector<16xf32>
      %swap3A_226 = vector.shape_cast %broadcast_in_dim3A_221 : vector<16xf32> to vector<1x16xf32>
      tpu.vector_store %arg14[%swap3A_222, %swap3A_223], %swap3A_226 {strides = array<i32>} : memref<128x128xf32, #tpu.memory_space<vmem>>, vector<1x16xf32>,
      %broadcast_in_dim3A_227 = arith.constant 0.000000e+00 : f32
      %broadcast_in_dim3A_228 = vector.broadcast %broadcast_in_dim3A_227 : f32 to vector<16xf32>
      %swap3A_229 = arith.index_cast %scan3A_200 : i32 to index
      %swap3A_230 = arith.constant 64 : index
      %swap3A_231 = tpu.vector_load %arg14[%swap3A_229, %swap3A_230] {strides = array<i32>} : memref<128x128xf32, #tpu.memory_space<vmem>>, vector<1x16xf32>,
      %swap3A_232 = vector.shape_cast %swap3A_231 : vector<1x16xf32> to vector<16xf32>
      %swap3A_233 = vector.shape_cast %broadcast_in_dim3A_228 : vector<16xf32> to vector<1x16xf32>
      tpu.vector_store %arg14[%swap3A_229, %swap3A_230], %swap3A_233 {strides = array<i32>} : memref<128x128xf32, #tpu.memory_space<vmem>>, vector<1x16xf32>,
      %broadcast_in_dim3A_234 = arith.constant 0.000000e+00 : f32
      %broadcast_in_dim3A_235 = vector.broadcast %broadcast_in_dim3A_234 : f32 to vector<16xf32>
      %swap3A_236 = arith.index_cast %scan3A_200 : i32 to index
      %swap3A_237 = arith.constant 80 : index
      %swap3A_238 = tpu.vector_load %arg14[%swap3A_236, %swap3A_237] {strides = array<i32>} : memref<128x128xf32, #tpu.memory_space<vmem>>, vector<1x16xf32>,
      %swap3A_239 = vector.shape_cast %swap3A_238 : vector<1x16xf32> to vector<16xf32>
      %swap3A_240 = vector.shape_cast %broadcast_in_dim3A_235 : vector<16xf32> to vector<1x16xf32>
      tpu.vector_store %arg14[%swap3A_236, %swap3A_237], %swap3A_240 {strides = array<i32>} : memref<128x128xf32, #tpu.memory_space<vmem>>, vector<1x16xf32>,
      %broadcast_in_dim3A_241 = arith.constant 0.000000e+00 : f32
      %broadcast_in_dim3A_242 = vector.broadcast %broadcast_in_dim3A_241 : f32 to vector<16xf32>
      %swap3A_243 = arith.index_cast %scan3A_200 : i32 to index
      %swap3A_244 = arith.constant 96 : index
      %swap3A_245 = tpu.vector_load %arg14[%swap3A_243, %swap3A_244] {strides = array<i32>} : memref<128x128xf32, #tpu.memory_space<vmem>>, vector<1x16xf32>,
      %swap3A_246 = vector.shape_cast %swap3A_245 : vector<1x16xf32> to vector<16xf32>
      %swap3A_247 = vector.shape_cast %broadcast_in_dim3A_242 : vector<16xf32> to vector<1x16xf32>
      tpu.vector_store %arg14[%swap3A_243, %swap3A_244], %swap3A_247 {strides = array<i32>} : memref<128x128xf32, #tpu.memory_space<vmem>>, vector<1x16xf32>,
      %broadcast_in_dim3A_248 = arith.constant 0.000000e+00 : f32
      %broadcast_in_dim3A_249 = vector.broadcast %broadcast_in_dim3A_248 : f32 to vector<16xf32>
      %swap3A_250 = arith.index_cast %scan3A_200 : i32 to index
      %swap3A_251 = arith.constant 112 : index
      %swap3A_252 = tpu.vector_load %arg14[%swap3A_250, %swap3A_251] {strides = array<i32>} : memref<128x128xf32, #tpu.memory_space<vmem>>, vector<1x16xf32>,
      %swap3A_253 = vector.shape_cast %swap3A_252 : vector<1x16xf32> to vector<16xf32>
      %swap3A_254 = vector.shape_cast %broadcast_in_dim3A_249 : vector<16xf32> to vector<1x16xf32>
      tpu.vector_store %arg14[%swap3A_250, %swap3A_251], %swap3A_254 {strides = array<i32>} : memref<128x128xf32, #tpu.memory_space<vmem>>, vector<1x16xf32>,
    }
    %scan3A_22 = arith.constant 128 : i32
    %scan3A_23 = arith.constant 0 : i32
    %scan3A_24 = arith.constant 0 : i32
    %scan3A_25 = arith.constant 5 : i32
    %scan3A_26 = arith.addi %scan3A_24, %scan3A_25 : i32
    %scan3A_27 = arith.constant 1 : i32
    scf.for %scan3A_200 = %scan3A_24 to %scan3A_26 step %scan3A_27  : i32 {
      %mul3A_201 = arith.constant 640 : i32
      %mul3A_202 = arith.muli %arg1, %mul3A_201 : i32
      %mul3A_203 = arith.constant 128 : i32
      %mul3A_204 = arith.muli %scan3A_200, %mul3A_203 : i32
      %add3A_205 = arith.addi %mul3A_202, %mul3A_204 : i32
      "tpu.region"() ({
        %run_scoped3A = tpu.sem_alloc : memref<!tpu.dma_semaphore, #tpu.memory_space<semaphore_mem>>
        %dma_start3A_206 = arith.constant 0 : i32
        %dma_start3A_207 = tpu.memref_slice %arg16[%add3A_205, %dma_start3A_206] : memref<10240x128xf32, #tpu.memory_space<vmem_shared>> -> memref<128x128xf32, #tpu.memory_space<vmem_shared>>
        %dma_start3A_208 = arith.constant 0 : i32
        %dma_start3A_209 = tpu.memref_slice %arg16[%add3A_205, %dma_start3A_208] : memref<10240x128xf32, #tpu.memory_space<vmem_shared>> -> memref<128x128xf32, #tpu.memory_space<vmem_shared>>
        tpu.enqueue_dma source(%arg14 : memref<128x128xf32, #tpu.memory_space<vmem>>) target(%dma_start3A_209 : memref<128x128xf32, #tpu.memory_space<vmem_shared>>) target_semaphore(%run_scoped3A : memref<!tpu.dma_semaphore, #tpu.memory_space<semaphore_mem>>)
        %dma_wait3A_210 = arith.constant 0 : i32
        %dma_wait3A_211 = tpu.memref_slice %arg16[%add3A_205, %dma_wait3A_210] : memref<10240x128xf32, #tpu.memory_space<vmem_shared>> -> memref<128x128xf32, #tpu.memory_space<vmem_shared>>
        %dma_wait3A_212 = arith.constant 0 : i32
        %dma_wait3A_213 = tpu.memref_slice %arg16[%add3A_205, %dma_wait3A_212] : memref<10240x128xf32, #tpu.memory_space<vmem_shared>> -> memref<128x128xf32, #tpu.memory_space<vmem_shared>>
        tpu.wait_dma2 semaphore(%run_scoped3A : memref<!tpu.dma_semaphore, #tpu.memory_space<semaphore_mem>>) src(%arg14 : memref<128x128xf32, #tpu.memory_space<vmem>>) dst(%dma_wait3A_213 : memref<128x128xf32, #tpu.memory_space<vmem_shared>>)
        tpu.yield
      }) : () -> ()
    }
    %scan3A_28 = arith.constant 5 : i32
    %barrier3A = arith.constant 0 : index
    tpu.barrier barrier_id(%barrier3A)
    %sub3A = arith.constant 2500 : i32
    %sub3A_29 = arith.subi %sub3A, %mul3A_2 : i32
    %jit3A = arith.constant 0 : i32
    %jit3A_30 = arith.constant 80 : i32
    %max3A = arith.maxsi %jit3A, %sub3A_29 : i32
    %min3A = arith.minsi %jit3A_30, %max3A : i32
    %dma_wait3A = arith.constant 0 : i32
    %dma_wait3A_31 = tpu.memref_slice %arg3[%dma_wait3A] : memref<327680xi32, #tpu.memory_space<hbm>> -> memref<128xi32, #tpu.memory_space<hbm>>
    %dma_wait3A_32 = arith.constant 0 : i32
    %dma_wait3A_33 = tpu.memref_slice %arg3[%dma_wait3A_32] : memref<327680xi32, #tpu.memory_space<hbm>> -> memref<128xi32, #tpu.memory_space<hbm>>
    tpu.wait_dma2 semaphore(%arg17 : memref<!tpu.dma_semaphore, #tpu.memory_space<semaphore_mem>>) src(%dma_wait3A_33 : memref<128xi32, #tpu.memory_space<hbm>>) dst(%arg6 : memref<128xi32, #tpu.memory_space<vmem>>)
    %dma_wait3A_34 = arith.constant 0 : i32
    %dma_wait3A_35 = tpu.memref_slice %arg4[%dma_wait3A_34] : memref<327680xi32, #tpu.memory_space<hbm>> -> memref<128xi32, #tpu.memory_space<hbm>>
    %dma_wait3A_36 = arith.constant 0 : i32
    %dma_wait3A_37 = tpu.memref_slice %arg4[%dma_wait3A_36] : memref<327680xi32, #tpu.memory_space<hbm>> -> memref<128xi32, #tpu.memory_space<hbm>>
    tpu.wait_dma2 semaphore(%arg17 : memref<!tpu.dma_semaphore, #tpu.memory_space<semaphore_mem>>) src(%dma_wait3A_37 : memref<128xi32, #tpu.memory_space<hbm>>) dst(%arg10 : memref<128xi32, #tpu.memory_space<vmem>>)
    %dma_start3A_38 = arith.constant 0 : i32
    %dma_start3A_39 = arith.constant 0 : i32
    %dma_start3A_40 = tpu.memref_slice %arg2[%dma_start3A_38, %dma_start3A_39] : memref<10000x128xf32, #tpu.memory_space<hbm>> -> memref<10000x128xf32, #tpu.memory_space<hbm>>
    tpu.enqueue_indirect_dma source(%dma_start3A_40 : memref<10000x128xf32, #tpu.memory_space<hbm>>) target(%arg14 : memref<128x128xf32, #tpu.memory_space<vmem>>) offsets(%arg6 : memref<128xi32, #tpu.memory_space<vmem>>) semaphore(%arg18 : memref<!tpu.dma_semaphore, #tpu.memory_space<semaphore_mem>>)
    %min3A_41 = arith.constant 2 : i32
    %min3A_42 = arith.constant 79 : i32
    %min3A_43 = arith.minsi %min3A_41, %min3A_42 : i32
    %add3A_44 = arith.addi %mul3A_2, %min3A_43 : i32
    %mul3A_45 = arith.constant 128 : i32
    %mul3A_46 = arith.muli %add3A_44, %mul3A_45 : i32
    %dma_start3A_47 = tpu.memref_slice %arg3[%mul3A_46] : memref<327680xi32, #tpu.memory_space<hbm>> -> memref<128xi32, #tpu.memory_space<hbm>>
    %dma_start3A_48 = tpu.memref_slice %arg3[%mul3A_46] : memref<327680xi32, #tpu.memory_space<hbm>> -> memref<128xi32, #tpu.memory_space<hbm>>
    tpu.enqueue_dma source(%dma_start3A_48 : memref<128xi32, #tpu.memory_space<hbm>>) target(%arg8 : memref<128xi32, #tpu.memory_space<vmem>>) target_semaphore(%arg17 : memref<!tpu.dma_semaphore, #tpu.memory_space<semaphore_mem>>)
    %dma_start3A_49 = tpu.memref_slice %arg4[%mul3A_46] : memref<327680xi32, #tpu.memory_space<hbm>> -> memref<128xi32, #tpu.memory_space<hbm>>
    %dma_start3A_50 = tpu.memref_slice %arg4[%mul3A_46] : memref<327680xi32, #tpu.memory_space<hbm>> -> memref<128xi32, #tpu.memory_space<hbm>>
    tpu.enqueue_dma source(%dma_start3A_50 : memref<128xi32, #tpu.memory_space<hbm>>) target(%arg12 : memref<128xi32, #tpu.memory_space<vmem>>) target_semaphore(%arg17 : memref<!tpu.dma_semaphore, #tpu.memory_space<semaphore_mem>>)
    %dma_wait3A_51 = arith.constant 0 : i32
    %dma_wait3A_52 = tpu.memref_slice %arg3[%dma_wait3A_51] : memref<327680xi32, #tpu.memory_space<hbm>> -> memref<128xi32, #tpu.memory_space<hbm>>
    %dma_wait3A_53 = arith.constant 0 : i32
    %dma_wait3A_54 = tpu.memref_slice %arg3[%dma_wait3A_53] : memref<327680xi32, #tpu.memory_space<hbm>> -> memref<128xi32, #tpu.memory_space<hbm>>
    tpu.wait_dma2 semaphore(%arg17 : memref<!tpu.dma_semaphore, #tpu.memory_space<semaphore_mem>>) src(%dma_wait3A_54 : memref<128xi32, #tpu.memory_space<hbm>>) dst(%arg6 : memref<128xi32, #tpu.memory_space<vmem>>)
    %dma_wait3A_55 = arith.constant 0 : i32
    %dma_wait3A_56 = tpu.memref_slice %arg4[%dma_wait3A_55] : memref<327680xi32, #tpu.memory_space<hbm>> -> memref<128xi32, #tpu.memory_space<hbm>>
    %dma_wait3A_57 = arith.constant 0 : i32
    %dma_wait3A_58 = tpu.memref_slice %arg4[%dma_wait3A_57] : memref<327680xi32, #tpu.memory_space<hbm>> -> memref<128xi32, #tpu.memory_space<hbm>>
    tpu.wait_dma2 semaphore(%arg17 : memref<!tpu.dma_semaphore, #tpu.memory_space<semaphore_mem>>) src(%dma_wait3A_58 : memref<128xi32, #tpu.memory_space<hbm>>) dst(%arg10 : memref<128xi32, #tpu.memory_space<vmem>>)
    %dma_start3A_59 = arith.constant 0 : i32
    %dma_start3A_60 = arith.constant 0 : i32
    %dma_start3A_61 = tpu.memref_slice %arg2[%dma_start3A_59, %dma_start3A_60] : memref<10000x128xf32, #tpu.memory_space<hbm>> -> memref<10000x128xf32, #tpu.memory_space<hbm>>
    tpu.enqueue_indirect_dma source(%dma_start3A_61 : memref<10000x128xf32, #tpu.memory_space<hbm>>) target(%arg15 : memref<128x128xf32, #tpu.memory_space<vmem>>) offsets(%arg7 : memref<128xi32, #tpu.memory_space<vmem>>) semaphore(%arg19 : memref<!tpu.dma_semaphore, #tpu.memory_space<semaphore_mem>>)
    %min3A_62 = arith.constant 3 : i32
    %min3A_63 = arith.constant 79 : i32
    %min3A_64 = arith.minsi %min3A_62, %min3A_63 : i32
    %add3A_65 = arith.addi %mul3A_2, %min3A_64 : i32
    %mul3A_66 = arith.constant 128 : i32
    %mul3A_67 = arith.muli %add3A_65, %mul3A_66 : i32
    %dma_start3A_68 = tpu.memref_slice %arg3[%mul3A_67] : memref<327680xi32, #tpu.memory_space<hbm>> -> memref<128xi32, #tpu.memory_space<hbm>>
    %dma_start3A_69 = tpu.memref_slice %arg3[%mul3A_67] : memref<327680xi32, #tpu.memory_space<hbm>> -> memref<128xi32, #tpu.memory_space<hbm>>
    tpu.enqueue_dma source(%dma_start3A_69 : memref<128xi32, #tpu.memory_space<hbm>>) target(%arg9 : memref<128xi32, #tpu.memory_space<vmem>>) target_semaphore(%arg17 : memref<!tpu.dma_semaphore, #tpu.memory_space<semaphore_mem>>)
    %dma_start3A_70 = tpu.memref_slice %arg4[%mul3A_67] : memref<327680xi32, #tpu.memory_space<hbm>> -> memref<128xi32, #tpu.memory_space<hbm>>
    %dma_start3A_71 = tpu.memref_slice %arg4[%mul3A_67] : memref<327680xi32, #tpu.memory_space<hbm>> -> memref<128xi32, #tpu.memory_space<hbm>>
    tpu.enqueue_dma source(%dma_start3A_71 : memref<128xi32, #tpu.memory_space<hbm>>) target(%arg13 : memref<128xi32, #tpu.memory_space<vmem>>) target_semaphore(%arg17 : memref<!tpu.dma_semaphore, #tpu.memory_space<semaphore_mem>>)
    %dma_wait3A_72 = arith.constant 0 : i32
    %dma_wait3A_73 = arith.constant 0 : i32
    %dma_wait3A_74 = tpu.memref_slice %arg2[%dma_wait3A_72, %dma_wait3A_73] : memref<10000x128xf32, #tpu.memory_space<hbm>> -> memref<10000x128xf32, #tpu.memory_space<hbm>>
    tpu.wait_indirect_dma semaphore(%arg18 : memref<!tpu.dma_semaphore, #tpu.memory_space<semaphore_mem>>) src(%dma_wait3A_74 : memref<10000x128xf32, #tpu.memory_space<hbm>>) dst(%arg14 : memref<128x128xf32, #tpu.memory_space<vmem>>)
    %dma_start3A_75 = arith.constant 0 : i32
    %dma_start3A_76 = arith.constant 0 : i32
    %dma_start3A_77 = tpu.memref_slice %arg16[%dma_start3A_75, %dma_start3A_76] : memref<10240x128xf32, #tpu.memory_space<vmem_shared>> -> memref<10240x128xf32, #tpu.memory_space<vmem_shared>>
    tpu.enqueue_indirect_dma source(%arg14 : memref<128x128xf32, #tpu.memory_space<vmem>>) target(%dma_start3A_77 : memref<10240x128xf32, #tpu.memory_space<vmem_shared>>) offsets(%arg10 : memref<128xi32, #tpu.memory_space<vmem>>) semaphore(%arg20 : memref<!tpu.dma_semaphore, #tpu.memory_space<semaphore_mem>>) {add = true}
    %dma_wait3A_78 = arith.constant 0 : i32
    %dma_wait3A_79 = tpu.memref_slice %arg3[%dma_wait3A_78] : memref<327680xi32, #tpu.memory_space<hbm>> -> memref<128xi32, #tpu.memory_space<hbm>>
    %dma_wait3A_80 = arith.constant 0 : i32
    %dma_wait3A_81 = tpu.memref_slice %arg3[%dma_wait3A_80] : memref<327680xi32, #tpu.memory_space<hbm>> -> memref<128xi32, #tpu.memory_space<hbm>>
    tpu.wait_dma2 semaphore(%arg17 : memref<!tpu.dma_semaphore, #tpu.memory_space<semaphore_mem>>) src(%dma_wait3A_81 : memref<128xi32, #tpu.memory_space<hbm>>) dst(%arg6 : memref<128xi32, #tpu.memory_space<vmem>>)
    %dma_wait3A_82 = arith.constant 0 : i32
    %dma_wait3A_83 = tpu.memref_slice %arg4[%dma_wait3A_82] : memref<327680xi32, #tpu.memory_space<hbm>> -> memref<128xi32, #tpu.memory_space<hbm>>
    %dma_wait3A_84 = arith.constant 0 : i32
    %dma_wait3A_85 = tpu.memref_slice %arg4[%dma_wait3A_84] : memref<327680xi32, #tpu.memory_space<hbm>> -> memref<128xi32, #tpu.memory_space<hbm>>
    tpu.wait_dma2 semaphore(%arg17 : memref<!tpu.dma_semaphore, #tpu.memory_space<semaphore_mem>>) src(%dma_wait3A_85 : memref<128xi32, #tpu.memory_space<hbm>>) dst(%arg10 : memref<128xi32, #tpu.memory_space<vmem>>)
    %dma_wait3A_86 = arith.constant 0 : i32
    %dma_wait3A_87 = arith.constant 0 : i32
    %dma_wait3A_88 = tpu.memref_slice %arg16[%dma_wait3A_86, %dma_wait3A_87] : memref<10240x128xf32, #tpu.memory_space<vmem_shared>> -> memref<10240x128xf32, #tpu.memory_space<vmem_shared>>
    tpu.wait_indirect_dma semaphore(%arg20 : memref<!tpu.dma_semaphore, #tpu.memory_space<semaphore_mem>>) src(%arg14 : memref<128x128xf32, #tpu.memory_space<vmem>>) dst(%dma_wait3A_88 : memref<10240x128xf32, #tpu.memory_space<vmem_shared>>)
    %dma_start3A_89 = arith.constant 0 : i32
    %dma_start3A_90 = arith.constant 0 : i32
    %dma_start3A_91 = tpu.memref_slice %arg2[%dma_start3A_89, %dma_start3A_90] : memref<10000x128xf32, #tpu.memory_space<hbm>> -> memref<10000x128xf32, #tpu.memory_space<hbm>>
    tpu.enqueue_indirect_dma source(%dma_start3A_91 : memref<10000x128xf32, #tpu.memory_space<hbm>>) target(%arg14 : memref<128x128xf32, #tpu.memory_space<vmem>>) offsets(%arg8 : memref<128xi32, #tpu.memory_space<vmem>>) semaphore(%arg18 : memref<!tpu.dma_semaphore, #tpu.memory_space<semaphore_mem>>)
    %min3A_92 = arith.constant 4 : i32
    %min3A_93 = arith.constant 79 : i32
    %min3A_94 = arith.minsi %min3A_92, %min3A_93 : i32
    %add3A_95 = arith.addi %mul3A_2, %min3A_94 : i32
    %mul3A_96 = arith.constant 128 : i32
    %mul3A_97 = arith.muli %add3A_95, %mul3A_96 : i32
    %dma_start3A_98 = tpu.memref_slice %arg3[%mul3A_97] : memref<327680xi32, #tpu.memory_space<hbm>> -> memref<128xi32, #tpu.memory_space<hbm>>
    %dma_start3A_99 = tpu.memref_slice %arg3[%mul3A_97] : memref<327680xi32, #tpu.memory_space<hbm>> -> memref<128xi32, #tpu.memory_space<hbm>>
    tpu.enqueue_dma source(%dma_start3A_99 : memref<128xi32, #tpu.memory_space<hbm>>) target(%arg6 : memref<128xi32, #tpu.memory_space<vmem>>) target_semaphore(%arg17 : memref<!tpu.dma_semaphore, #tpu.memory_space<semaphore_mem>>)
    %dma_start3A_100 = tpu.memref_slice %arg4[%mul3A_97] : memref<327680xi32, #tpu.memory_space<hbm>> -> memref<128xi32, #tpu.memory_space<hbm>>
    %dma_start3A_101 = tpu.memref_slice %arg4[%mul3A_97] : memref<327680xi32, #tpu.memory_space<hbm>> -> memref<128xi32, #tpu.memory_space<hbm>>
    tpu.enqueue_dma source(%dma_start3A_101 : memref<128xi32, #tpu.memory_space<hbm>>) target(%arg10 : memref<128xi32, #tpu.memory_space<vmem>>) target_semaphore(%arg17 : memref<!tpu.dma_semaphore, #tpu.memory_space<semaphore_mem>>)
    %dma_wait3A_102 = arith.constant 0 : i32
    %dma_wait3A_103 = arith.constant 0 : i32
    %dma_wait3A_104 = tpu.memref_slice %arg2[%dma_wait3A_102, %dma_wait3A_103] : memref<10000x128xf32, #tpu.memory_space<hbm>> -> memref<10000x128xf32, #tpu.memory_space<hbm>>
    tpu.wait_indirect_dma semaphore(%arg19 : memref<!tpu.dma_semaphore, #tpu.memory_space<semaphore_mem>>) src(%dma_wait3A_104 : memref<10000x128xf32, #tpu.memory_space<hbm>>) dst(%arg15 : memref<128x128xf32, #tpu.memory_space<vmem>>)
    %dma_start3A_105 = arith.constant 0 : i32
    %dma_start3A_106 = arith.constant 0 : i32
    %dma_start3A_107 = tpu.memref_slice %arg16[%dma_start3A_105, %dma_start3A_106] : memref<10240x128xf32, #tpu.memory_space<vmem_shared>> -> memref<10240x128xf32, #tpu.memory_space<vmem_shared>>
    tpu.enqueue_indirect_dma source(%arg15 : memref<128x128xf32, #tpu.memory_space<vmem>>) target(%dma_start3A_107 : memref<10240x128xf32, #tpu.memory_space<vmem_shared>>) offsets(%arg11 : memref<128xi32, #tpu.memory_space<vmem>>) semaphore(%arg21 : memref<!tpu.dma_semaphore, #tpu.memory_space<semaphore_mem>>) {add = true}
    %dma_wait3A_108 = arith.constant 0 : i32
    %dma_wait3A_109 = tpu.memref_slice %arg3[%dma_wait3A_108] : memref<327680xi32, #tpu.memory_space<hbm>> -> memref<128xi32, #tpu.memory_space<hbm>>
    %dma_wait3A_110 = arith.constant 0 : i32
    %dma_wait3A_111 = tpu.memref_slice %arg3[%dma_wait3A_110] : memref<327680xi32, #tpu.memory_space<hbm>> -> memref<128xi32, #tpu.memory_space<hbm>>
    tpu.wait_dma2 semaphore(%arg17 : memref<!tpu.dma_semaphore, #tpu.memory_space<semaphore_mem>>) src(%dma_wait3A_111 : memref<128xi32, #tpu.memory_space<hbm>>) dst(%arg6 : memref<128xi32, #tpu.memory_space<vmem>>)
    %dma_wait3A_112 = arith.constant 0 : i32
    %dma_wait3A_113 = tpu.memref_slice %arg4[%dma_wait3A_112] : memref<327680xi32, #tpu.memory_space<hbm>> -> memref<128xi32, #tpu.memory_space<hbm>>
    %dma_wait3A_114 = arith.constant 0 : i32
    %dma_wait3A_115 = tpu.memref_slice %arg4[%dma_wait3A_114] : memref<327680xi32, #tpu.memory_space<hbm>> -> memref<128xi32, #tpu.memory_space<hbm>>
    tpu.wait_dma2 semaphore(%arg17 : memref<!tpu.dma_semaphore, #tpu.memory_space<semaphore_mem>>) src(%dma_wait3A_115 : memref<128xi32, #tpu.memory_space<hbm>>) dst(%arg10 : memref<128xi32, #tpu.memory_space<vmem>>)
    %dma_wait3A_116 = arith.constant 0 : i32
    %dma_wait3A_117 = arith.constant 0 : i32
    %dma_wait3A_118 = tpu.memref_slice %arg16[%dma_wait3A_116, %dma_wait3A_117] : memref<10240x128xf32, #tpu.memory_space<vmem_shared>> -> memref<10240x128xf32, #tpu.memory_space<vmem_shared>>
    tpu.wait_indirect_dma semaphore(%arg21 : memref<!tpu.dma_semaphore, #tpu.memory_space<semaphore_mem>>) src(%arg15 : memref<128x128xf32, #tpu.memory_space<vmem>>) dst(%dma_wait3A_118 : memref<10240x128xf32, #tpu.memory_space<vmem_shared>>)
    %dma_start3A_119 = arith.constant 0 : i32
    %dma_start3A_120 = arith.constant 0 : i32
    %dma_start3A_121 = tpu.memref_slice %arg2[%dma_start3A_119, %dma_start3A_120] : memref<10000x128xf32, #tpu.memory_space<hbm>> -> memref<10000x128xf32, #tpu.memory_space<hbm>>
    tpu.enqueue_indirect_dma source(%dma_start3A_121 : memref<10000x128xf32, #tpu.memory_space<hbm>>) target(%arg15 : memref<128x128xf32, #tpu.memory_space<vmem>>) offsets(%arg9 : memref<128xi32, #tpu.memory_space<vmem>>) semaphore(%arg19 : memref<!tpu.dma_semaphore, #tpu.memory_space<semaphore_mem>>)
    %min3A_122 = arith.constant 5 : i32
    %min3A_123 = arith.constant 79 : i32
    %min3A_124 = arith.minsi %min3A_122, %min3A_123 : i32
    %add3A_125 = arith.addi %mul3A_2, %min3A_124 : i32
    %mul3A_126 = arith.constant 128 : i32
    %mul3A_127 = arith.muli %add3A_125, %mul3A_126 : i32
    %dma_start3A_128 = tpu.memref_slice %arg3[%mul3A_127] : memref<327680xi32, #tpu.memory_space<hbm>> -> memref<128xi32, #tpu.memory_space<hbm>>
    %dma_start3A_129 = tpu.memref_slice %arg3[%mul3A_127] : memref<327680xi32, #tpu.memory_space<hbm>> -> memref<128xi32, #tpu.memory_space<hbm>>
    tpu.enqueue_dma source(%dma_start3A_129 : memref<128xi32, #tpu.memory_space<hbm>>) target(%arg7 : memref<128xi32, #tpu.memory_space<vmem>>) target_semaphore(%arg17 : memref<!tpu.dma_semaphore, #tpu.memory_space<semaphore_mem>>)
    %dma_start3A_130 = tpu.memref_slice %arg4[%mul3A_127] : memref<327680xi32, #tpu.memory_space<hbm>> -> memref<128xi32, #tpu.memory_space<hbm>>
    %dma_start3A_131 = tpu.memref_slice %arg4[%mul3A_127] : memref<327680xi32, #tpu.memory_space<hbm>> -> memref<128xi32, #tpu.memory_space<hbm>>
    tpu.enqueue_dma source(%dma_start3A_131 : memref<128xi32, #tpu.memory_space<hbm>>) target(%arg11 : memref<128xi32, #tpu.memory_space<vmem>>) target_semaphore(%arg17 : memref<!tpu.dma_semaphore, #tpu.memory_space<semaphore_mem>>)
    %dma_wait3A_132 = arith.constant 0 : i32
    %dma_wait3A_133 = arith.constant 0 : i32
    %dma_wait3A_134 = tpu.memref_slice %arg2[%dma_wait3A_132, %dma_wait3A_133] : memref<10000x128xf32, #tpu.memory_space<hbm>> -> memref<10000x128xf32, #tpu.memory_space<hbm>>
    tpu.wait_indirect_dma semaphore(%arg18 : memref<!tpu.dma_semaphore, #tpu.memory_space<semaphore_mem>>) src(%dma_wait3A_134 : memref<10000x128xf32, #tpu.memory_space<hbm>>) dst(%arg14 : memref<128x128xf32, #tpu.memory_space<vmem>>)
    %dma_start3A_135 = arith.constant 0 : i32
    %dma_start3A_136 = arith.constant 0 : i32
    %dma_start3A_137 = tpu.memref_slice %arg16[%dma_start3A_135, %dma_start3A_136] : memref<10240x128xf32, #tpu.memory_space<vmem_shared>> -> memref<10240x128xf32, #tpu.memory_space<vmem_shared>>
    tpu.enqueue_indirect_dma source(%arg14 : memref<128x128xf32, #tpu.memory_space<vmem>>) target(%dma_start3A_137 : memref<10240x128xf32, #tpu.memory_space<vmem_shared>>) offsets(%arg12 : memref<128xi32, #tpu.memory_space<vmem>>) semaphore(%arg20 : memref<!tpu.dma_semaphore, #tpu.memory_space<semaphore_mem>>) {add = true}
    %jit3A_138 = arith.constant 4 : i32
    %div3A = arith.divsi %min3A, %jit3A_138 : i32
    %sign3A = arith.constant 0 : i32
    %sign3A_139 = arith.cmpi sgt, %min3A, %sign3A : i32
    %sign3A_140 = arith.extui %sign3A_139 : i1 to i32
    %sign3A_141 = arith.constant 0 : i32
    %sign3A_142 = arith.cmpi slt, %min3A, %sign3A_141 : i32
    %sign3A_143 = arith.extui %sign3A_142 : i1 to i32
    %sign3A_144 = arith.subi %sign3A_140, %sign3A_143 : i32
    %sign3A_145 = arith.constant 0 : i32
    %sign3A_146 = arith.cmpi sgt, %jit3A_138, %sign3A_145 : i32
    %sign3A_147 = arith.extui %sign3A_146 : i1 to i32
    %sign3A_148 = arith.constant 0 : i32
    %sign3A_149 = arith.cmpi slt, %jit3A_138, %sign3A_148 : i32
    %sign3A_150 = arith.extui %sign3A_149 : i1 to i32
    %sign3A_151 = arith.subi %sign3A_147, %sign3A_150 : i32
    %ne3A = arith.cmpi ne, %sign3A_144, %sign3A_151 : i32
    %rem3A = arith.remsi %min3A, %jit3A_138 : i32
    %ne3A_152 = arith.constant 0 : i32
    %ne3A_153 = arith.cmpi ne, %rem3A, %ne3A_152 : i32
    %and3A = arith.andi %ne3A, %ne3A_153 : i1
    %sub3A_154 = arith.constant 1 : i32
    %sub3A_155 = arith.subi %div3A, %sub3A_154 : i32
    %select_n3A = arith.select %and3A, %sub3A_155, %div3A : i32
    %while3A = arith.constant 0 : i32
    %while3A_156 = arith.constant 1 : i32
    %while3A_157 = arith.subi %select_n3A, %while3A_156 : i32
    %while3A_158 = arith.addi %while3A_156, %while3A_157 : i32
    %while3A_159 = arith.constant 1 : i32
    %while3A_160 = arith.divsi %while3A_157, %while3A_159 : i32
    %while3A_161 = arith.muli %while3A_160, %while3A_159 : i32
    %while3A_162 = arith.addi %while3A_156, %while3A_161 : i32
    %while3A_163 = arith.constant 1 : i32
    scf.for %while3A_200 = %while3A_156 to %while3A_162 step %while3A_163  : i32 {
      %mul3A_201 = arith.constant 4 : i32
      %mul3A_202 = arith.muli %mul3A_201, %while3A_200 : i32
      %add3A_203 = arith.constant 0 : i32
      %add3A_204 = arith.addi %mul3A_202, %add3A_203 : i32
      %dma_wait3A_205 = arith.constant 0 : i32
      %dma_wait3A_206 = tpu.memref_slice %arg3[%dma_wait3A_205] : memref<327680xi32, #tpu.memory_space<hbm>> -> memref<128xi32, #tpu.memory_space<hbm>>
      %dma_wait3A_207 = arith.constant 0 : i32
      %dma_wait3A_208 = tpu.memref_slice %arg3[%dma_wait3A_207] : memref<327680xi32, #tpu.memory_space<hbm>> -> memref<128xi32, #tpu.memory_space<hbm>>
      tpu.wait_dma2 semaphore(%arg17 : memref<!tpu.dma_semaphore, #tpu.memory_space<semaphore_mem>>) src(%dma_wait3A_208 : memref<128xi32, #tpu.memory_space<hbm>>) dst(%arg6 : memref<128xi32, #tpu.memory_space<vmem>>)
      %dma_wait3A_209 = arith.constant 0 : i32
      %dma_wait3A_210 = tpu.memref_slice %arg4[%dma_wait3A_209] : memref<327680xi32, #tpu.memory_space<hbm>> -> memref<128xi32, #tpu.memory_space<hbm>>
      %dma_wait3A_211 = arith.constant 0 : i32
      %dma_wait3A_212 = tpu.memref_slice %arg4[%dma_wait3A_211] : memref<327680xi32, #tpu.memory_space<hbm>> -> memref<128xi32, #tpu.memory_space<hbm>>
      tpu.wait_dma2 semaphore(%arg17 : memref<!tpu.dma_semaphore, #tpu.memory_space<semaphore_mem>>) src(%dma_wait3A_212 : memref<128xi32, #tpu.memory_space<hbm>>) dst(%arg10 : memref<128xi32, #tpu.memory_space<vmem>>)
      %dma_wait3A_213 = arith.constant 0 : i32
      %dma_wait3A_214 = arith.constant 0 : i32
      %dma_wait3A_215 = tpu.memref_slice %arg16[%dma_wait3A_213, %dma_wait3A_214] : memref<10240x128xf32, #tpu.memory_space<vmem_shared>> -> memref<10240x128xf32, #tpu.memory_space<vmem_shared>>
      tpu.wait_indirect_dma semaphore(%arg20 : memref<!tpu.dma_semaphore, #tpu.memory_space<semaphore_mem>>) src(%arg14 : memref<128x128xf32, #tpu.memory_space<vmem>>) dst(%dma_wait3A_215 : memref<10240x128xf32, #tpu.memory_space<vmem_shared>>)
      %dma_start3A_216 = arith.constant 0 : i32
      %dma_start3A_217 = arith.constant 0 : i32
      %dma_start3A_218 = tpu.memref_slice %arg2[%dma_start3A_216, %dma_start3A_217] : memref<10000x128xf32, #tpu.memory_space<hbm>> -> memref<10000x128xf32, #tpu.memory_space<hbm>>
      tpu.enqueue_indirect_dma source(%dma_start3A_218 : memref<10000x128xf32, #tpu.memory_space<hbm>>) target(%arg14 : memref<128x128xf32, #tpu.memory_space<vmem>>) offsets(%arg6 : memref<128xi32, #tpu.memory_space<vmem>>) semaphore(%arg18 : memref<!tpu.dma_semaphore, #tpu.memory_space<semaphore_mem>>)
      %add3A_219 = arith.constant 2 : i32
      %add3A_220 = arith.addi %add3A_204, %add3A_219 : i32
      %min3A_221 = arith.constant 79 : i32
      %min3A_222 = arith.minsi %add3A_220, %min3A_221 : i32
      %add3A_223 = arith.addi %mul3A_2, %min3A_222 : i32
      %mul3A_224 = arith.constant 128 : i32
      %mul3A_225 = arith.muli %add3A_223, %mul3A_224 : i32
      %dma_start3A_226 = tpu.memref_slice %arg3[%mul3A_225] : memref<327680xi32, #tpu.memory_space<hbm>> -> memref<128xi32, #tpu.memory_space<hbm>>
      %dma_start3A_227 = tpu.memref_slice %arg3[%mul3A_225] : memref<327680xi32, #tpu.memory_space<hbm>> -> memref<128xi32, #tpu.memory_space<hbm>>
      tpu.enqueue_dma source(%dma_start3A_227 : memref<128xi32, #tpu.memory_space<hbm>>) target(%arg8 : memref<128xi32, #tpu.memory_space<vmem>>) target_semaphore(%arg17 : memref<!tpu.dma_semaphore, #tpu.memory_space<semaphore_mem>>)
      %dma_start3A_228 = tpu.memref_slice %arg4[%mul3A_225] : memref<327680xi32, #tpu.memory_space<hbm>> -> memref<128xi32, #tpu.memory_space<hbm>>
      %dma_start3A_229 = tpu.memref_slice %arg4[%mul3A_225] : memref<327680xi32, #tpu.memory_space<hbm>> -> memref<128xi32, #tpu.memory_space<hbm>>
      tpu.enqueue_dma source(%dma_start3A_229 : memref<128xi32, #tpu.memory_space<hbm>>) target(%arg12 : memref<128xi32, #tpu.memory_space<vmem>>) target_semaphore(%arg17 : memref<!tpu.dma_semaphore, #tpu.memory_space<semaphore_mem>>)
      %dma_wait3A_230 = arith.constant 0 : i32
      %dma_wait3A_231 = arith.constant 0 : i32
      %dma_wait3A_232 = tpu.memref_slice %arg2[%dma_wait3A_230, %dma_wait3A_231] : memref<10000x128xf32, #tpu.memory_space<hbm>> -> memref<10000x128xf32, #tpu.memory_space<hbm>>
      tpu.wait_indirect_dma semaphore(%arg19 : memref<!tpu.dma_semaphore, #tpu.memory_space<semaphore_mem>>) src(%dma_wait3A_232 : memref<10000x128xf32, #tpu.memory_space<hbm>>) dst(%arg15 : memref<128x128xf32, #tpu.memory_space<vmem>>)
      %dma_start3A_233 = arith.constant 0 : i32
      %dma_start3A_234 = arith.constant 0 : i32
      %dma_start3A_235 = tpu.memref_slice %arg16[%dma_start3A_233, %dma_start3A_234] : memref<10240x128xf32, #tpu.memory_space<vmem_shared>> -> memref<10240x128xf32, #tpu.memory_space<vmem_shared>>
      tpu.enqueue_indirect_dma source(%arg15 : memref<128x128xf32, #tpu.memory_space<vmem>>) target(%dma_start3A_235 : memref<10240x128xf32, #tpu.memory_space<vmem_shared>>) offsets(%arg13 : memref<128xi32, #tpu.memory_space<vmem>>) semaphore(%arg21 : memref<!tpu.dma_semaphore, #tpu.memory_space<semaphore_mem>>) {add = true}
      %mul3A_236 = arith.constant 4 : i32
      %mul3A_237 = arith.muli %mul3A_236, %while3A_200 : i32
      %add3A_238 = arith.constant 1 : i32
      %add3A_239 = arith.addi %mul3A_237, %add3A_238 : i32
      %dma_wait3A_240 = arith.constant 0 : i32
      %dma_wait3A_241 = tpu.memref_slice %arg3[%dma_wait3A_240] : memref<327680xi32, #tpu.memory_space<hbm>> -> memref<128xi32, #tpu.memory_space<hbm>>
      %dma_wait3A_242 = arith.constant 0 : i32
      %dma_wait3A_243 = tpu.memref_slice %arg3[%dma_wait3A_242] : memref<327680xi32, #tpu.memory_space<hbm>> -> memref<128xi32, #tpu.memory_space<hbm>>
      tpu.wait_dma2 semaphore(%arg17 : memref<!tpu.dma_semaphore, #tpu.memory_space<semaphore_mem>>) src(%dma_wait3A_243 : memref<128xi32, #tpu.memory_space<hbm>>) dst(%arg6 : memref<128xi32, #tpu.memory_space<vmem>>)
      %dma_wait3A_244 = arith.constant 0 : i32
      %dma_wait3A_245 = tpu.memref_slice %arg4[%dma_wait3A_244] : memref<327680xi32, #tpu.memory_space<hbm>> -> memref<128xi32, #tpu.memory_space<hbm>>
      %dma_wait3A_246 = arith.constant 0 : i32
      %dma_wait3A_247 = tpu.memref_slice %arg4[%dma_wait3A_246] : memref<327680xi32, #tpu.memory_space<hbm>> -> memref<128xi32, #tpu.memory_space<hbm>>
      tpu.wait_dma2 semaphore(%arg17 : memref<!tpu.dma_semaphore, #tpu.memory_space<semaphore_mem>>) src(%dma_wait3A_247 : memref<128xi32, #tpu.memory_space<hbm>>) dst(%arg10 : memref<128xi32, #tpu.memory_space<vmem>>)
      %dma_wait3A_248 = arith.constant 0 : i32
      %dma_wait3A_249 = arith.constant 0 : i32
      %dma_wait3A_250 = tpu.memref_slice %arg16[%dma_wait3A_248, %dma_wait3A_249] : memref<10240x128xf32, #tpu.memory_space<vmem_shared>> -> memref<10240x128xf32, #tpu.memory_space<vmem_shared>>
      tpu.wait_indirect_dma semaphore(%arg21 : memref<!tpu.dma_semaphore, #tpu.memory_space<semaphore_mem>>) src(%arg15 : memref<128x128xf32, #tpu.memory_space<vmem>>) dst(%dma_wait3A_250 : memref<10240x128xf32, #tpu.memory_space<vmem_shared>>)
      %dma_start3A_251 = arith.constant 0 : i32
      %dma_start3A_252 = arith.constant 0 : i32
      %dma_start3A_253 = tpu.memref_slice %arg2[%dma_start3A_251, %dma_start3A_252] : memref<10000x128xf32, #tpu.memory_space<hbm>> -> memref<10000x128xf32, #tpu.memory_space<hbm>>
      tpu.enqueue_indirect_dma source(%dma_start3A_253 : memref<10000x128xf32, #tpu.memory_space<hbm>>) target(%arg15 : memref<128x128xf32, #tpu.memory_space<vmem>>) offsets(%arg7 : memref<128xi32, #tpu.memory_space<vmem>>) semaphore(%arg19 : memref<!tpu.dma_semaphore, #tpu.memory_space<semaphore_mem>>)
      %add3A_254 = arith.constant 2 : i32
      %add3A_255 = arith.addi %add3A_239, %add3A_254 : i32
      %min3A_256 = arith.constant 79 : i32
      %min3A_257 = arith.minsi %add3A_255, %min3A_256 : i32
      %add3A_258 = arith.addi %mul3A_2, %min3A_257 : i32
      %mul3A_259 = arith.constant 128 : i32
      %mul3A_260 = arith.muli %add3A_258, %mul3A_259 : i32
      %dma_start3A_261 = tpu.memref_slice %arg3[%mul3A_260] : memref<327680xi32, #tpu.memory_space<hbm>> -> memref<128xi32, #tpu.memory_space<hbm>>
      %dma_start3A_262 = tpu.memref_slice %arg3[%mul3A_260] : memref<327680xi32, #tpu.memory_space<hbm>> -> memref<128xi32, #tpu.memory_space<hbm>>
      tpu.enqueue_dma source(%dma_start3A_262 : memref<128xi32, #tpu.memory_space<hbm>>) target(%arg9 : memref<128xi32, #tpu.memory_space<vmem>>) target_semaphore(%arg17 : memref<!tpu.dma_semaphore, #tpu.memory_space<semaphore_mem>>)
      %dma_start3A_263 = tpu.memref_slice %arg4[%mul3A_260] : memref<327680xi32, #tpu.memory_space<hbm>> -> memref<128xi32, #tpu.memory_space<hbm>>
      %dma_start3A_264 = tpu.memref_slice %arg4[%mul3A_260] : memref<327680xi32, #tpu.memory_space<hbm>> -> memref<128xi32, #tpu.memory_space<hbm>>
      tpu.enqueue_dma source(%dma_start3A_264 : memref<128xi32, #tpu.memory_space<hbm>>) target(%arg13 : memref<128xi32, #tpu.memory_space<vmem>>) target_semaphore(%arg17 : memref<!tpu.dma_semaphore, #tpu.memory_space<semaphore_mem>>)
      %dma_wait3A_265 = arith.constant 0 : i32
      %dma_wait3A_266 = arith.constant 0 : i32
      %dma_wait3A_267 = tpu.memref_slice %arg2[%dma_wait3A_265, %dma_wait3A_266] : memref<10000x128xf32, #tpu.memory_space<hbm>> -> memref<10000x128xf32, #tpu.memory_space<hbm>>
      tpu.wait_indirect_dma semaphore(%arg18 : memref<!tpu.dma_semaphore, #tpu.memory_space<semaphore_mem>>) src(%dma_wait3A_267 : memref<10000x128xf32, #tpu.memory_space<hbm>>) dst(%arg14 : memref<128x128xf32, #tpu.memory_space<vmem>>)
      %dma_start3A_268 = arith.constant 0 : i32
      %dma_start3A_269 = arith.constant 0 : i32
      %dma_start3A_270 = tpu.memref_slice %arg16[%dma_start3A_268, %dma_start3A_269] : memref<10240x128xf32, #tpu.memory_space<vmem_shared>> -> memref<10240x128xf32, #tpu.memory_space<vmem_shared>>
      tpu.enqueue_indirect_dma source(%arg14 : memref<128x128xf32, #tpu.memory_space<vmem>>) target(%dma_start3A_270 : memref<10240x128xf32, #tpu.memory_space<vmem_shared>>) offsets(%arg10 : memref<128xi32, #tpu.memory_space<vmem>>) semaphore(%arg20 : memref<!tpu.dma_semaphore, #tpu.memory_space<semaphore_mem>>) {add = true}
      %mul3A_271 = arith.constant 4 : i32
      %mul3A_272 = arith.muli %mul3A_271, %while3A_200 : i32
      %add3A_273 = arith.constant 2 : i32
      %add3A_274 = arith.addi %mul3A_272, %add3A_273 : i32
      %dma_wait3A_275 = arith.constant 0 : i32
      %dma_wait3A_276 = tpu.memref_slice %arg3[%dma_wait3A_275] : memref<327680xi32, #tpu.memory_space<hbm>> -> memref<128xi32, #tpu.memory_space<hbm>>
      %dma_wait3A_277 = arith.constant 0 : i32
      %dma_wait3A_278 = tpu.memref_slice %arg3[%dma_wait3A_277] : memref<327680xi32, #tpu.memory_space<hbm>> -> memref<128xi32, #tpu.memory_space<hbm>>
      tpu.wait_dma2 semaphore(%arg17 : memref<!tpu.dma_semaphore, #tpu.memory_space<semaphore_mem>>) src(%dma_wait3A_278 : memref<128xi32, #tpu.memory_space<hbm>>) dst(%arg6 : memref<128xi32, #tpu.memory_space<vmem>>)
      %dma_wait3A_279 = arith.constant 0 : i32
      %dma_wait3A_280 = tpu.memref_slice %arg4[%dma_wait3A_279] : memref<327680xi32, #tpu.memory_space<hbm>> -> memref<128xi32, #tpu.memory_space<hbm>>
      %dma_wait3A_281 = arith.constant 0 : i32
      %dma_wait3A_282 = tpu.memref_slice %arg4[%dma_wait3A_281] : memref<327680xi32, #tpu.memory_space<hbm>> -> memref<128xi32, #tpu.memory_space<hbm>>
      tpu.wait_dma2 semaphore(%arg17 : memref<!tpu.dma_semaphore, #tpu.memory_space<semaphore_mem>>) src(%dma_wait3A_282 : memref<128xi32, #tpu.memory_space<hbm>>) dst(%arg10 : memref<128xi32, #tpu.memory_space<vmem>>)
      %dma_wait3A_283 = arith.constant 0 : i32
      %dma_wait3A_284 = arith.constant 0 : i32
      %dma_wait3A_285 = tpu.memref_slice %arg16[%dma_wait3A_283, %dma_wait3A_284] : memref<10240x128xf32, #tpu.memory_space<vmem_shared>> -> memref<10240x128xf32, #tpu.memory_space<vmem_shared>>
      tpu.wait_indirect_dma semaphore(%arg20 : memref<!tpu.dma_semaphore, #tpu.memory_space<semaphore_mem>>) src(%arg14 : memref<128x128xf32, #tpu.memory_space<vmem>>) dst(%dma_wait3A_285 : memref<10240x128xf32, #tpu.memory_space<vmem_shared>>)
      %dma_start3A_286 = arith.constant 0 : i32
      %dma_start3A_287 = arith.constant 0 : i32
      %dma_start3A_288 = tpu.memref_slice %arg2[%dma_start3A_286, %dma_start3A_287] : memref<10000x128xf32, #tpu.memory_space<hbm>> -> memref<10000x128xf32, #tpu.memory_space<hbm>>
      tpu.enqueue_indirect_dma source(%dma_start3A_288 : memref<10000x128xf32, #tpu.memory_space<hbm>>) target(%arg14 : memref<128x128xf32, #tpu.memory_space<vmem>>) offsets(%arg8 : memref<128xi32, #tpu.memory_space<vmem>>) semaphore(%arg18 : memref<!tpu.dma_semaphore, #tpu.memory_space<semaphore_mem>>)
      %add3A_289 = arith.constant 2 : i32
      %add3A_290 = arith.addi %add3A_274, %add3A_289 : i32
      %min3A_291 = arith.constant 79 : i32
      %min3A_292 = arith.minsi %add3A_290, %min3A_291 : i32
      %add3A_293 = arith.addi %mul3A_2, %min3A_292 : i32
      %mul3A_294 = arith.constant 128 : i32
      %mul3A_295 = arith.muli %add3A_293, %mul3A_294 : i32
      %dma_start3A_296 = tpu.memref_slice %arg3[%mul3A_295] : memref<327680xi32, #tpu.memory_space<hbm>> -> memref<128xi32, #tpu.memory_space<hbm>>
      %dma_start3A_297 = tpu.memref_slice %arg3[%mul3A_295] : memref<327680xi32, #tpu.memory_space<hbm>> -> memref<128xi32, #tpu.memory_space<hbm>>
      tpu.enqueue_dma source(%dma_start3A_297 : memref<128xi32, #tpu.memory_space<hbm>>) target(%arg6 : memref<128xi32, #tpu.memory_space<vmem>>) target_semaphore(%arg17 : memref<!tpu.dma_semaphore, #tpu.memory_space<semaphore_mem>>)
      %dma_start3A_298 = tpu.memref_slice %arg4[%mul3A_295] : memref<327680xi32, #tpu.memory_space<hbm>> -> memref<128xi32, #tpu.memory_space<hbm>>
      %dma_start3A_299 = tpu.memref_slice %arg4[%mul3A_295] : memref<327680xi32, #tpu.memory_space<hbm>> -> memref<128xi32, #tpu.memory_space<hbm>>
      tpu.enqueue_dma source(%dma_start3A_299 : memref<128xi32, #tpu.memory_space<hbm>>) target(%arg10 : memref<128xi32, #tpu.memory_space<vmem>>) target_semaphore(%arg17 : memref<!tpu.dma_semaphore, #tpu.memory_space<semaphore_mem>>)
      %dma_wait3A_300 = arith.constant 0 : i32
      %dma_wait3A_301 = arith.constant 0 : i32
      %dma_wait3A_302 = tpu.memref_slice %arg2[%dma_wait3A_300, %dma_wait3A_301] : memref<10000x128xf32, #tpu.memory_space<hbm>> -> memref<10000x128xf32, #tpu.memory_space<hbm>>
      tpu.wait_indirect_dma semaphore(%arg19 : memref<!tpu.dma_semaphore, #tpu.memory_space<semaphore_mem>>) src(%dma_wait3A_302 : memref<10000x128xf32, #tpu.memory_space<hbm>>) dst(%arg15 : memref<128x128xf32, #tpu.memory_space<vmem>>)
      %dma_start3A_303 = arith.constant 0 : i32
      %dma_start3A_304 = arith.constant 0 : i32
      %dma_start3A_305 = tpu.memref_slice %arg16[%dma_start3A_303, %dma_start3A_304] : memref<10240x128xf32, #tpu.memory_space<vmem_shared>> -> memref<10240x128xf32, #tpu.memory_space<vmem_shared>>
      tpu.enqueue_indirect_dma source(%arg15 : memref<128x128xf32, #tpu.memory_space<vmem>>) target(%dma_start3A_305 : memref<10240x128xf32, #tpu.memory_space<vmem_shared>>) offsets(%arg11 : memref<128xi32, #tpu.memory_space<vmem>>) semaphore(%arg21 : memref<!tpu.dma_semaphore, #tpu.memory_space<semaphore_mem>>) {add = true}
      %mul3A_306 = arith.constant 4 : i32
      %mul3A_307 = arith.muli %mul3A_306, %while3A_200 : i32
      %add3A_308 = arith.constant 3 : i32
      %add3A_309 = arith.addi %mul3A_307, %add3A_308 : i32
      %dma_wait3A_310 = arith.constant 0 : i32
      %dma_wait3A_311 = tpu.memref_slice %arg3[%dma_wait3A_310] : memref<327680xi32, #tpu.memory_space<hbm>> -> memref<128xi32, #tpu.memory_space<hbm>>
      %dma_wait3A_312 = arith.constant 0 : i32
      %dma_wait3A_313 = tpu.memref_slice %arg3[%dma_wait3A_312] : memref<327680xi32, #tpu.memory_space<hbm>> -> memref<128xi32, #tpu.memory_space<hbm>>
      tpu.wait_dma2 semaphore(%arg17 : memref<!tpu.dma_semaphore, #tpu.memory_space<semaphore_mem>>) src(%dma_wait3A_313 : memref<128xi32, #tpu.memory_space<hbm>>) dst(%arg6 : memref<128xi32, #tpu.memory_space<vmem>>)
      %dma_wait3A_314 = arith.constant 0 : i32
      %dma_wait3A_315 = tpu.memref_slice %arg4[%dma_wait3A_314] : memref<327680xi32, #tpu.memory_space<hbm>> -> memref<128xi32, #tpu.memory_space<hbm>>
      %dma_wait3A_316 = arith.constant 0 : i32
      %dma_wait3A_317 = tpu.memref_slice %arg4[%dma_wait3A_316] : memref<327680xi32, #tpu.memory_space<hbm>> -> memref<128xi32, #tpu.memory_space<hbm>>
      tpu.wait_dma2 semaphore(%arg17 : memref<!tpu.dma_semaphore, #tpu.memory_space<semaphore_mem>>) src(%dma_wait3A_317 : memref<128xi32, #tpu.memory_space<hbm>>) dst(%arg10 : memref<128xi32, #tpu.memory_space<vmem>>)
      %dma_wait3A_318 = arith.constant 0 : i32
      %dma_wait3A_319 = arith.constant 0 : i32
      %dma_wait3A_320 = tpu.memref_slice %arg16[%dma_wait3A_318, %dma_wait3A_319] : memref<10240x128xf32, #tpu.memory_space<vmem_shared>> -> memref<10240x128xf32, #tpu.memory_space<vmem_shared>>
      tpu.wait_indirect_dma semaphore(%arg21 : memref<!tpu.dma_semaphore, #tpu.memory_space<semaphore_mem>>) src(%arg15 : memref<128x128xf32, #tpu.memory_space<vmem>>) dst(%dma_wait3A_320 : memref<10240x128xf32, #tpu.memory_space<vmem_shared>>)
      %dma_start3A_321 = arith.constant 0 : i32
      %dma_start3A_322 = arith.constant 0 : i32
      %dma_start3A_323 = tpu.memref_slice %arg2[%dma_start3A_321, %dma_start3A_322] : memref<10000x128xf32, #tpu.memory_space<hbm>> -> memref<10000x128xf32, #tpu.memory_space<hbm>>
      tpu.enqueue_indirect_dma source(%dma_start3A_323 : memref<10000x128xf32, #tpu.memory_space<hbm>>) target(%arg15 : memref<128x128xf32, #tpu.memory_space<vmem>>) offsets(%arg9 : memref<128xi32, #tpu.memory_space<vmem>>) semaphore(%arg19 : memref<!tpu.dma_semaphore, #tpu.memory_space<semaphore_mem>>)
      %add3A_324 = arith.constant 2 : i32
      %add3A_325 = arith.addi %add3A_309, %add3A_324 : i32
      %min3A_326 = arith.constant 79 : i32
      %min3A_327 = arith.minsi %add3A_325, %min3A_326 : i32
      %add3A_328 = arith.addi %mul3A_2, %min3A_327 : i32
      %mul3A_329 = arith.constant 128 : i32
      %mul3A_330 = arith.muli %add3A_328, %mul3A_329 : i32
      %dma_start3A_331 = tpu.memref_slice %arg3[%mul3A_330] : memref<327680xi32, #tpu.memory_space<hbm>> -> memref<128xi32, #tpu.memory_space<hbm>>
      %dma_start3A_332 = tpu.memref_slice %arg3[%mul3A_330] : memref<327680xi32, #tpu.memory_space<hbm>> -> memref<128xi32, #tpu.memory_space<hbm>>
      tpu.enqueue_dma source(%dma_start3A_332 : memref<128xi32, #tpu.memory_space<hbm>>) target(%arg7 : memref<128xi32, #tpu.memory_space<vmem>>) target_semaphore(%arg17 : memref<!tpu.dma_semaphore, #tpu.memory_space<semaphore_mem>>)
      %dma_start3A_333 = tpu.memref_slice %arg4[%mul3A_330] : memref<327680xi32, #tpu.memory_space<hbm>> -> memref<128xi32, #tpu.memory_space<hbm>>
      %dma_start3A_334 = tpu.memref_slice %arg4[%mul3A_330] : memref<327680xi32, #tpu.memory_space<hbm>> -> memref<128xi32, #tpu.memory_space<hbm>>
      tpu.enqueue_dma source(%dma_start3A_334 : memref<128xi32, #tpu.memory_space<hbm>>) target(%arg11 : memref<128xi32, #tpu.memory_space<vmem>>) target_semaphore(%arg17 : memref<!tpu.dma_semaphore, #tpu.memory_space<semaphore_mem>>)
      %dma_wait3A_335 = arith.constant 0 : i32
      %dma_wait3A_336 = arith.constant 0 : i32
      %dma_wait3A_337 = tpu.memref_slice %arg2[%dma_wait3A_335, %dma_wait3A_336] : memref<10000x128xf32, #tpu.memory_space<hbm>> -> memref<10000x128xf32, #tpu.memory_space<hbm>>
      tpu.wait_indirect_dma semaphore(%arg18 : memref<!tpu.dma_semaphore, #tpu.memory_space<semaphore_mem>>) src(%dma_wait3A_337 : memref<10000x128xf32, #tpu.memory_space<hbm>>) dst(%arg14 : memref<128x128xf32, #tpu.memory_space<vmem>>)
      %dma_start3A_338 = arith.constant 0 : i32
      %dma_start3A_339 = arith.constant 0 : i32
      %dma_start3A_340 = tpu.memref_slice %arg16[%dma_start3A_338, %dma_start3A_339] : memref<10240x128xf32, #tpu.memory_space<vmem_shared>> -> memref<10240x128xf32, #tpu.memory_space<vmem_shared>>
      tpu.enqueue_indirect_dma source(%arg14 : memref<128x128xf32, #tpu.memory_space<vmem>>) target(%dma_start3A_340 : memref<10240x128xf32, #tpu.memory_space<vmem_shared>>) offsets(%arg12 : memref<128xi32, #tpu.memory_space<vmem>>) semaphore(%arg20 : memref<!tpu.dma_semaphore, #tpu.memory_space<semaphore_mem>>) {add = true}
    }
    %while3A_164 = arith.constant 1 : i32
    scf.for %while3A_200 = %while3A_162 to %while3A_158 step %while3A_164  : i32 {
      %mul3A_201 = arith.constant 4 : i32
      %mul3A_202 = arith.muli %mul3A_201, %while3A_200 : i32
      %add3A_203 = arith.constant 0 : i32
      %add3A_204 = arith.addi %mul3A_202, %add3A_203 : i32
      %dma_wait3A_205 = arith.constant 0 : i32
      %dma_wait3A_206 = tpu.memref_slice %arg3[%dma_wait3A_205] : memref<327680xi32, #tpu.memory_space<hbm>> -> memref<128xi32, #tpu.memory_space<hbm>>
      %dma_wait3A_207 = arith.constant 0 : i32
      %dma_wait3A_208 = tpu.memref_slice %arg3[%dma_wait3A_207] : memref<327680xi32, #tpu.memory_space<hbm>> -> memref<128xi32, #tpu.memory_space<hbm>>
      tpu.wait_dma2 semaphore(%arg17 : memref<!tpu.dma_semaphore, #tpu.memory_space<semaphore_mem>>) src(%dma_wait3A_208 : memref<128xi32, #tpu.memory_space<hbm>>) dst(%arg6 : memref<128xi32, #tpu.memory_space<vmem>>)
      %dma_wait3A_209 = arith.constant 0 : i32
      %dma_wait3A_210 = tpu.memref_slice %arg4[%dma_wait3A_209] : memref<327680xi32, #tpu.memory_space<hbm>> -> memref<128xi32, #tpu.memory_space<hbm>>
      %dma_wait3A_211 = arith.constant 0 : i32
      %dma_wait3A_212 = tpu.memref_slice %arg4[%dma_wait3A_211] : memref<327680xi32, #tpu.memory_space<hbm>> -> memref<128xi32, #tpu.memory_space<hbm>>
      tpu.wait_dma2 semaphore(%arg17 : memref<!tpu.dma_semaphore, #tpu.memory_space<semaphore_mem>>) src(%dma_wait3A_212 : memref<128xi32, #tpu.memory_space<hbm>>) dst(%arg10 : memref<128xi32, #tpu.memory_space<vmem>>)
      %dma_wait3A_213 = arith.constant 0 : i32
      %dma_wait3A_214 = arith.constant 0 : i32
      %dma_wait3A_215 = tpu.memref_slice %arg16[%dma_wait3A_213, %dma_wait3A_214] : memref<10240x128xf32, #tpu.memory_space<vmem_shared>> -> memref<10240x128xf32, #tpu.memory_space<vmem_shared>>
      tpu.wait_indirect_dma semaphore(%arg20 : memref<!tpu.dma_semaphore, #tpu.memory_space<semaphore_mem>>) src(%arg14 : memref<128x128xf32, #tpu.memory_space<vmem>>) dst(%dma_wait3A_215 : memref<10240x128xf32, #tpu.memory_space<vmem_shared>>)
      %dma_start3A_216 = arith.constant 0 : i32
      %dma_start3A_217 = arith.constant 0 : i32
      %dma_start3A_218 = tpu.memref_slice %arg2[%dma_start3A_216, %dma_start3A_217] : memref<10000x128xf32, #tpu.memory_space<hbm>> -> memref<10000x128xf32, #tpu.memory_space<hbm>>
      tpu.enqueue_indirect_dma source(%dma_start3A_218 : memref<10000x128xf32, #tpu.memory_space<hbm>>) target(%arg14 : memref<128x128xf32, #tpu.memory_space<vmem>>) offsets(%arg6 : memref<128xi32, #tpu.memory_space<vmem>>) semaphore(%arg18 : memref<!tpu.dma_semaphore, #tpu.memory_space<semaphore_mem>>)
      %add3A_219 = arith.constant 2 : i32
      %add3A_220 = arith.addi %add3A_204, %add3A_219 : i32
      %min3A_221 = arith.constant 79 : i32
      %min3A_222 = arith.minsi %add3A_220, %min3A_221 : i32
      %add3A_223 = arith.addi %mul3A_2, %min3A_222 : i32
      %mul3A_224 = arith.constant 128 : i32
      %mul3A_225 = arith.muli %add3A_223, %mul3A_224 : i32
      %dma_start3A_226 = tpu.memref_slice %arg3[%mul3A_225] : memref<327680xi32, #tpu.memory_space<hbm>> -> memref<128xi32, #tpu.memory_space<hbm>>
      %dma_start3A_227 = tpu.memref_slice %arg3[%mul3A_225] : memref<327680xi32, #tpu.memory_space<hbm>> -> memref<128xi32, #tpu.memory_space<hbm>>
      tpu.enqueue_dma source(%dma_start3A_227 : memref<128xi32, #tpu.memory_space<hbm>>) target(%arg8 : memref<128xi32, #tpu.memory_space<vmem>>) target_semaphore(%arg17 : memref<!tpu.dma_semaphore, #tpu.memory_space<semaphore_mem>>)
      %dma_start3A_228 = tpu.memref_slice %arg4[%mul3A_225] : memref<327680xi32, #tpu.memory_space<hbm>> -> memref<128xi32, #tpu.memory_space<hbm>>
      %dma_start3A_229 = tpu.memref_slice %arg4[%mul3A_225] : memref<327680xi32, #tpu.memory_space<hbm>> -> memref<128xi32, #tpu.memory_space<hbm>>
      tpu.enqueue_dma source(%dma_start3A_229 : memref<128xi32, #tpu.memory_space<hbm>>) target(%arg12 : memref<128xi32, #tpu.memory_space<vmem>>) target_semaphore(%arg17 : memref<!tpu.dma_semaphore, #tpu.memory_space<semaphore_mem>>)
      %dma_wait3A_230 = arith.constant 0 : i32
      %dma_wait3A_231 = arith.constant 0 : i32
      %dma_wait3A_232 = tpu.memref_slice %arg2[%dma_wait3A_230, %dma_wait3A_231] : memref<10000x128xf32, #tpu.memory_space<hbm>> -> memref<10000x128xf32, #tpu.memory_space<hbm>>
      tpu.wait_indirect_dma semaphore(%arg19 : memref<!tpu.dma_semaphore, #tpu.memory_space<semaphore_mem>>) src(%dma_wait3A_232 : memref<10000x128xf32, #tpu.memory_space<hbm>>) dst(%arg15 : memref<128x128xf32, #tpu.memory_space<vmem>>)
      %dma_start3A_233 = arith.constant 0 : i32
      %dma_start3A_234 = arith.constant 0 : i32
      %dma_start3A_235 = tpu.memref_slice %arg16[%dma_start3A_233, %dma_start3A_234] : memref<10240x128xf32, #tpu.memory_space<vmem_shared>> -> memref<10240x128xf32, #tpu.memory_space<vmem_shared>>
      tpu.enqueue_indirect_dma source(%arg15 : memref<128x128xf32, #tpu.memory_space<vmem>>) target(%dma_start3A_235 : memref<10240x128xf32, #tpu.memory_space<vmem_shared>>) offsets(%arg13 : memref<128xi32, #tpu.memory_space<vmem>>) semaphore(%arg21 : memref<!tpu.dma_semaphore, #tpu.memory_space<semaphore_mem>>) {add = true}
      %mul3A_236 = arith.constant 4 : i32
      %mul3A_237 = arith.muli %mul3A_236, %while3A_200 : i32
      %add3A_238 = arith.constant 1 : i32
      %add3A_239 = arith.addi %mul3A_237, %add3A_238 : i32
      %dma_wait3A_240 = arith.constant 0 : i32
      %dma_wait3A_241 = tpu.memref_slice %arg3[%dma_wait3A_240] : memref<327680xi32, #tpu.memory_space<hbm>> -> memref<128xi32, #tpu.memory_space<hbm>>
      %dma_wait3A_242 = arith.constant 0 : i32
      %dma_wait3A_243 = tpu.memref_slice %arg3[%dma_wait3A_242] : memref<327680xi32, #tpu.memory_space<hbm>> -> memref<128xi32, #tpu.memory_space<hbm>>
      tpu.wait_dma2 semaphore(%arg17 : memref<!tpu.dma_semaphore, #tpu.memory_space<semaphore_mem>>) src(%dma_wait3A_243 : memref<128xi32, #tpu.memory_space<hbm>>) dst(%arg6 : memref<128xi32, #tpu.memory_space<vmem>>)
      %dma_wait3A_244 = arith.constant 0 : i32
      %dma_wait3A_245 = tpu.memref_slice %arg4[%dma_wait3A_244] : memref<327680xi32, #tpu.memory_space<hbm>> -> memref<128xi32, #tpu.memory_space<hbm>>
      %dma_wait3A_246 = arith.constant 0 : i32
      %dma_wait3A_247 = tpu.memref_slice %arg4[%dma_wait3A_246] : memref<327680xi32, #tpu.memory_space<hbm>> -> memref<128xi32, #tpu.memory_space<hbm>>
      tpu.wait_dma2 semaphore(%arg17 : memref<!tpu.dma_semaphore, #tpu.memory_space<semaphore_mem>>) src(%dma_wait3A_247 : memref<128xi32, #tpu.memory_space<hbm>>) dst(%arg10 : memref<128xi32, #tpu.memory_space<vmem>>)
      %dma_wait3A_248 = arith.constant 0 : i32
      %dma_wait3A_249 = arith.constant 0 : i32
      %dma_wait3A_250 = tpu.memref_slice %arg16[%dma_wait3A_248, %dma_wait3A_249] : memref<10240x128xf32, #tpu.memory_space<vmem_shared>> -> memref<10240x128xf32, #tpu.memory_space<vmem_shared>>
      tpu.wait_indirect_dma semaphore(%arg21 : memref<!tpu.dma_semaphore, #tpu.memory_space<semaphore_mem>>) src(%arg15 : memref<128x128xf32, #tpu.memory_space<vmem>>) dst(%dma_wait3A_250 : memref<10240x128xf32, #tpu.memory_space<vmem_shared>>)
      %dma_start3A_251 = arith.constant 0 : i32
      %dma_start3A_252 = arith.constant 0 : i32
      %dma_start3A_253 = tpu.memref_slice %arg2[%dma_start3A_251, %dma_start3A_252] : memref<10000x128xf32, #tpu.memory_space<hbm>> -> memref<10000x128xf32, #tpu.memory_space<hbm>>
      tpu.enqueue_indirect_dma source(%dma_start3A_253 : memref<10000x128xf32, #tpu.memory_space<hbm>>) target(%arg15 : memref<128x128xf32, #tpu.memory_space<vmem>>) offsets(%arg7 : memref<128xi32, #tpu.memory_space<vmem>>) semaphore(%arg19 : memref<!tpu.dma_semaphore, #tpu.memory_space<semaphore_mem>>)
      %add3A_254 = arith.constant 2 : i32
      %add3A_255 = arith.addi %add3A_239, %add3A_254 : i32
      %min3A_256 = arith.constant 79 : i32
      %min3A_257 = arith.minsi %add3A_255, %min3A_256 : i32
      %add3A_258 = arith.addi %mul3A_2, %min3A_257 : i32
      %mul3A_259 = arith.constant 128 : i32
      %mul3A_260 = arith.muli %add3A_258, %mul3A_259 : i32
      %dma_start3A_261 = tpu.memref_slice %arg3[%mul3A_260] : memref<327680xi32, #tpu.memory_space<hbm>> -> memref<128xi32, #tpu.memory_space<hbm>>
      %dma_start3A_262 = tpu.memref_slice %arg3[%mul3A_260] : memref<327680xi32, #tpu.memory_space<hbm>> -> memref<128xi32, #tpu.memory_space<hbm>>
      tpu.enqueue_dma source(%dma_start3A_262 : memref<128xi32, #tpu.memory_space<hbm>>) target(%arg9 : memref<128xi32, #tpu.memory_space<vmem>>) target_semaphore(%arg17 : memref<!tpu.dma_semaphore, #tpu.memory_space<semaphore_mem>>)
      %dma_start3A_263 = tpu.memref_slice %arg4[%mul3A_260] : memref<327680xi32, #tpu.memory_space<hbm>> -> memref<128xi32, #tpu.memory_space<hbm>>
      %dma_start3A_264 = tpu.memref_slice %arg4[%mul3A_260] : memref<327680xi32, #tpu.memory_space<hbm>> -> memref<128xi32, #tpu.memory_space<hbm>>
      tpu.enqueue_dma source(%dma_start3A_264 : memref<128xi32, #tpu.memory_space<hbm>>) target(%arg13 : memref<128xi32, #tpu.memory_space<vmem>>) target_semaphore(%arg17 : memref<!tpu.dma_semaphore, #tpu.memory_space<semaphore_mem>>)
      %dma_wait3A_265 = arith.constant 0 : i32
      %dma_wait3A_266 = arith.constant 0 : i32
      %dma_wait3A_267 = tpu.memref_slice %arg2[%dma_wait3A_265, %dma_wait3A_266] : memref<10000x128xf32, #tpu.memory_space<hbm>> -> memref<10000x128xf32, #tpu.memory_space<hbm>>
      tpu.wait_indirect_dma semaphore(%arg18 : memref<!tpu.dma_semaphore, #tpu.memory_space<semaphore_mem>>) src(%dma_wait3A_267 : memref<10000x128xf32, #tpu.memory_space<hbm>>) dst(%arg14 : memref<128x128xf32, #tpu.memory_space<vmem>>)
      %dma_start3A_268 = arith.constant 0 : i32
      %dma_start3A_269 = arith.constant 0 : i32
      %dma_start3A_270 = tpu.memref_slice %arg16[%dma_start3A_268, %dma_start3A_269] : memref<10240x128xf32, #tpu.memory_space<vmem_shared>> -> memref<10240x128xf32, #tpu.memory_space<vmem_shared>>
      tpu.enqueue_indirect_dma source(%arg14 : memref<128x128xf32, #tpu.memory_space<vmem>>) target(%dma_start3A_270 : memref<10240x128xf32, #tpu.memory_space<vmem_shared>>) offsets(%arg10 : memref<128xi32, #tpu.memory_space<vmem>>) semaphore(%arg20 : memref<!tpu.dma_semaphore, #tpu.memory_space<semaphore_mem>>) {add = true}
      %mul3A_271 = arith.constant 4 : i32
      %mul3A_272 = arith.muli %mul3A_271, %while3A_200 : i32
      %add3A_273 = arith.constant 2 : i32
      %add3A_274 = arith.addi %mul3A_272, %add3A_273 : i32
      %dma_wait3A_275 = arith.constant 0 : i32
      %dma_wait3A_276 = tpu.memref_slice %arg3[%dma_wait3A_275] : memref<327680xi32, #tpu.memory_space<hbm>> -> memref<128xi32, #tpu.memory_space<hbm>>
      %dma_wait3A_277 = arith.constant 0 : i32
      %dma_wait3A_278 = tpu.memref_slice %arg3[%dma_wait3A_277] : memref<327680xi32, #tpu.memory_space<hbm>> -> memref<128xi32, #tpu.memory_space<hbm>>
      tpu.wait_dma2 semaphore(%arg17 : memref<!tpu.dma_semaphore, #tpu.memory_space<semaphore_mem>>) src(%dma_wait3A_278 : memref<128xi32, #tpu.memory_space<hbm>>) dst(%arg6 : memref<128xi32, #tpu.memory_space<vmem>>)
      %dma_wait3A_279 = arith.constant 0 : i32
      %dma_wait3A_280 = tpu.memref_slice %arg4[%dma_wait3A_279] : memref<327680xi32, #tpu.memory_space<hbm>> -> memref<128xi32, #tpu.memory_space<hbm>>
      %dma_wait3A_281 = arith.constant 0 : i32
      %dma_wait3A_282 = tpu.memref_slice %arg4[%dma_wait3A_281] : memref<327680xi32, #tpu.memory_space<hbm>> -> memref<128xi32, #tpu.memory_space<hbm>>
      tpu.wait_dma2 semaphore(%arg17 : memref<!tpu.dma_semaphore, #tpu.memory_space<semaphore_mem>>) src(%dma_wait3A_282 : memref<128xi32, #tpu.memory_space<hbm>>) dst(%arg10 : memref<128xi32, #tpu.memory_space<vmem>>)
      %dma_wait3A_283 = arith.constant 0 : i32
      %dma_wait3A_284 = arith.constant 0 : i32
      %dma_wait3A_285 = tpu.memref_slice %arg16[%dma_wait3A_283, %dma_wait3A_284] : memref<10240x128xf32, #tpu.memory_space<vmem_shared>> -> memref<10240x128xf32, #tpu.memory_space<vmem_shared>>
      tpu.wait_indirect_dma semaphore(%arg20 : memref<!tpu.dma_semaphore, #tpu.memory_space<semaphore_mem>>) src(%arg14 : memref<128x128xf32, #tpu.memory_space<vmem>>) dst(%dma_wait3A_285 : memref<10240x128xf32, #tpu.memory_space<vmem_shared>>)
      %dma_start3A_286 = arith.constant 0 : i32
      %dma_start3A_287 = arith.constant 0 : i32
      %dma_start3A_288 = tpu.memref_slice %arg2[%dma_start3A_286, %dma_start3A_287] : memref<10000x128xf32, #tpu.memory_space<hbm>> -> memref<10000x128xf32, #tpu.memory_space<hbm>>
      tpu.enqueue_indirect_dma source(%dma_start3A_288 : memref<10000x128xf32, #tpu.memory_space<hbm>>) target(%arg14 : memref<128x128xf32, #tpu.memory_space<vmem>>) offsets(%arg8 : memref<128xi32, #tpu.memory_space<vmem>>) semaphore(%arg18 : memref<!tpu.dma_semaphore, #tpu.memory_space<semaphore_mem>>)
      %add3A_289 = arith.constant 2 : i32
      %add3A_290 = arith.addi %add3A_274, %add3A_289 : i32
      %min3A_291 = arith.constant 79 : i32
      %min3A_292 = arith.minsi %add3A_290, %min3A_291 : i32
      %add3A_293 = arith.addi %mul3A_2, %min3A_292 : i32
      %mul3A_294 = arith.constant 128 : i32
      %mul3A_295 = arith.muli %add3A_293, %mul3A_294 : i32
      %dma_start3A_296 = tpu.memref_slice %arg3[%mul3A_295] : memref<327680xi32, #tpu.memory_space<hbm>> -> memref<128xi32, #tpu.memory_space<hbm>>
      %dma_start3A_297 = tpu.memref_slice %arg3[%mul3A_295] : memref<327680xi32, #tpu.memory_space<hbm>> -> memref<128xi32, #tpu.memory_space<hbm>>
      tpu.enqueue_dma source(%dma_start3A_297 : memref<128xi32, #tpu.memory_space<hbm>>) target(%arg6 : memref<128xi32, #tpu.memory_space<vmem>>) target_semaphore(%arg17 : memref<!tpu.dma_semaphore, #tpu.memory_space<semaphore_mem>>)
      %dma_start3A_298 = tpu.memref_slice %arg4[%mul3A_295] : memref<327680xi32, #tpu.memory_space<hbm>> -> memref<128xi32, #tpu.memory_space<hbm>>
      %dma_start3A_299 = tpu.memref_slice %arg4[%mul3A_295] : memref<327680xi32, #tpu.memory_space<hbm>> -> memref<128xi32, #tpu.memory_space<hbm>>
      tpu.enqueue_dma source(%dma_start3A_299 : memref<128xi32, #tpu.memory_space<hbm>>) target(%arg10 : memref<128xi32, #tpu.memory_space<vmem>>) target_semaphore(%arg17 : memref<!tpu.dma_semaphore, #tpu.memory_space<semaphore_mem>>)
      %dma_wait3A_300 = arith.constant 0 : i32
      %dma_wait3A_301 = arith.constant 0 : i32
      %dma_wait3A_302 = tpu.memref_slice %arg2[%dma_wait3A_300, %dma_wait3A_301] : memref<10000x128xf32, #tpu.memory_space<hbm>> -> memref<10000x128xf32, #tpu.memory_space<hbm>>
      tpu.wait_indirect_dma semaphore(%arg19 : memref<!tpu.dma_semaphore, #tpu.memory_space<semaphore_mem>>) src(%dma_wait3A_302 : memref<10000x128xf32, #tpu.memory_space<hbm>>) dst(%arg15 : memref<128x128xf32, #tpu.memory_space<vmem>>)
      %dma_start3A_303 = arith.constant 0 : i32
      %dma_start3A_304 = arith.constant 0 : i32
      %dma_start3A_305 = tpu.memref_slice %arg16[%dma_start3A_303, %dma_start3A_304] : memref<10240x128xf32, #tpu.memory_space<vmem_shared>> -> memref<10240x128xf32, #tpu.memory_space<vmem_shared>>
      tpu.enqueue_indirect_dma source(%arg15 : memref<128x128xf32, #tpu.memory_space<vmem>>) target(%dma_start3A_305 : memref<10240x128xf32, #tpu.memory_space<vmem_shared>>) offsets(%arg11 : memref<128xi32, #tpu.memory_space<vmem>>) semaphore(%arg21 : memref<!tpu.dma_semaphore, #tpu.memory_space<semaphore_mem>>) {add = true}
      %mul3A_306 = arith.constant 4 : i32
      %mul3A_307 = arith.muli %mul3A_306, %while3A_200 : i32
      %add3A_308 = arith.constant 3 : i32
      %add3A_309 = arith.addi %mul3A_307, %add3A_308 : i32
      %dma_wait3A_310 = arith.constant 0 : i32
      %dma_wait3A_311 = tpu.memref_slice %arg3[%dma_wait3A_310] : memref<327680xi32, #tpu.memory_space<hbm>> -> memref<128xi32, #tpu.memory_space<hbm>>
      %dma_wait3A_312 = arith.constant 0 : i32
      %dma_wait3A_313 = tpu.memref_slice %arg3[%dma_wait3A_312] : memref<327680xi32, #tpu.memory_space<hbm>> -> memref<128xi32, #tpu.memory_space<hbm>>
      tpu.wait_dma2 semaphore(%arg17 : memref<!tpu.dma_semaphore, #tpu.memory_space<semaphore_mem>>) src(%dma_wait3A_313 : memref<128xi32, #tpu.memory_space<hbm>>) dst(%arg6 : memref<128xi32, #tpu.memory_space<vmem>>)
      %dma_wait3A_314 = arith.constant 0 : i32
      %dma_wait3A_315 = tpu.memref_slice %arg4[%dma_wait3A_314] : memref<327680xi32, #tpu.memory_space<hbm>> -> memref<128xi32, #tpu.memory_space<hbm>>
      %dma_wait3A_316 = arith.constant 0 : i32
      %dma_wait3A_317 = tpu.memref_slice %arg4[%dma_wait3A_316] : memref<327680xi32, #tpu.memory_space<hbm>> -> memref<128xi32, #tpu.memory_space<hbm>>
      tpu.wait_dma2 semaphore(%arg17 : memref<!tpu.dma_semaphore, #tpu.memory_space<semaphore_mem>>) src(%dma_wait3A_317 : memref<128xi32, #tpu.memory_space<hbm>>) dst(%arg10 : memref<128xi32, #tpu.memory_space<vmem>>)
      %dma_wait3A_318 = arith.constant 0 : i32
      %dma_wait3A_319 = arith.constant 0 : i32
      %dma_wait3A_320 = tpu.memref_slice %arg16[%dma_wait3A_318, %dma_wait3A_319] : memref<10240x128xf32, #tpu.memory_space<vmem_shared>> -> memref<10240x128xf32, #tpu.memory_space<vmem_shared>>
      tpu.wait_indirect_dma semaphore(%arg21 : memref<!tpu.dma_semaphore, #tpu.memory_space<semaphore_mem>>) src(%arg15 : memref<128x128xf32, #tpu.memory_space<vmem>>) dst(%dma_wait3A_320 : memref<10240x128xf32, #tpu.memory_space<vmem_shared>>)
      %dma_start3A_321 = arith.constant 0 : i32
      %dma_start3A_322 = arith.constant 0 : i32
      %dma_start3A_323 = tpu.memref_slice %arg2[%dma_start3A_321, %dma_start3A_322] : memref<10000x128xf32, #tpu.memory_space<hbm>> -> memref<10000x128xf32, #tpu.memory_space<hbm>>
      tpu.enqueue_indirect_dma source(%dma_start3A_323 : memref<10000x128xf32, #tpu.memory_space<hbm>>) target(%arg15 : memref<128x128xf32, #tpu.memory_space<vmem>>) offsets(%arg9 : memref<128xi32, #tpu.memory_space<vmem>>) semaphore(%arg19 : memref<!tpu.dma_semaphore, #tpu.memory_space<semaphore_mem>>)
      %add3A_324 = arith.constant 2 : i32
      %add3A_325 = arith.addi %add3A_309, %add3A_324 : i32
      %min3A_326 = arith.constant 79 : i32
      %min3A_327 = arith.minsi %add3A_325, %min3A_326 : i32
      %add3A_328 = arith.addi %mul3A_2, %min3A_327 : i32
      %mul3A_329 = arith.constant 128 : i32
      %mul3A_330 = arith.muli %add3A_328, %mul3A_329 : i32
      %dma_start3A_331 = tpu.memref_slice %arg3[%mul3A_330] : memref<327680xi32, #tpu.memory_space<hbm>> -> memref<128xi32, #tpu.memory_space<hbm>>
      %dma_start3A_332 = tpu.memref_slice %arg3[%mul3A_330] : memref<327680xi32, #tpu.memory_space<hbm>> -> memref<128xi32, #tpu.memory_space<hbm>>
      tpu.enqueue_dma source(%dma_start3A_332 : memref<128xi32, #tpu.memory_space<hbm>>) target(%arg7 : memref<128xi32, #tpu.memory_space<vmem>>) target_semaphore(%arg17 : memref<!tpu.dma_semaphore, #tpu.memory_space<semaphore_mem>>)
      %dma_start3A_333 = tpu.memref_slice %arg4[%mul3A_330] : memref<327680xi32, #tpu.memory_space<hbm>> -> memref<128xi32, #tpu.memory_space<hbm>>
      %dma_start3A_334 = tpu.memref_slice %arg4[%mul3A_330] : memref<327680xi32, #tpu.memory_space<hbm>> -> memref<128xi32, #tpu.memory_space<hbm>>
      tpu.enqueue_dma source(%dma_start3A_334 : memref<128xi32, #tpu.memory_space<hbm>>) target(%arg11 : memref<128xi32, #tpu.memory_space<vmem>>) target_semaphore(%arg17 : memref<!tpu.dma_semaphore, #tpu.memory_space<semaphore_mem>>)
      %dma_wait3A_335 = arith.constant 0 : i32
      %dma_wait3A_336 = arith.constant 0 : i32
      %dma_wait3A_337 = tpu.memref_slice %arg2[%dma_wait3A_335, %dma_wait3A_336] : memref<10000x128xf32, #tpu.memory_space<hbm>> -> memref<10000x128xf32, #tpu.memory_space<hbm>>
      tpu.wait_indirect_dma semaphore(%arg18 : memref<!tpu.dma_semaphore, #tpu.memory_space<semaphore_mem>>) src(%dma_wait3A_337 : memref<10000x128xf32, #tpu.memory_space<hbm>>) dst(%arg14 : memref<128x128xf32, #tpu.memory_space<vmem>>)
      %dma_start3A_338 = arith.constant 0 : i32
      %dma_start3A_339 = arith.constant 0 : i32
      %dma_start3A_340 = tpu.memref_slice %arg16[%dma_start3A_338, %dma_start3A_339] : memref<10240x128xf32, #tpu.memory_space<vmem_shared>> -> memref<10240x128xf32, #tpu.memory_space<vmem_shared>>
      tpu.enqueue_indirect_dma source(%arg14 : memref<128x128xf32, #tpu.memory_space<vmem>>) target(%dma_start3A_340 : memref<10240x128xf32, #tpu.memory_space<vmem_shared>>) offsets(%arg12 : memref<128xi32, #tpu.memory_space<vmem>>) semaphore(%arg20 : memref<!tpu.dma_semaphore, #tpu.memory_space<semaphore_mem>>) {add = true}
    }
    %dma_wait3A_165 = arith.constant 0 : i32
    %dma_wait3A_166 = arith.constant 0 : i32
    %dma_wait3A_167 = tpu.memref_slice %arg2[%dma_wait3A_165, %dma_wait3A_166] : memref<10000x128xf32, #tpu.memory_space<hbm>> -> memref<10000x128xf32, #tpu.memory_space<hbm>>
    tpu.wait_indirect_dma semaphore(%arg19 : memref<!tpu.dma_semaphore, #tpu.memory_space<semaphore_mem>>) src(%dma_wait3A_167 : memref<10000x128xf32, #tpu.memory_space<hbm>>) dst(%arg15 : memref<128x128xf32, #tpu.memory_space<vmem>>)
    %dma_start3A_168 = arith.constant 0 : i32
    %dma_start3A_169 = arith.constant 0 : i32
    %dma_start3A_170 = tpu.memref_slice %arg16[%dma_start3A_168, %dma_start3A_169] : memref<10240x128xf32, #tpu.memory_space<vmem_shared>> -> memref<10240x128xf32, #tpu.memory_space<vmem_shared>>
    tpu.enqueue_indirect_dma source(%arg15 : memref<128x128xf32, #tpu.memory_space<vmem>>) target(%dma_start3A_170 : memref<10240x128xf32, #tpu.memory_space<vmem_shared>>) offsets(%arg13 : memref<128xi32, #tpu.memory_space<vmem>>) semaphore(%arg21 : memref<!tpu.dma_semaphore, #tpu.memory_space<semaphore_mem>>) {add = true}
    %dma_wait3A_171 = arith.constant 0 : i32
    %dma_wait3A_172 = arith.constant 0 : i32
    %dma_wait3A_173 = tpu.memref_slice %arg16[%dma_wait3A_171, %dma_wait3A_172] : memref<10240x128xf32, #tpu.memory_space<vmem_shared>> -> memref<10240x128xf32, #tpu.memory_space<vmem_shared>>
    tpu.wait_indirect_dma semaphore(%arg20 : memref<!tpu.dma_semaphore, #tpu.memory_space<semaphore_mem>>) src(%arg14 : memref<128x128xf32, #tpu.memory_space<vmem>>) dst(%dma_wait3A_173 : memref<10240x128xf32, #tpu.memory_space<vmem_shared>>)
    %dma_wait3A_174 = arith.constant 0 : i32
    %dma_wait3A_175 = arith.constant 0 : i32
    %dma_wait3A_176 = tpu.memref_slice %arg16[%dma_wait3A_174, %dma_wait3A_175] : memref<10240x128xf32, #tpu.memory_space<vmem_shared>> -> memref<10240x128xf32, #tpu.memory_space<vmem_shared>>
    tpu.wait_indirect_dma semaphore(%arg21 : memref<!tpu.dma_semaphore, #tpu.memory_space<semaphore_mem>>) src(%arg15 : memref<128x128xf32, #tpu.memory_space<vmem>>) dst(%dma_wait3A_176 : memref<10240x128xf32, #tpu.memory_space<vmem_shared>>)
    %dma_wait3A_177 = arith.constant 0 : i32
    %dma_wait3A_178 = tpu.memref_slice %arg3[%dma_wait3A_177] : memref<327680xi32, #tpu.memory_space<hbm>> -> memref<128xi32, #tpu.memory_space<hbm>>
    %dma_wait3A_179 = arith.constant 0 : i32
    %dma_wait3A_180 = tpu.memref_slice %arg3[%dma_wait3A_179] : memref<327680xi32, #tpu.memory_space<hbm>> -> memref<128xi32, #tpu.memory_space<hbm>>
    tpu.wait_dma2 semaphore(%arg17 : memref<!tpu.dma_semaphore, #tpu.memory_space<semaphore_mem>>) src(%dma_wait3A_180 : memref<128xi32, #tpu.memory_space<hbm>>) dst(%arg6 : memref<128xi32, #tpu.memory_space<vmem>>)
    %dma_wait3A_181 = arith.constant 0 : i32
    %dma_wait3A_182 = tpu.memref_slice %arg4[%dma_wait3A_181] : memref<327680xi32, #tpu.memory_space<hbm>> -> memref<128xi32, #tpu.memory_space<hbm>>
    %dma_wait3A_183 = arith.constant 0 : i32
    %dma_wait3A_184 = tpu.memref_slice %arg4[%dma_wait3A_183] : memref<327680xi32, #tpu.memory_space<hbm>> -> memref<128xi32, #tpu.memory_space<hbm>>
    tpu.wait_dma2 semaphore(%arg17 : memref<!tpu.dma_semaphore, #tpu.memory_space<semaphore_mem>>) src(%dma_wait3A_184 : memref<128xi32, #tpu.memory_space<hbm>>) dst(%arg10 : memref<128xi32, #tpu.memory_space<vmem>>)
    %dma_wait3A_185 = arith.constant 0 : i32
    %dma_wait3A_186 = tpu.memref_slice %arg3[%dma_wait3A_185] : memref<327680xi32, #tpu.memory_space<hbm>> -> memref<128xi32, #tpu.memory_space<hbm>>
    %dma_wait3A_187 = arith.constant 0 : i32
    %dma_wait3A_188 = tpu.memref_slice %arg3[%dma_wait3A_187] : memref<327680xi32, #tpu.memory_space<hbm>> -> memref<128xi32, #tpu.memory_space<hbm>>
    tpu.wait_dma2 semaphore(%arg17 : memref<!tpu.dma_semaphore, #tpu.memory_space<semaphore_mem>>) src(%dma_wait3A_188 : memref<128xi32, #tpu.memory_space<hbm>>) dst(%arg6 : memref<128xi32, #tpu.memory_space<vmem>>)
    %dma_wait3A_189 = arith.constant 0 : i32
    %dma_wait3A_190 = tpu.memref_slice %arg4[%dma_wait3A_189] : memref<327680xi32, #tpu.memory_space<hbm>> -> memref<128xi32, #tpu.memory_space<hbm>>
    %dma_wait3A_191 = arith.constant 0 : i32
    %dma_wait3A_192 = tpu.memref_slice %arg4[%dma_wait3A_191] : memref<327680xi32, #tpu.memory_space<hbm>> -> memref<128xi32, #tpu.memory_space<hbm>>
    tpu.wait_dma2 semaphore(%arg17 : memref<!tpu.dma_semaphore, #tpu.memory_space<semaphore_mem>>) src(%dma_wait3A_192 : memref<128xi32, #tpu.memory_space<hbm>>) dst(%arg10 : memref<128xi32, #tpu.memory_space<vmem>>)
    %barrier3A_193 = arith.constant 0 : index
    tpu.barrier barrier_id(%barrier3A_193)
    %lt3A = arith.constant 15 : i32
    %lt3A_194 = arith.cmpi slt, %arg1, %lt3A : i32
    %convert_element_type3A = arith.extui %lt3A_194 : i1 to i32
    %cond3A = arith.constant 0 : i32
    %cond3A_195 = arith.cmpi ne, %convert_element_type3A, %cond3A : i32
    scf.if %cond3A_195 {
      %mul3A_200 = arith.constant 640 : i32
      %mul3A_201 = arith.muli %arg1, %mul3A_200 : i32
      %mul3A_202 = arith.constant 10000 : i32
      %mul3A_203 = arith.muli %arg0, %mul3A_202 : i32
      %mul3A_204 = arith.constant 640 : i32
      %mul3A_205 = arith.muli %arg1, %mul3A_204 : i32
      %add3A_206 = arith.addi %mul3A_203, %mul3A_205 : i32
      "tpu.region"() ({
        %run_scoped3A = tpu.sem_alloc : memref<!tpu.dma_semaphore, #tpu.memory_space<semaphore_mem>>
        %dma_start3A_207 = arith.constant 0 : i32
        %dma_start3A_208 = tpu.memref_slice %arg5[%add3A_206, %dma_start3A_207] : memref<20000x128xf32, #tpu.memory_space<hbm>> -> memref<640x128xf32, #tpu.memory_space<hbm>>
        %dma_start3A_209 = arith.constant 0 : i32
        %dma_start3A_210 = tpu.memref_slice %arg16[%mul3A_201, %dma_start3A_209] : memref<10240x128xf32, #tpu.memory_space<vmem_shared>> -> memref<640x128xf32, #tpu.memory_space<vmem_shared>>
        tpu.enqueue_dma source(%dma_start3A_210 : memref<640x128xf32, #tpu.memory_space<vmem_shared>>) target(%dma_start3A_208 : memref<640x128xf32, #tpu.memory_space<hbm>>) target_semaphore(%run_scoped3A : memref<!tpu.dma_semaphore, #tpu.memory_space<semaphore_mem>>)
        %dma_wait3A_211 = arith.constant 0 : i32
        %dma_wait3A_212 = tpu.memref_slice %arg5[%add3A_206, %dma_wait3A_211] : memref<20000x128xf32, #tpu.memory_space<hbm>> -> memref<640x128xf32, #tpu.memory_space<hbm>>
        %dma_wait3A_213 = arith.constant 0 : i32
        %dma_wait3A_214 = tpu.memref_slice %arg16[%mul3A_201, %dma_wait3A_213] : memref<10240x128xf32, #tpu.memory_space<vmem_shared>> -> memref<640x128xf32, #tpu.memory_space<vmem_shared>>
        tpu.wait_dma2 semaphore(%run_scoped3A : memref<!tpu.dma_semaphore, #tpu.memory_space<semaphore_mem>>) src(%dma_wait3A_214 : memref<640x128xf32, #tpu.memory_space<vmem_shared>>) dst(%dma_wait3A_212 : memref<640x128xf32, #tpu.memory_space<hbm>>)
        tpu.yield
      }) : () -> ()
    } else {
    }
    %eq3A = arith.constant 15 : i32
    %eq3A_196 = arith.cmpi eq, %arg1, %eq3A : i32
    %convert_element_type3A_197 = arith.extui %eq3A_196 : i1 to i32
    %cond3A_198 = arith.constant 0 : i32
    %cond3A_199 = arith.cmpi ne, %convert_element_type3A_197, %cond3A_198 : i32
    scf.if %cond3A_199 {
      %mul3A_200 = arith.constant 10000 : i32
      %mul3A_201 = arith.muli %arg0, %mul3A_200 : i32
      %add3A_202 = arith.constant 9600 : i32
      %add3A_203 = arith.addi %mul3A_201, %add3A_202 : i32
      "tpu.region"() ({
        %run_scoped3A = tpu.sem_alloc : memref<!tpu.dma_semaphore, #tpu.memory_space<semaphore_mem>>
        %dma_start3A_204 = arith.constant 0 : i32
        %dma_start3A_205 = tpu.memref_slice %arg5[%add3A_203, %dma_start3A_204] : memref<20000x128xf32, #tpu.memory_space<hbm>> -> memref<400x128xf32, #tpu.memory_space<hbm>>
        %dma_start3A_206 = arith.constant 9600 : i32
        %dma_start3A_207 = arith.constant 0 : i32
        %dma_start3A_208 = tpu.memref_slice %arg16[%dma_start3A_206, %dma_start3A_207] : memref<10240x128xf32, #tpu.memory_space<vmem_shared>> -> memref<400x128xf32, #tpu.memory_space<vmem_shared>>
        tpu.enqueue_dma source(%dma_start3A_208 : memref<400x128xf32, #tpu.memory_space<vmem_shared>>) target(%dma_start3A_205 : memref<400x128xf32, #tpu.memory_space<hbm>>) target_semaphore(%run_scoped3A : memref<!tpu.dma_semaphore, #tpu.memory_space<semaphore_mem>>)
        %dma_wait3A_209 = arith.constant 0 : i32
        %dma_wait3A_210 = tpu.memref_slice %arg5[%add3A_203, %dma_wait3A_209] : memref<20000x128xf32, #tpu.memory_space<hbm>> -> memref<400x128xf32, #tpu.memory_space<hbm>>
        %dma_wait3A_211 = arith.constant 9600 : i32
        %dma_wait3A_212 = arith.constant 0 : i32
        %dma_wait3A_213 = tpu.memref_slice %arg16[%dma_wait3A_211, %dma_wait3A_212] : memref<10240x128xf32, #tpu.memory_space<vmem_shared>> -> memref<400x128xf32, #tpu.memory_space<vmem_shared>>
        tpu.wait_dma2 semaphore(%run_scoped3A : memref<!tpu.dma_semaphore, #tpu.memory_space<semaphore_mem>>) src(%dma_wait3A_213 : memref<400x128xf32, #tpu.memory_space<vmem_shared>>) dst(%dma_wait3A_210 : memref<400x128xf32, #tpu.memory_space<hbm>>)
        tpu.yield
      }) : () -> ()
    } else {
    }
    return
  }
}

#map = affine_map<(d0, d1) -> (0, 0)>
#map1 = affine_map<(d0, d1) -> (0)>
module attributes {stable_mosaic.version = 14 : i64} {
  func.func @seg_sum(%arg0: i32, %arg1: i32, %arg2: memref<10000x128xf32, #tpu.memory_space<hbm>>, %arg3: memref<327680xi32, #tpu.memory_space<hbm>>, %arg4: memref<327680xi32, #tpu.memory_space<hbm>>, %arg5: memref<20000x128xf32, #tpu.memory_space<hbm>>, %arg6: memref<128xi32, #tpu.memory_space<vmem>>, %arg7: memref<128xi32, #tpu.memory_space<vmem>>, %arg8: memref<128xi32, #tpu.memory_space<vmem>>, %arg9: memref<128xi32, #tpu.memory_space<vmem>>, %arg10: memref<128xi32, #tpu.memory_space<vmem>>, %arg11: memref<128xi32, #tpu.memory_space<vmem>>, %arg12: memref<128xi32, #tpu.memory_space<vmem>>, %arg13: memref<128xi32, #tpu.memory_space<vmem>>, %arg14: memref<128x128xf32, #tpu.memory_space<vmem>>, %arg15: memref<128x128xf32, #tpu.memory_space<vmem>>, %arg16: memref<10240x128xf32, #tpu.memory_space<vmem_shared>>, %arg17: memref<!tpu.dma_semaphore, #tpu.memory_space<semaphore_mem>>, %arg18: memref<!tpu.dma_semaphore, #tpu.memory_space<semaphore_mem>>, %arg19: memref<!tpu.dma_semaphore, #tpu.memory_space<semaphore_mem>>, %arg20: memref<!tpu.dma_semaphore, #tpu.memory_space<semaphore_mem>>, %arg21: memref<!tpu.dma_semaphore, #tpu.memory_space<semaphore_mem>>) attributes {dimension_semantics = [#tpu.dimension_semantics<core_parallel>, #tpu.dimension_semantics<subcore_parallel>], iteration_bounds = array<i64: 2, 16>, scalar_prefetch = 0 : i64, scratch_operands = 16 : i64, tpu.core_type = #tpu.core_type<sc_vector_subcore>, window_params = [{transform_indices = #map}, {transform_indices = #map1}, {transform_indices = #map1}, {transform_indices = #map}]} {
    %mul3A = arith.constant 2 : i32
    %mul3A_0 = arith.muli %arg1, %mul3A : i32
    %add3A = arith.addi %mul3A_0, %arg0 : i32
    %mul3A_1 = arith.constant 80 : i32
    %mul3A_2 = arith.muli %add3A, %mul3A_1 : i32
    %add3A_3 = arith.constant 0 : i32
    %add3A_4 = arith.addi %mul3A_2, %add3A_3 : i32
    %mul3A_5 = arith.constant 128 : i32
    %mul3A_6 = arith.muli %add3A_4, %mul3A_5 : i32
    %dma_start3A = tpu.memref_slice %arg3[%mul3A_6] : memref<327680xi32, #tpu.memory_space<hbm>> -> memref<128xi32, #tpu.memory_space<hbm>>
    %dma_start3A_7 = tpu.memref_slice %arg3[%mul3A_6] : memref<327680xi32, #tpu.memory_space<hbm>> -> memref<128xi32, #tpu.memory_space<hbm>>
    tpu.enqueue_dma source(%dma_start3A_7 : memref<128xi32, #tpu.memory_space<hbm>>) target(%arg6 : memref<128xi32, #tpu.memory_space<vmem>>) target_semaphore(%arg17 : memref<!tpu.dma_semaphore, #tpu.memory_space<semaphore_mem>>)
    %dma_start3A_8 = tpu.memref_slice %arg4[%mul3A_6] : memref<327680xi32, #tpu.memory_space<hbm>> -> memref<128xi32, #tpu.memory_space<hbm>>
    %dma_start3A_9 = tpu.memref_slice %arg4[%mul3A_6] : memref<327680xi32, #tpu.memory_space<hbm>> -> memref<128xi32, #tpu.memory_space<hbm>>
    tpu.enqueue_dma source(%dma_start3A_9 : memref<128xi32, #tpu.memory_space<hbm>>) target(%arg10 : memref<128xi32, #tpu.memory_space<vmem>>) target_semaphore(%arg17 : memref<!tpu.dma_semaphore, #tpu.memory_space<semaphore_mem>>)
    %add3A_10 = arith.constant 1 : i32
    %add3A_11 = arith.addi %mul3A_2, %add3A_10 : i32
    %mul3A_12 = arith.constant 128 : i32
    %mul3A_13 = arith.muli %add3A_11, %mul3A_12 : i32
    %dma_start3A_14 = tpu.memref_slice %arg3[%mul3A_13] : memref<327680xi32, #tpu.memory_space<hbm>> -> memref<128xi32, #tpu.memory_space<hbm>>
    %dma_start3A_15 = tpu.memref_slice %arg3[%mul3A_13] : memref<327680xi32, #tpu.memory_space<hbm>> -> memref<128xi32, #tpu.memory_space<hbm>>
    tpu.enqueue_dma source(%dma_start3A_15 : memref<128xi32, #tpu.memory_space<hbm>>) target(%arg7 : memref<128xi32, #tpu.memory_space<vmem>>) target_semaphore(%arg17 : memref<!tpu.dma_semaphore, #tpu.memory_space<semaphore_mem>>)
    %dma_start3A_16 = tpu.memref_slice %arg4[%mul3A_13] : memref<327680xi32, #tpu.memory_space<hbm>> -> memref<128xi32, #tpu.memory_space<hbm>>
    %dma_start3A_17 = tpu.memref_slice %arg4[%mul3A_13] : memref<327680xi32, #tpu.memory_space<hbm>> -> memref<128xi32, #tpu.memory_space<hbm>>
    tpu.enqueue_dma source(%dma_start3A_17 : memref<128xi32, #tpu.memory_space<hbm>>) target(%arg11 : memref<128xi32, #tpu.memory_space<vmem>>) target_semaphore(%arg17 : memref<!tpu.dma_semaphore, #tpu.memory_space<semaphore_mem>>)
    %scan3A = arith.constant 0 : i32
    %scan3A_18 = arith.constant 0 : i32
    %scan3A_19 = arith.constant 128 : i32
    %scan3A_20 = arith.addi %scan3A_18, %scan3A_19 : i32
    %scan3A_21 = arith.constant 1 : i32
    scf.for %scan3A_200 = %scan3A_18 to %scan3A_20 step %scan3A_21  : i32 {
      %broadcast_in_dim3A = arith.constant 0.000000e+00 : f32
      %broadcast_in_dim3A_201 = vector.broadcast %broadcast_in_dim3A : f32 to vector<16xf32>
      %swap3A = arith.index_cast %scan3A_200 : i32 to index
      %swap3A_202 = arith.constant 0 : index
      %swap3A_203 = tpu.vector_load %arg14[%swap3A, %swap3A_202] {strides = array<i32>} : memref<128x128xf32, #tpu.memory_space<vmem>>, vector<1x16xf32>,
      %swap3A_204 = vector.shape_cast %swap3A_203 : vector<1x16xf32> to vector<16xf32>
      %swap3A_205 = vector.shape_cast %broadcast_in_dim3A_201 : vector<16xf32> to vector<1x16xf32>
      tpu.vector_store %arg14[%swap3A, %swap3A_202], %swap3A_205 {strides = array<i32>} : memref<128x128xf32, #tpu.memory_space<vmem>>, vector<1x16xf32>,
      %broadcast_in_dim3A_206 = arith.constant 0.000000e+00 : f32
      %broadcast_in_dim3A_207 = vector.broadcast %broadcast_in_dim3A_206 : f32 to vector<16xf32>
      %swap3A_208 = arith.index_cast %scan3A_200 : i32 to index
      %swap3A_209 = arith.constant 16 : index
      %swap3A_210 = tpu.vector_load %arg14[%swap3A_208, %swap3A_209] {strides = array<i32>} : memref<128x128xf32, #tpu.memory_space<vmem>>, vector<1x16xf32>,
      %swap3A_211 = vector.shape_cast %swap3A_210 : vector<1x16xf32> to vector<16xf32>
      %swap3A_212 = vector.shape_cast %broadcast_in_dim3A_207 : vector<16xf32> to vector<1x16xf32>
      tpu.vector_store %arg14[%swap3A_208, %swap3A_209], %swap3A_212 {strides = array<i32>} : memref<128x128xf32, #tpu.memory_space<vmem>>, vector<1x16xf32>,
      %broadcast_in_dim3A_213 = arith.constant 0.000000e+00 : f32
      %broadcast_in_dim3A_214 = vector.broadcast %broadcast_in_dim3A_213 : f32 to vector<16xf32>
      %swap3A_215 = arith.index_cast %scan3A_200 : i32 to index
      %swap3A_216 = arith.constant 32 : index
      %swap3A_217 = tpu.vector_load %arg14[%swap3A_215, %swap3A_216] {strides = array<i32>} : memref<128x128xf32, #tpu.memory_space<vmem>>, vector<1x16xf32>,
      %swap3A_218 = vector.shape_cast %swap3A_217 : vector<1x16xf32> to vector<16xf32>
      %swap3A_219 = vector.shape_cast %broadcast_in_dim3A_214 : vector<16xf32> to vector<1x16xf32>
      tpu.vector_store %arg14[%swap3A_215, %swap3A_216], %swap3A_219 {strides = array<i32>} : memref<128x128xf32, #tpu.memory_space<vmem>>, vector<1x16xf32>,
      %broadcast_in_dim3A_220 = arith.constant 0.000000e+00 : f32
      %broadcast_in_dim3A_221 = vector.broadcast %broadcast_in_dim3A_220 : f32 to vector<16xf32>
      %swap3A_222 = arith.index_cast %scan3A_200 : i32 to index
      %swap3A_223 = arith.constant 48 : index
      %swap3A_224 = tpu.vector_load %arg14[%swap3A_222, %swap3A_223] {strides = array<i32>} : memref<128x128xf32, #tpu.memory_space<vmem>>, vector<1x16xf32>,
      %swap3A_225 = vector.shape_cast %swap3A_224 : vector<1x16xf32> to vector<16xf32>
      %swap3A_226 = vector.shape_cast %broadcast_in_dim3A_221 : vector<16xf32> to vector<1x16xf32>
      tpu.vector_store %arg14[%swap3A_222, %swap3A_223], %swap3A_226 {strides = array<i32>} : memref<128x128xf32, #tpu.memory_space<vmem>>, vector<1x16xf32>,
      %broadcast_in_dim3A_227 = arith.constant 0.000000e+00 : f32
      %broadcast_in_dim3A_228 = vector.broadcast %broadcast_in_dim3A_227 : f32 to vector<16xf32>
      %swap3A_229 = arith.index_cast %scan3A_200 : i32 to index
      %swap3A_230 = arith.constant 64 : index
      %swap3A_231 = tpu.vector_load %arg14[%swap3A_229, %swap3A_230] {strides = array<i32>} : memref<128x128xf32, #tpu.memory_space<vmem>>, vector<1x16xf32>,
      %swap3A_232 = vector.shape_cast %swap3A_231 : vector<1x16xf32> to vector<16xf32>
      %swap3A_233 = vector.shape_cast %broadcast_in_dim3A_228 : vector<16xf32> to vector<1x16xf32>
      tpu.vector_store %arg14[%swap3A_229, %swap3A_230], %swap3A_233 {strides = array<i32>} : memref<128x128xf32, #tpu.memory_space<vmem>>, vector<1x16xf32>,
      %broadcast_in_dim3A_234 = arith.constant 0.000000e+00 : f32
      %broadcast_in_dim3A_235 = vector.broadcast %broadcast_in_dim3A_234 : f32 to vector<16xf32>
      %swap3A_236 = arith.index_cast %scan3A_200 : i32 to index
      %swap3A_237 = arith.constant 80 : index
      %swap3A_238 = tpu.vector_load %arg14[%swap3A_236, %swap3A_237] {strides = array<i32>} : memref<128x128xf32, #tpu.memory_space<vmem>>, vector<1x16xf32>,
      %swap3A_239 = vector.shape_cast %swap3A_238 : vector<1x16xf32> to vector<16xf32>
      %swap3A_240 = vector.shape_cast %broadcast_in_dim3A_235 : vector<16xf32> to vector<1x16xf32>
      tpu.vector_store %arg14[%swap3A_236, %swap3A_237], %swap3A_240 {strides = array<i32>} : memref<128x128xf32, #tpu.memory_space<vmem>>, vector<1x16xf32>,
      %broadcast_in_dim3A_241 = arith.constant 0.000000e+00 : f32
      %broadcast_in_dim3A_242 = vector.broadcast %broadcast_in_dim3A_241 : f32 to vector<16xf32>
      %swap3A_243 = arith.index_cast %scan3A_200 : i32 to index
      %swap3A_244 = arith.constant 96 : index
      %swap3A_245 = tpu.vector_load %arg14[%swap3A_243, %swap3A_244] {strides = array<i32>} : memref<128x128xf32, #tpu.memory_space<vmem>>, vector<1x16xf32>,
      %swap3A_246 = vector.shape_cast %swap3A_245 : vector<1x16xf32> to vector<16xf32>
      %swap3A_247 = vector.shape_cast %broadcast_in_dim3A_242 : vector<16xf32> to vector<1x16xf32>
      tpu.vector_store %arg14[%swap3A_243, %swap3A_244], %swap3A_247 {strides = array<i32>} : memref<128x128xf32, #tpu.memory_space<vmem>>, vector<1x16xf32>,
      %broadcast_in_dim3A_248 = arith.constant 0.000000e+00 : f32
      %broadcast_in_dim3A_249 = vector.broadcast %broadcast_in_dim3A_248 : f32 to vector<16xf32>
      %swap3A_250 = arith.index_cast %scan3A_200 : i32 to index
      %swap3A_251 = arith.constant 112 : index
      %swap3A_252 = tpu.vector_load %arg14[%swap3A_250, %swap3A_251] {strides = array<i32>} : memref<128x128xf32, #tpu.memory_space<vmem>>, vector<1x16xf32>,
      %swap3A_253 = vector.shape_cast %swap3A_252 : vector<1x16xf32> to vector<16xf32>
      %swap3A_254 = vector.shape_cast %broadcast_in_dim3A_249 : vector<16xf32> to vector<1x16xf32>
      tpu.vector_store %arg14[%swap3A_250, %swap3A_251], %swap3A_254 {strides = array<i32>} : memref<128x128xf32, #tpu.memory_space<vmem>>, vector<1x16xf32>,
    }
    %scan3A_22 = arith.constant 128 : i32
    %scan3A_23 = arith.constant 0 : i32
    %scan3A_24 = arith.constant 0 : i32
    %scan3A_25 = arith.constant 5 : i32
    %scan3A_26 = arith.addi %scan3A_24, %scan3A_25 : i32
    %scan3A_27 = arith.constant 1 : i32
    scf.for %scan3A_200 = %scan3A_24 to %scan3A_26 step %scan3A_27  : i32 {
      %mul3A_201 = arith.constant 640 : i32
      %mul3A_202 = arith.muli %arg1, %mul3A_201 : i32
      %mul3A_203 = arith.constant 128 : i32
      %mul3A_204 = arith.muli %scan3A_200, %mul3A_203 : i32
      %add3A_205 = arith.addi %mul3A_202, %mul3A_204 : i32
      "tpu.region"() ({
        %run_scoped3A = tpu.sem_alloc : memref<!tpu.dma_semaphore, #tpu.memory_space<semaphore_mem>>
        %dma_start3A_206 = arith.constant 0 : i32
        %dma_start3A_207 = tpu.memref_slice %arg16[%add3A_205, %dma_start3A_206] : memref<10240x128xf32, #tpu.memory_space<vmem_shared>> -> memref<128x128xf32, #tpu.memory_space<vmem_shared>>
        %dma_start3A_208 = arith.constant 0 : i32
        %dma_start3A_209 = tpu.memref_slice %arg16[%add3A_205, %dma_start3A_208] : memref<10240x128xf32, #tpu.memory_space<vmem_shared>> -> memref<128x128xf32, #tpu.memory_space<vmem_shared>>
        tpu.enqueue_dma source(%arg14 : memref<128x128xf32, #tpu.memory_space<vmem>>) target(%dma_start3A_209 : memref<128x128xf32, #tpu.memory_space<vmem_shared>>) target_semaphore(%run_scoped3A : memref<!tpu.dma_semaphore, #tpu.memory_space<semaphore_mem>>)
        %dma_wait3A_210 = arith.constant 0 : i32
        %dma_wait3A_211 = tpu.memref_slice %arg16[%add3A_205, %dma_wait3A_210] : memref<10240x128xf32, #tpu.memory_space<vmem_shared>> -> memref<128x128xf32, #tpu.memory_space<vmem_shared>>
        %dma_wait3A_212 = arith.constant 0 : i32
        %dma_wait3A_213 = tpu.memref_slice %arg16[%add3A_205, %dma_wait3A_212] : memref<10240x128xf32, #tpu.memory_space<vmem_shared>> -> memref<128x128xf32, #tpu.memory_space<vmem_shared>>
        tpu.wait_dma2 semaphore(%run_scoped3A : memref<!tpu.dma_semaphore, #tpu.memory_space<semaphore_mem>>) src(%arg14 : memref<128x128xf32, #tpu.memory_space<vmem>>) dst(%dma_wait3A_213 : memref<128x128xf32, #tpu.memory_space<vmem_shared>>)
        tpu.yield
      }) : () -> ()
    }
    %scan3A_28 = arith.constant 5 : i32
    %barrier3A = arith.constant 0 : index
    tpu.barrier barrier_id(%barrier3A)
    %sub3A = arith.constant 2500 : i32
    %sub3A_29 = arith.subi %sub3A, %mul3A_2 : i32
    %jit3A = arith.constant 0 : i32
    %jit3A_30 = arith.constant 80 : i32
    %max3A = arith.maxsi %jit3A, %sub3A_29 : i32
    %min3A = arith.minsi %jit3A_30, %max3A : i32
    %dma_wait3A = arith.constant 0 : i32
    %dma_wait3A_31 = tpu.memref_slice %arg3[%dma_wait3A] : memref<327680xi32, #tpu.memory_space<hbm>> -> memref<128xi32, #tpu.memory_space<hbm>>
    %dma_wait3A_32 = arith.constant 0 : i32
    %dma_wait3A_33 = tpu.memref_slice %arg3[%dma_wait3A_32] : memref<327680xi32, #tpu.memory_space<hbm>> -> memref<128xi32, #tpu.memory_space<hbm>>
    tpu.wait_dma2 semaphore(%arg17 : memref<!tpu.dma_semaphore, #tpu.memory_space<semaphore_mem>>) src(%dma_wait3A_33 : memref<128xi32, #tpu.memory_space<hbm>>) dst(%arg6 : memref<128xi32, #tpu.memory_space<vmem>>)
    %dma_wait3A_34 = arith.constant 0 : i32
    %dma_wait3A_35 = tpu.memref_slice %arg4[%dma_wait3A_34] : memref<327680xi32, #tpu.memory_space<hbm>> -> memref<128xi32, #tpu.memory_space<hbm>>
    %dma_wait3A_36 = arith.constant 0 : i32
    %dma_wait3A_37 = tpu.memref_slice %arg4[%dma_wait3A_36] : memref<327680xi32, #tpu.memory_space<hbm>> -> memref<128xi32, #tpu.memory_space<hbm>>
    tpu.wait_dma2 semaphore(%arg17 : memref<!tpu.dma_semaphore, #tpu.memory_space<semaphore_mem>>) src(%dma_wait3A_37 : memref<128xi32, #tpu.memory_space<hbm>>) dst(%arg10 : memref<128xi32, #tpu.memory_space<vmem>>)
    %dma_start3A_38 = arith.constant 0 : i32
    %dma_start3A_39 = arith.constant 0 : i32
    %dma_start3A_40 = tpu.memref_slice %arg2[%dma_start3A_38, %dma_start3A_39] : memref<10000x128xf32, #tpu.memory_space<hbm>> -> memref<10000x128xf32, #tpu.memory_space<hbm>>
    tpu.enqueue_indirect_dma source(%dma_start3A_40 : memref<10000x128xf32, #tpu.memory_space<hbm>>) target(%arg14 : memref<128x128xf32, #tpu.memory_space<vmem>>) offsets(%arg6 : memref<128xi32, #tpu.memory_space<vmem>>) semaphore(%arg18 : memref<!tpu.dma_semaphore, #tpu.memory_space<semaphore_mem>>)
    %min3A_41 = arith.constant 2 : i32
    %min3A_42 = arith.constant 79 : i32
    %min3A_43 = arith.minsi %min3A_41, %min3A_42 : i32
    %add3A_44 = arith.addi %mul3A_2, %min3A_43 : i32
    %mul3A_45 = arith.constant 128 : i32
    %mul3A_46 = arith.muli %add3A_44, %mul3A_45 : i32
    %dma_start3A_47 = tpu.memref_slice %arg3[%mul3A_46] : memref<327680xi32, #tpu.memory_space<hbm>> -> memref<128xi32, #tpu.memory_space<hbm>>
    %dma_start3A_48 = tpu.memref_slice %arg3[%mul3A_46] : memref<327680xi32, #tpu.memory_space<hbm>> -> memref<128xi32, #tpu.memory_space<hbm>>
    tpu.enqueue_dma source(%dma_start3A_48 : memref<128xi32, #tpu.memory_space<hbm>>) target(%arg8 : memref<128xi32, #tpu.memory_space<vmem>>) target_semaphore(%arg17 : memref<!tpu.dma_semaphore, #tpu.memory_space<semaphore_mem>>)
    %dma_start3A_49 = tpu.memref_slice %arg4[%mul3A_46] : memref<327680xi32, #tpu.memory_space<hbm>> -> memref<128xi32, #tpu.memory_space<hbm>>
    %dma_start3A_50 = tpu.memref_slice %arg4[%mul3A_46] : memref<327680xi32, #tpu.memory_space<hbm>> -> memref<128xi32, #tpu.memory_space<hbm>>
    tpu.enqueue_dma source(%dma_start3A_50 : memref<128xi32, #tpu.memory_space<hbm>>) target(%arg12 : memref<128xi32, #tpu.memory_space<vmem>>) target_semaphore(%arg17 : memref<!tpu.dma_semaphore, #tpu.memory_space<semaphore_mem>>)
    %dma_wait3A_51 = arith.constant 0 : i32
    %dma_wait3A_52 = tpu.memref_slice %arg3[%dma_wait3A_51] : memref<327680xi32, #tpu.memory_space<hbm>> -> memref<128xi32, #tpu.memory_space<hbm>>
    %dma_wait3A_53 = arith.constant 0 : i32
    %dma_wait3A_54 = tpu.memref_slice %arg3[%dma_wait3A_53] : memref<327680xi32, #tpu.memory_space<hbm>> -> memref<128xi32, #tpu.memory_space<hbm>>
    tpu.wait_dma2 semaphore(%arg17 : memref<!tpu.dma_semaphore, #tpu.memory_space<semaphore_mem>>) src(%dma_wait3A_54 : memref<128xi32, #tpu.memory_space<hbm>>) dst(%arg6 : memref<128xi32, #tpu.memory_space<vmem>>)
    %dma_wait3A_55 = arith.constant 0 : i32
    %dma_wait3A_56 = tpu.memref_slice %arg4[%dma_wait3A_55] : memref<327680xi32, #tpu.memory_space<hbm>> -> memref<128xi32, #tpu.memory_space<hbm>>
    %dma_wait3A_57 = arith.constant 0 : i32
    %dma_wait3A_58 = tpu.memref_slice %arg4[%dma_wait3A_57] : memref<327680xi32, #tpu.memory_space<hbm>> -> memref<128xi32, #tpu.memory_space<hbm>>
    tpu.wait_dma2 semaphore(%arg17 : memref<!tpu.dma_semaphore, #tpu.memory_space<semaphore_mem>>) src(%dma_wait3A_58 : memref<128xi32, #tpu.memory_space<hbm>>) dst(%arg10 : memref<128xi32, #tpu.memory_space<vmem>>)
    %dma_start3A_59 = arith.constant 0 : i32
    %dma_start3A_60 = arith.constant 0 : i32
    %dma_start3A_61 = tpu.memref_slice %arg2[%dma_start3A_59, %dma_start3A_60] : memref<10000x128xf32, #tpu.memory_space<hbm>> -> memref<10000x128xf32, #tpu.memory_space<hbm>>
    tpu.enqueue_indirect_dma source(%dma_start3A_61 : memref<10000x128xf32, #tpu.memory_space<hbm>>) target(%arg15 : memref<128x128xf32, #tpu.memory_space<vmem>>) offsets(%arg7 : memref<128xi32, #tpu.memory_space<vmem>>) semaphore(%arg19 : memref<!tpu.dma_semaphore, #tpu.memory_space<semaphore_mem>>)
    %min3A_62 = arith.constant 3 : i32
    %min3A_63 = arith.constant 79 : i32
    %min3A_64 = arith.minsi %min3A_62, %min3A_63 : i32
    %add3A_65 = arith.addi %mul3A_2, %min3A_64 : i32
    %mul3A_66 = arith.constant 128 : i32
    %mul3A_67 = arith.muli %add3A_65, %mul3A_66 : i32
    %dma_start3A_68 = tpu.memref_slice %arg3[%mul3A_67] : memref<327680xi32, #tpu.memory_space<hbm>> -> memref<128xi32, #tpu.memory_space<hbm>>
    %dma_start3A_69 = tpu.memref_slice %arg3[%mul3A_67] : memref<327680xi32, #tpu.memory_space<hbm>> -> memref<128xi32, #tpu.memory_space<hbm>>
    tpu.enqueue_dma source(%dma_start3A_69 : memref<128xi32, #tpu.memory_space<hbm>>) target(%arg9 : memref<128xi32, #tpu.memory_space<vmem>>) target_semaphore(%arg17 : memref<!tpu.dma_semaphore, #tpu.memory_space<semaphore_mem>>)
    %dma_start3A_70 = tpu.memref_slice %arg4[%mul3A_67] : memref<327680xi32, #tpu.memory_space<hbm>> -> memref<128xi32, #tpu.memory_space<hbm>>
    %dma_start3A_71 = tpu.memref_slice %arg4[%mul3A_67] : memref<327680xi32, #tpu.memory_space<hbm>> -> memref<128xi32, #tpu.memory_space<hbm>>
    tpu.enqueue_dma source(%dma_start3A_71 : memref<128xi32, #tpu.memory_space<hbm>>) target(%arg13 : memref<128xi32, #tpu.memory_space<vmem>>) target_semaphore(%arg17 : memref<!tpu.dma_semaphore, #tpu.memory_space<semaphore_mem>>)
    %dma_wait3A_72 = arith.constant 0 : i32
    %dma_wait3A_73 = arith.constant 0 : i32
    %dma_wait3A_74 = tpu.memref_slice %arg2[%dma_wait3A_72, %dma_wait3A_73] : memref<10000x128xf32, #tpu.memory_space<hbm>> -> memref<10000x128xf32, #tpu.memory_space<hbm>>
    tpu.wait_indirect_dma semaphore(%arg18 : memref<!tpu.dma_semaphore, #tpu.memory_space<semaphore_mem>>) src(%dma_wait3A_74 : memref<10000x128xf32, #tpu.memory_space<hbm>>) dst(%arg14 : memref<128x128xf32, #tpu.memory_space<vmem>>)
    %dma_start3A_75 = arith.constant 0 : i32
    %dma_start3A_76 = arith.constant 0 : i32
    %dma_start3A_77 = tpu.memref_slice %arg16[%dma_start3A_75, %dma_start3A_76] : memref<10240x128xf32, #tpu.memory_space<vmem_shared>> -> memref<10240x128xf32, #tpu.memory_space<vmem_shared>>
    tpu.enqueue_indirect_dma source(%arg14 : memref<128x128xf32, #tpu.memory_space<vmem>>) target(%dma_start3A_77 : memref<10240x128xf32, #tpu.memory_space<vmem_shared>>) offsets(%arg10 : memref<128xi32, #tpu.memory_space<vmem>>) semaphore(%arg20 : memref<!tpu.dma_semaphore, #tpu.memory_space<semaphore_mem>>) {add = true}
    %dma_wait3A_78 = arith.constant 0 : i32
    %dma_wait3A_79 = tpu.memref_slice %arg3[%dma_wait3A_78] : memref<327680xi32, #tpu.memory_space<hbm>> -> memref<128xi32, #tpu.memory_space<hbm>>
    %dma_wait3A_80 = arith.constant 0 : i32
    %dma_wait3A_81 = tpu.memref_slice %arg3[%dma_wait3A_80] : memref<327680xi32, #tpu.memory_space<hbm>> -> memref<128xi32, #tpu.memory_space<hbm>>
    tpu.wait_dma2 semaphore(%arg17 : memref<!tpu.dma_semaphore, #tpu.memory_space<semaphore_mem>>) src(%dma_wait3A_81 : memref<128xi32, #tpu.memory_space<hbm>>) dst(%arg6 : memref<128xi32, #tpu.memory_space<vmem>>)
    %dma_wait3A_82 = arith.constant 0 : i32
    %dma_wait3A_83 = tpu.memref_slice %arg4[%dma_wait3A_82] : memref<327680xi32, #tpu.memory_space<hbm>> -> memref<128xi32, #tpu.memory_space<hbm>>
    %dma_wait3A_84 = arith.constant 0 : i32
    %dma_wait3A_85 = tpu.memref_slice %arg4[%dma_wait3A_84] : memref<327680xi32, #tpu.memory_space<hbm>> -> memref<128xi32, #tpu.memory_space<hbm>>
    tpu.wait_dma2 semaphore(%arg17 : memref<!tpu.dma_semaphore, #tpu.memory_space<semaphore_mem>>) src(%dma_wait3A_85 : memref<128xi32, #tpu.memory_space<hbm>>) dst(%arg10 : memref<128xi32, #tpu.memory_space<vmem>>)
    %dma_wait3A_86 = arith.constant 0 : i32
    %dma_wait3A_87 = arith.constant 0 : i32
    %dma_wait3A_88 = tpu.memref_slice %arg16[%dma_wait3A_86, %dma_wait3A_87] : memref<10240x128xf32, #tpu.memory_space<vmem_shared>> -> memref<10240x128xf32, #tpu.memory_space<vmem_shared>>
    tpu.wait_indirect_dma semaphore(%arg20 : memref<!tpu.dma_semaphore, #tpu.memory_space<semaphore_mem>>) src(%arg14 : memref<128x128xf32, #tpu.memory_space<vmem>>) dst(%dma_wait3A_88 : memref<10240x128xf32, #tpu.memory_space<vmem_shared>>)
    %dma_start3A_89 = arith.constant 0 : i32
    %dma_start3A_90 = arith.constant 0 : i32
    %dma_start3A_91 = tpu.memref_slice %arg2[%dma_start3A_89, %dma_start3A_90] : memref<10000x128xf32, #tpu.memory_space<hbm>> -> memref<10000x128xf32, #tpu.memory_space<hbm>>
    tpu.enqueue_indirect_dma source(%dma_start3A_91 : memref<10000x128xf32, #tpu.memory_space<hbm>>) target(%arg14 : memref<128x128xf32, #tpu.memory_space<vmem>>) offsets(%arg8 : memref<128xi32, #tpu.memory_space<vmem>>) semaphore(%arg18 : memref<!tpu.dma_semaphore, #tpu.memory_space<semaphore_mem>>)
    %min3A_92 = arith.constant 4 : i32
    %min3A_93 = arith.constant 79 : i32
    %min3A_94 = arith.minsi %min3A_92, %min3A_93 : i32
    %add3A_95 = arith.addi %mul3A_2, %min3A_94 : i32
    %mul3A_96 = arith.constant 128 : i32
    %mul3A_97 = arith.muli %add3A_95, %mul3A_96 : i32
    %dma_start3A_98 = tpu.memref_slice %arg3[%mul3A_97] : memref<327680xi32, #tpu.memory_space<hbm>> -> memref<128xi32, #tpu.memory_space<hbm>>
    %dma_start3A_99 = tpu.memref_slice %arg3[%mul3A_97] : memref<327680xi32, #tpu.memory_space<hbm>> -> memref<128xi32, #tpu.memory_space<hbm>>
    tpu.enqueue_dma source(%dma_start3A_99 : memref<128xi32, #tpu.memory_space<hbm>>) target(%arg6 : memref<128xi32, #tpu.memory_space<vmem>>) target_semaphore(%arg17 : memref<!tpu.dma_semaphore, #tpu.memory_space<semaphore_mem>>)
    %dma_start3A_100 = tpu.memref_slice %arg4[%mul3A_97] : memref<327680xi32, #tpu.memory_space<hbm>> -> memref<128xi32, #tpu.memory_space<hbm>>
    %dma_start3A_101 = tpu.memref_slice %arg4[%mul3A_97] : memref<327680xi32, #tpu.memory_space<hbm>> -> memref<128xi32, #tpu.memory_space<hbm>>
    tpu.enqueue_dma source(%dma_start3A_101 : memref<128xi32, #tpu.memory_space<hbm>>) target(%arg10 : memref<128xi32, #tpu.memory_space<vmem>>) target_semaphore(%arg17 : memref<!tpu.dma_semaphore, #tpu.memory_space<semaphore_mem>>)
    %dma_wait3A_102 = arith.constant 0 : i32
    %dma_wait3A_103 = arith.constant 0 : i32
    %dma_wait3A_104 = tpu.memref_slice %arg2[%dma_wait3A_102, %dma_wait3A_103] : memref<10000x128xf32, #tpu.memory_space<hbm>> -> memref<10000x128xf32, #tpu.memory_space<hbm>>
    tpu.wait_indirect_dma semaphore(%arg19 : memref<!tpu.dma_semaphore, #tpu.memory_space<semaphore_mem>>) src(%dma_wait3A_104 : memref<10000x128xf32, #tpu.memory_space<hbm>>) dst(%arg15 : memref<128x128xf32, #tpu.memory_space<vmem>>)
    %dma_start3A_105 = arith.constant 0 : i32
    %dma_start3A_106 = arith.constant 0 : i32
    %dma_start3A_107 = tpu.memref_slice %arg16[%dma_start3A_105, %dma_start3A_106] : memref<10240x128xf32, #tpu.memory_space<vmem_shared>> -> memref<10240x128xf32, #tpu.memory_space<vmem_shared>>
    tpu.enqueue_indirect_dma source(%arg15 : memref<128x128xf32, #tpu.memory_space<vmem>>) target(%dma_start3A_107 : memref<10240x128xf32, #tpu.memory_space<vmem_shared>>) offsets(%arg11 : memref<128xi32, #tpu.memory_space<vmem>>) semaphore(%arg21 : memref<!tpu.dma_semaphore, #tpu.memory_space<semaphore_mem>>) {add = true}
    %dma_wait3A_108 = arith.constant 0 : i32
    %dma_wait3A_109 = tpu.memref_slice %arg3[%dma_wait3A_108] : memref<327680xi32, #tpu.memory_space<hbm>> -> memref<128xi32, #tpu.memory_space<hbm>>
    %dma_wait3A_110 = arith.constant 0 : i32
    %dma_wait3A_111 = tpu.memref_slice %arg3[%dma_wait3A_110] : memref<327680xi32, #tpu.memory_space<hbm>> -> memref<128xi32, #tpu.memory_space<hbm>>
    tpu.wait_dma2 semaphore(%arg17 : memref<!tpu.dma_semaphore, #tpu.memory_space<semaphore_mem>>) src(%dma_wait3A_111 : memref<128xi32, #tpu.memory_space<hbm>>) dst(%arg6 : memref<128xi32, #tpu.memory_space<vmem>>)
    %dma_wait3A_112 = arith.constant 0 : i32
    %dma_wait3A_113 = tpu.memref_slice %arg4[%dma_wait3A_112] : memref<327680xi32, #tpu.memory_space<hbm>> -> memref<128xi32, #tpu.memory_space<hbm>>
    %dma_wait3A_114 = arith.constant 0 : i32
    %dma_wait3A_115 = tpu.memref_slice %arg4[%dma_wait3A_114] : memref<327680xi32, #tpu.memory_space<hbm>> -> memref<128xi32, #tpu.memory_space<hbm>>
    tpu.wait_dma2 semaphore(%arg17 : memref<!tpu.dma_semaphore, #tpu.memory_space<semaphore_mem>>) src(%dma_wait3A_115 : memref<128xi32, #tpu.memory_space<hbm>>) dst(%arg10 : memref<128xi32, #tpu.memory_space<vmem>>)
    %dma_wait3A_116 = arith.constant 0 : i32
    %dma_wait3A_117 = arith.constant 0 : i32
    %dma_wait3A_118 = tpu.memref_slice %arg16[%dma_wait3A_116, %dma_wait3A_117] : memref<10240x128xf32, #tpu.memory_space<vmem_shared>> -> memref<10240x128xf32, #tpu.memory_space<vmem_shared>>
    tpu.wait_indirect_dma semaphore(%arg21 : memref<!tpu.dma_semaphore, #tpu.memory_space<semaphore_mem>>) src(%arg15 : memref<128x128xf32, #tpu.memory_space<vmem>>) dst(%dma_wait3A_118 : memref<10240x128xf32, #tpu.memory_space<vmem_shared>>)
    %dma_start3A_119 = arith.constant 0 : i32
    %dma_start3A_120 = arith.constant 0 : i32
    %dma_start3A_121 = tpu.memref_slice %arg2[%dma_start3A_119, %dma_start3A_120] : memref<10000x128xf32, #tpu.memory_space<hbm>> -> memref<10000x128xf32, #tpu.memory_space<hbm>>
    tpu.enqueue_indirect_dma source(%dma_start3A_121 : memref<10000x128xf32, #tpu.memory_space<hbm>>) target(%arg15 : memref<128x128xf32, #tpu.memory_space<vmem>>) offsets(%arg9 : memref<128xi32, #tpu.memory_space<vmem>>) semaphore(%arg19 : memref<!tpu.dma_semaphore, #tpu.memory_space<semaphore_mem>>)
    %min3A_122 = arith.constant 5 : i32
    %min3A_123 = arith.constant 79 : i32
    %min3A_124 = arith.minsi %min3A_122, %min3A_123 : i32
    %add3A_125 = arith.addi %mul3A_2, %min3A_124 : i32
    %mul3A_126 = arith.constant 128 : i32
    %mul3A_127 = arith.muli %add3A_125, %mul3A_126 : i32
    %dma_start3A_128 = tpu.memref_slice %arg3[%mul3A_127] : memref<327680xi32, #tpu.memory_space<hbm>> -> memref<128xi32, #tpu.memory_space<hbm>>
    %dma_start3A_129 = tpu.memref_slice %arg3[%mul3A_127] : memref<327680xi32, #tpu.memory_space<hbm>> -> memref<128xi32, #tpu.memory_space<hbm>>
    tpu.enqueue_dma source(%dma_start3A_129 : memref<128xi32, #tpu.memory_space<hbm>>) target(%arg7 : memref<128xi32, #tpu.memory_space<vmem>>) target_semaphore(%arg17 : memref<!tpu.dma_semaphore, #tpu.memory_space<semaphore_mem>>)
    %dma_start3A_130 = tpu.memref_slice %arg4[%mul3A_127] : memref<327680xi32, #tpu.memory_space<hbm>> -> memref<128xi32, #tpu.memory_space<hbm>>
    %dma_start3A_131 = tpu.memref_slice %arg4[%mul3A_127] : memref<327680xi32, #tpu.memory_space<hbm>> -> memref<128xi32, #tpu.memory_space<hbm>>
    tpu.enqueue_dma source(%dma_start3A_131 : memref<128xi32, #tpu.memory_space<hbm>>) target(%arg11 : memref<128xi32, #tpu.memory_space<vmem>>) target_semaphore(%arg17 : memref<!tpu.dma_semaphore, #tpu.memory_space<semaphore_mem>>)
    %dma_wait3A_132 = arith.constant 0 : i32
    %dma_wait3A_133 = arith.constant 0 : i32
    %dma_wait3A_134 = tpu.memref_slice %arg2[%dma_wait3A_132, %dma_wait3A_133] : memref<10000x128xf32, #tpu.memory_space<hbm>> -> memref<10000x128xf32, #tpu.memory_space<hbm>>
    tpu.wait_indirect_dma semaphore(%arg18 : memref<!tpu.dma_semaphore, #tpu.memory_space<semaphore_mem>>) src(%dma_wait3A_134 : memref<10000x128xf32, #tpu.memory_space<hbm>>) dst(%arg14 : memref<128x128xf32, #tpu.memory_space<vmem>>)
    %dma_start3A_135 = arith.constant 0 : i32
    %dma_start3A_136 = arith.constant 0 : i32
    %dma_start3A_137 = tpu.memref_slice %arg16[%dma_start3A_135, %dma_start3A_136] : memref<10240x128xf32, #tpu.memory_space<vmem_shared>> -> memref<10240x128xf32, #tpu.memory_space<vmem_shared>>
    tpu.enqueue_indirect_dma source(%arg14 : memref<128x128xf32, #tpu.memory_space<vmem>>) target(%dma_start3A_137 : memref<10240x128xf32, #tpu.memory_space<vmem_shared>>) offsets(%arg12 : memref<128xi32, #tpu.memory_space<vmem>>) semaphore(%arg20 : memref<!tpu.dma_semaphore, #tpu.memory_space<semaphore_mem>>) {add = true}
    %jit3A_138 = arith.constant 4 : i32
    %div3A = arith.divsi %min3A, %jit3A_138 : i32
    %sign3A = arith.constant 0 : i32
    %sign3A_139 = arith.cmpi sgt, %min3A, %sign3A : i32
    %sign3A_140 = arith.extui %sign3A_139 : i1 to i32
    %sign3A_141 = arith.constant 0 : i32
    %sign3A_142 = arith.cmpi slt, %min3A, %sign3A_141 : i32
    %sign3A_143 = arith.extui %sign3A_142 : i1 to i32
    %sign3A_144 = arith.subi %sign3A_140, %sign3A_143 : i32
    %sign3A_145 = arith.constant 0 : i32
    %sign3A_146 = arith.cmpi sgt, %jit3A_138, %sign3A_145 : i32
    %sign3A_147 = arith.extui %sign3A_146 : i1 to i32
    %sign3A_148 = arith.constant 0 : i32
    %sign3A_149 = arith.cmpi slt, %jit3A_138, %sign3A_148 : i32
    %sign3A_150 = arith.extui %sign3A_149 : i1 to i32
    %sign3A_151 = arith.subi %sign3A_147, %sign3A_150 : i32
    %ne3A = arith.cmpi ne, %sign3A_144, %sign3A_151 : i32
    %rem3A = arith.remsi %min3A, %jit3A_138 : i32
    %ne3A_152 = arith.constant 0 : i32
    %ne3A_153 = arith.cmpi ne, %rem3A, %ne3A_152 : i32
    %and3A = arith.andi %ne3A, %ne3A_153 : i1
    %sub3A_154 = arith.constant 1 : i32
    %sub3A_155 = arith.subi %div3A, %sub3A_154 : i32
    %select_n3A = arith.select %and3A, %sub3A_155, %div3A : i32
    %while3A = arith.constant 0 : i32
    %while3A_156 = arith.constant 1 : i32
    %while3A_157 = arith.subi %select_n3A, %while3A_156 : i32
    %while3A_158 = arith.addi %while3A_156, %while3A_157 : i32
    %while3A_159 = arith.constant 1 : i32
    %while3A_160 = arith.divsi %while3A_157, %while3A_159 : i32
    %while3A_161 = arith.muli %while3A_160, %while3A_159 : i32
    %while3A_162 = arith.addi %while3A_156, %while3A_161 : i32
    %while3A_163 = arith.constant 1 : i32
    scf.for %while3A_200 = %while3A_156 to %while3A_162 step %while3A_163  : i32 {
      %mul3A_201 = arith.constant 4 : i32
      %mul3A_202 = arith.muli %mul3A_201, %while3A_200 : i32
      %add3A_203 = arith.constant 0 : i32
      %add3A_204 = arith.addi %mul3A_202, %add3A_203 : i32
      %dma_wait3A_205 = arith.constant 0 : i32
      %dma_wait3A_206 = tpu.memref_slice %arg3[%dma_wait3A_205] : memref<327680xi32, #tpu.memory_space<hbm>> -> memref<128xi32, #tpu.memory_space<hbm>>
      %dma_wait3A_207 = arith.constant 0 : i32
      %dma_wait3A_208 = tpu.memref_slice %arg3[%dma_wait3A_207] : memref<327680xi32, #tpu.memory_space<hbm>> -> memref<128xi32, #tpu.memory_space<hbm>>
      tpu.wait_dma2 semaphore(%arg17 : memref<!tpu.dma_semaphore, #tpu.memory_space<semaphore_mem>>) src(%dma_wait3A_208 : memref<128xi32, #tpu.memory_space<hbm>>) dst(%arg6 : memref<128xi32, #tpu.memory_space<vmem>>)
      %dma_wait3A_209 = arith.constant 0 : i32
      %dma_wait3A_210 = tpu.memref_slice %arg4[%dma_wait3A_209] : memref<327680xi32, #tpu.memory_space<hbm>> -> memref<128xi32, #tpu.memory_space<hbm>>
      %dma_wait3A_211 = arith.constant 0 : i32
      %dma_wait3A_212 = tpu.memref_slice %arg4[%dma_wait3A_211] : memref<327680xi32, #tpu.memory_space<hbm>> -> memref<128xi32, #tpu.memory_space<hbm>>
      tpu.wait_dma2 semaphore(%arg17 : memref<!tpu.dma_semaphore, #tpu.memory_space<semaphore_mem>>) src(%dma_wait3A_212 : memref<128xi32, #tpu.memory_space<hbm>>) dst(%arg10 : memref<128xi32, #tpu.memory_space<vmem>>)
      %dma_wait3A_213 = arith.constant 0 : i32
      %dma_wait3A_214 = arith.constant 0 : i32
      %dma_wait3A_215 = tpu.memref_slice %arg16[%dma_wait3A_213, %dma_wait3A_214] : memref<10240x128xf32, #tpu.memory_space<vmem_shared>> -> memref<10240x128xf32, #tpu.memory_space<vmem_shared>>
      tpu.wait_indirect_dma semaphore(%arg20 : memref<!tpu.dma_semaphore, #tpu.memory_space<semaphore_mem>>) src(%arg14 : memref<128x128xf32, #tpu.memory_space<vmem>>) dst(%dma_wait3A_215 : memref<10240x128xf32, #tpu.memory_space<vmem_shared>>)
      %dma_start3A_216 = arith.constant 0 : i32
      %dma_start3A_217 = arith.constant 0 : i32
      %dma_start3A_218 = tpu.memref_slice %arg2[%dma_start3A_216, %dma_start3A_217] : memref<10000x128xf32, #tpu.memory_space<hbm>> -> memref<10000x128xf32, #tpu.memory_space<hbm>>
      tpu.enqueue_indirect_dma source(%dma_start3A_218 : memref<10000x128xf32, #tpu.memory_space<hbm>>) target(%arg14 : memref<128x128xf32, #tpu.memory_space<vmem>>) offsets(%arg6 : memref<128xi32, #tpu.memory_space<vmem>>) semaphore(%arg18 : memref<!tpu.dma_semaphore, #tpu.memory_space<semaphore_mem>>)
      %add3A_219 = arith.constant 2 : i32
      %add3A_220 = arith.addi %add3A_204, %add3A_219 : i32
      %min3A_221 = arith.constant 79 : i32
      %min3A_222 = arith.minsi %add3A_220, %min3A_221 : i32
      %add3A_223 = arith.addi %mul3A_2, %min3A_222 : i32
      %mul3A_224 = arith.constant 128 : i32
      %mul3A_225 = arith.muli %add3A_223, %mul3A_224 : i32
      %dma_start3A_226 = tpu.memref_slice %arg3[%mul3A_225] : memref<327680xi32, #tpu.memory_space<hbm>> -> memref<128xi32, #tpu.memory_space<hbm>>
      %dma_start3A_227 = tpu.memref_slice %arg3[%mul3A_225] : memref<327680xi32, #tpu.memory_space<hbm>> -> memref<128xi32, #tpu.memory_space<hbm>>
      tpu.enqueue_dma source(%dma_start3A_227 : memref<128xi32, #tpu.memory_space<hbm>>) target(%arg8 : memref<128xi32, #tpu.memory_space<vmem>>) target_semaphore(%arg17 : memref<!tpu.dma_semaphore, #tpu.memory_space<semaphore_mem>>)
      %dma_start3A_228 = tpu.memref_slice %arg4[%mul3A_225] : memref<327680xi32, #tpu.memory_space<hbm>> -> memref<128xi32, #tpu.memory_space<hbm>>
      %dma_start3A_229 = tpu.memref_slice %arg4[%mul3A_225] : memref<327680xi32, #tpu.memory_space<hbm>> -> memref<128xi32, #tpu.memory_space<hbm>>
      tpu.enqueue_dma source(%dma_start3A_229 : memref<128xi32, #tpu.memory_space<hbm>>) target(%arg12 : memref<128xi32, #tpu.memory_space<vmem>>) target_semaphore(%arg17 : memref<!tpu.dma_semaphore, #tpu.memory_space<semaphore_mem>>)
      %dma_wait3A_230 = arith.constant 0 : i32
      %dma_wait3A_231 = arith.constant 0 : i32
      %dma_wait3A_232 = tpu.memref_slice %arg2[%dma_wait3A_230, %dma_wait3A_231] : memref<10000x128xf32, #tpu.memory_space<hbm>> -> memref<10000x128xf32, #tpu.memory_space<hbm>>
      tpu.wait_indirect_dma semaphore(%arg19 : memref<!tpu.dma_semaphore, #tpu.memory_space<semaphore_mem>>) src(%dma_wait3A_232 : memref<10000x128xf32, #tpu.memory_space<hbm>>) dst(%arg15 : memref<128x128xf32, #tpu.memory_space<vmem>>)
      %dma_start3A_233 = arith.constant 0 : i32
      %dma_start3A_234 = arith.constant 0 : i32
      %dma_start3A_235 = tpu.memref_slice %arg16[%dma_start3A_233, %dma_start3A_234] : memref<10240x128xf32, #tpu.memory_space<vmem_shared>> -> memref<10240x128xf32, #tpu.memory_space<vmem_shared>>
      tpu.enqueue_indirect_dma source(%arg15 : memref<128x128xf32, #tpu.memory_space<vmem>>) target(%dma_start3A_235 : memref<10240x128xf32, #tpu.memory_space<vmem_shared>>) offsets(%arg13 : memref<128xi32, #tpu.memory_space<vmem>>) semaphore(%arg21 : memref<!tpu.dma_semaphore, #tpu.memory_space<semaphore_mem>>) {add = true}
      %mul3A_236 = arith.constant 4 : i32
      %mul3A_237 = arith.muli %mul3A_236, %while3A_200 : i32
      %add3A_238 = arith.constant 1 : i32
      %add3A_239 = arith.addi %mul3A_237, %add3A_238 : i32
      %dma_wait3A_240 = arith.constant 0 : i32
      %dma_wait3A_241 = tpu.memref_slice %arg3[%dma_wait3A_240] : memref<327680xi32, #tpu.memory_space<hbm>> -> memref<128xi32, #tpu.memory_space<hbm>>
      %dma_wait3A_242 = arith.constant 0 : i32
      %dma_wait3A_243 = tpu.memref_slice %arg3[%dma_wait3A_242] : memref<327680xi32, #tpu.memory_space<hbm>> -> memref<128xi32, #tpu.memory_space<hbm>>
      tpu.wait_dma2 semaphore(%arg17 : memref<!tpu.dma_semaphore, #tpu.memory_space<semaphore_mem>>) src(%dma_wait3A_243 : memref<128xi32, #tpu.memory_space<hbm>>) dst(%arg6 : memref<128xi32, #tpu.memory_space<vmem>>)
      %dma_wait3A_244 = arith.constant 0 : i32
      %dma_wait3A_245 = tpu.memref_slice %arg4[%dma_wait3A_244] : memref<327680xi32, #tpu.memory_space<hbm>> -> memref<128xi32, #tpu.memory_space<hbm>>
      %dma_wait3A_246 = arith.constant 0 : i32
      %dma_wait3A_247 = tpu.memref_slice %arg4[%dma_wait3A_246] : memref<327680xi32, #tpu.memory_space<hbm>> -> memref<128xi32, #tpu.memory_space<hbm>>
      tpu.wait_dma2 semaphore(%arg17 : memref<!tpu.dma_semaphore, #tpu.memory_space<semaphore_mem>>) src(%dma_wait3A_247 : memref<128xi32, #tpu.memory_space<hbm>>) dst(%arg10 : memref<128xi32, #tpu.memory_space<vmem>>)
      %dma_wait3A_248 = arith.constant 0 : i32
      %dma_wait3A_249 = arith.constant 0 : i32
      %dma_wait3A_250 = tpu.memref_slice %arg16[%dma_wait3A_248, %dma_wait3A_249] : memref<10240x128xf32, #tpu.memory_space<vmem_shared>> -> memref<10240x128xf32, #tpu.memory_space<vmem_shared>>
      tpu.wait_indirect_dma semaphore(%arg21 : memref<!tpu.dma_semaphore, #tpu.memory_space<semaphore_mem>>) src(%arg15 : memref<128x128xf32, #tpu.memory_space<vmem>>) dst(%dma_wait3A_250 : memref<10240x128xf32, #tpu.memory_space<vmem_shared>>)
      %dma_start3A_251 = arith.constant 0 : i32
      %dma_start3A_252 = arith.constant 0 : i32
      %dma_start3A_253 = tpu.memref_slice %arg2[%dma_start3A_251, %dma_start3A_252] : memref<10000x128xf32, #tpu.memory_space<hbm>> -> memref<10000x128xf32, #tpu.memory_space<hbm>>
      tpu.enqueue_indirect_dma source(%dma_start3A_253 : memref<10000x128xf32, #tpu.memory_space<hbm>>) target(%arg15 : memref<128x128xf32, #tpu.memory_space<vmem>>) offsets(%arg7 : memref<128xi32, #tpu.memory_space<vmem>>) semaphore(%arg19 : memref<!tpu.dma_semaphore, #tpu.memory_space<semaphore_mem>>)
      %add3A_254 = arith.constant 2 : i32
      %add3A_255 = arith.addi %add3A_239, %add3A_254 : i32
      %min3A_256 = arith.constant 79 : i32
      %min3A_257 = arith.minsi %add3A_255, %min3A_256 : i32
      %add3A_258 = arith.addi %mul3A_2, %min3A_257 : i32
      %mul3A_259 = arith.constant 128 : i32
      %mul3A_260 = arith.muli %add3A_258, %mul3A_259 : i32
      %dma_start3A_261 = tpu.memref_slice %arg3[%mul3A_260] : memref<327680xi32, #tpu.memory_space<hbm>> -> memref<128xi32, #tpu.memory_space<hbm>>
      %dma_start3A_262 = tpu.memref_slice %arg3[%mul3A_260] : memref<327680xi32, #tpu.memory_space<hbm>> -> memref<128xi32, #tpu.memory_space<hbm>>
      tpu.enqueue_dma source(%dma_start3A_262 : memref<128xi32, #tpu.memory_space<hbm>>) target(%arg9 : memref<128xi32, #tpu.memory_space<vmem>>) target_semaphore(%arg17 : memref<!tpu.dma_semaphore, #tpu.memory_space<semaphore_mem>>)
      %dma_start3A_263 = tpu.memref_slice %arg4[%mul3A_260] : memref<327680xi32, #tpu.memory_space<hbm>> -> memref<128xi32, #tpu.memory_space<hbm>>
      %dma_start3A_264 = tpu.memref_slice %arg4[%mul3A_260] : memref<327680xi32, #tpu.memory_space<hbm>> -> memref<128xi32, #tpu.memory_space<hbm>>
      tpu.enqueue_dma source(%dma_start3A_264 : memref<128xi32, #tpu.memory_space<hbm>>) target(%arg13 : memref<128xi32, #tpu.memory_space<vmem>>) target_semaphore(%arg17 : memref<!tpu.dma_semaphore, #tpu.memory_space<semaphore_mem>>)
      %dma_wait3A_265 = arith.constant 0 : i32
      %dma_wait3A_266 = arith.constant 0 : i32
      %dma_wait3A_267 = tpu.memref_slice %arg2[%dma_wait3A_265, %dma_wait3A_266] : memref<10000x128xf32, #tpu.memory_space<hbm>> -> memref<10000x128xf32, #tpu.memory_space<hbm>>
      tpu.wait_indirect_dma semaphore(%arg18 : memref<!tpu.dma_semaphore, #tpu.memory_space<semaphore_mem>>) src(%dma_wait3A_267 : memref<10000x128xf32, #tpu.memory_space<hbm>>) dst(%arg14 : memref<128x128xf32, #tpu.memory_space<vmem>>)
      %dma_start3A_268 = arith.constant 0 : i32
      %dma_start3A_269 = arith.constant 0 : i32
      %dma_start3A_270 = tpu.memref_slice %arg16[%dma_start3A_268, %dma_start3A_269] : memref<10240x128xf32, #tpu.memory_space<vmem_shared>> -> memref<10240x128xf32, #tpu.memory_space<vmem_shared>>
      tpu.enqueue_indirect_dma source(%arg14 : memref<128x128xf32, #tpu.memory_space<vmem>>) target(%dma_start3A_270 : memref<10240x128xf32, #tpu.memory_space<vmem_shared>>) offsets(%arg10 : memref<128xi32, #tpu.memory_space<vmem>>) semaphore(%arg20 : memref<!tpu.dma_semaphore, #tpu.memory_space<semaphore_mem>>) {add = true}
      %mul3A_271 = arith.constant 4 : i32
      %mul3A_272 = arith.muli %mul3A_271, %while3A_200 : i32
      %add3A_273 = arith.constant 2 : i32
      %add3A_274 = arith.addi %mul3A_272, %add3A_273 : i32
      %dma_wait3A_275 = arith.constant 0 : i32
      %dma_wait3A_276 = tpu.memref_slice %arg3[%dma_wait3A_275] : memref<327680xi32, #tpu.memory_space<hbm>> -> memref<128xi32, #tpu.memory_space<hbm>>
      %dma_wait3A_277 = arith.constant 0 : i32
      %dma_wait3A_278 = tpu.memref_slice %arg3[%dma_wait3A_277] : memref<327680xi32, #tpu.memory_space<hbm>> -> memref<128xi32, #tpu.memory_space<hbm>>
      tpu.wait_dma2 semaphore(%arg17 : memref<!tpu.dma_semaphore, #tpu.memory_space<semaphore_mem>>) src(%dma_wait3A_278 : memref<128xi32, #tpu.memory_space<hbm>>) dst(%arg6 : memref<128xi32, #tpu.memory_space<vmem>>)
      %dma_wait3A_279 = arith.constant 0 : i32
      %dma_wait3A_280 = tpu.memref_slice %arg4[%dma_wait3A_279] : memref<327680xi32, #tpu.memory_space<hbm>> -> memref<128xi32, #tpu.memory_space<hbm>>
      %dma_wait3A_281 = arith.constant 0 : i32
      %dma_wait3A_282 = tpu.memref_slice %arg4[%dma_wait3A_281] : memref<327680xi32, #tpu.memory_space<hbm>> -> memref<128xi32, #tpu.memory_space<hbm>>
      tpu.wait_dma2 semaphore(%arg17 : memref<!tpu.dma_semaphore, #tpu.memory_space<semaphore_mem>>) src(%dma_wait3A_282 : memref<128xi32, #tpu.memory_space<hbm>>) dst(%arg10 : memref<128xi32, #tpu.memory_space<vmem>>)
      %dma_wait3A_283 = arith.constant 0 : i32
      %dma_wait3A_284 = arith.constant 0 : i32
      %dma_wait3A_285 = tpu.memref_slice %arg16[%dma_wait3A_283, %dma_wait3A_284] : memref<10240x128xf32, #tpu.memory_space<vmem_shared>> -> memref<10240x128xf32, #tpu.memory_space<vmem_shared>>
      tpu.wait_indirect_dma semaphore(%arg20 : memref<!tpu.dma_semaphore, #tpu.memory_space<semaphore_mem>>) src(%arg14 : memref<128x128xf32, #tpu.memory_space<vmem>>) dst(%dma_wait3A_285 : memref<10240x128xf32, #tpu.memory_space<vmem_shared>>)
      %dma_start3A_286 = arith.constant 0 : i32
      %dma_start3A_287 = arith.constant 0 : i32
      %dma_start3A_288 = tpu.memref_slice %arg2[%dma_start3A_286, %dma_start3A_287] : memref<10000x128xf32, #tpu.memory_space<hbm>> -> memref<10000x128xf32, #tpu.memory_space<hbm>>
      tpu.enqueue_indirect_dma source(%dma_start3A_288 : memref<10000x128xf32, #tpu.memory_space<hbm>>) target(%arg14 : memref<128x128xf32, #tpu.memory_space<vmem>>) offsets(%arg8 : memref<128xi32, #tpu.memory_space<vmem>>) semaphore(%arg18 : memref<!tpu.dma_semaphore, #tpu.memory_space<semaphore_mem>>)
      %add3A_289 = arith.constant 2 : i32
      %add3A_290 = arith.addi %add3A_274, %add3A_289 : i32
      %min3A_291 = arith.constant 79 : i32
      %min3A_292 = arith.minsi %add3A_290, %min3A_291 : i32
      %add3A_293 = arith.addi %mul3A_2, %min3A_292 : i32
      %mul3A_294 = arith.constant 128 : i32
      %mul3A_295 = arith.muli %add3A_293, %mul3A_294 : i32
      %dma_start3A_296 = tpu.memref_slice %arg3[%mul3A_295] : memref<327680xi32, #tpu.memory_space<hbm>> -> memref<128xi32, #tpu.memory_space<hbm>>
      %dma_start3A_297 = tpu.memref_slice %arg3[%mul3A_295] : memref<327680xi32, #tpu.memory_space<hbm>> -> memref<128xi32, #tpu.memory_space<hbm>>
      tpu.enqueue_dma source(%dma_start3A_297 : memref<128xi32, #tpu.memory_space<hbm>>) target(%arg6 : memref<128xi32, #tpu.memory_space<vmem>>) target_semaphore(%arg17 : memref<!tpu.dma_semaphore, #tpu.memory_space<semaphore_mem>>)
      %dma_start3A_298 = tpu.memref_slice %arg4[%mul3A_295] : memref<327680xi32, #tpu.memory_space<hbm>> -> memref<128xi32, #tpu.memory_space<hbm>>
      %dma_start3A_299 = tpu.memref_slice %arg4[%mul3A_295] : memref<327680xi32, #tpu.memory_space<hbm>> -> memref<128xi32, #tpu.memory_space<hbm>>
      tpu.enqueue_dma source(%dma_start3A_299 : memref<128xi32, #tpu.memory_space<hbm>>) target(%arg10 : memref<128xi32, #tpu.memory_space<vmem>>) target_semaphore(%arg17 : memref<!tpu.dma_semaphore, #tpu.memory_space<semaphore_mem>>)
      %dma_wait3A_300 = arith.constant 0 : i32
      %dma_wait3A_301 = arith.constant 0 : i32
      %dma_wait3A_302 = tpu.memref_slice %arg2[%dma_wait3A_300, %dma_wait3A_301] : memref<10000x128xf32, #tpu.memory_space<hbm>> -> memref<10000x128xf32, #tpu.memory_space<hbm>>
      tpu.wait_indirect_dma semaphore(%arg19 : memref<!tpu.dma_semaphore, #tpu.memory_space<semaphore_mem>>) src(%dma_wait3A_302 : memref<10000x128xf32, #tpu.memory_space<hbm>>) dst(%arg15 : memref<128x128xf32, #tpu.memory_space<vmem>>)
      %dma_start3A_303 = arith.constant 0 : i32
      %dma_start3A_304 = arith.constant 0 : i32
      %dma_start3A_305 = tpu.memref_slice %arg16[%dma_start3A_303, %dma_start3A_304] : memref<10240x128xf32, #tpu.memory_space<vmem_shared>> -> memref<10240x128xf32, #tpu.memory_space<vmem_shared>>
      tpu.enqueue_indirect_dma source(%arg15 : memref<128x128xf32, #tpu.memory_space<vmem>>) target(%dma_start3A_305 : memref<10240x128xf32, #tpu.memory_space<vmem_shared>>) offsets(%arg11 : memref<128xi32, #tpu.memory_space<vmem>>) semaphore(%arg21 : memref<!tpu.dma_semaphore, #tpu.memory_space<semaphore_mem>>) {add = true}
      %mul3A_306 = arith.constant 4 : i32
      %mul3A_307 = arith.muli %mul3A_306, %while3A_200 : i32
      %add3A_308 = arith.constant 3 : i32
      %add3A_309 = arith.addi %mul3A_307, %add3A_308 : i32
      %dma_wait3A_310 = arith.constant 0 : i32
      %dma_wait3A_311 = tpu.memref_slice %arg3[%dma_wait3A_310] : memref<327680xi32, #tpu.memory_space<hbm>> -> memref<128xi32, #tpu.memory_space<hbm>>
      %dma_wait3A_312 = arith.constant 0 : i32
      %dma_wait3A_313 = tpu.memref_slice %arg3[%dma_wait3A_312] : memref<327680xi32, #tpu.memory_space<hbm>> -> memref<128xi32, #tpu.memory_space<hbm>>
      tpu.wait_dma2 semaphore(%arg17 : memref<!tpu.dma_semaphore, #tpu.memory_space<semaphore_mem>>) src(%dma_wait3A_313 : memref<128xi32, #tpu.memory_space<hbm>>) dst(%arg6 : memref<128xi32, #tpu.memory_space<vmem>>)
      %dma_wait3A_314 = arith.constant 0 : i32
      %dma_wait3A_315 = tpu.memref_slice %arg4[%dma_wait3A_314] : memref<327680xi32, #tpu.memory_space<hbm>> -> memref<128xi32, #tpu.memory_space<hbm>>
      %dma_wait3A_316 = arith.constant 0 : i32
      %dma_wait3A_317 = tpu.memref_slice %arg4[%dma_wait3A_316] : memref<327680xi32, #tpu.memory_space<hbm>> -> memref<128xi32, #tpu.memory_space<hbm>>
      tpu.wait_dma2 semaphore(%arg17 : memref<!tpu.dma_semaphore, #tpu.memory_space<semaphore_mem>>) src(%dma_wait3A_317 : memref<128xi32, #tpu.memory_space<hbm>>) dst(%arg10 : memref<128xi32, #tpu.memory_space<vmem>>)
      %dma_wait3A_318 = arith.constant 0 : i32
      %dma_wait3A_319 = arith.constant 0 : i32
      %dma_wait3A_320 = tpu.memref_slice %arg16[%dma_wait3A_318, %dma_wait3A_319] : memref<10240x128xf32, #tpu.memory_space<vmem_shared>> -> memref<10240x128xf32, #tpu.memory_space<vmem_shared>>
      tpu.wait_indirect_dma semaphore(%arg21 : memref<!tpu.dma_semaphore, #tpu.memory_space<semaphore_mem>>) src(%arg15 : memref<128x128xf32, #tpu.memory_space<vmem>>) dst(%dma_wait3A_320 : memref<10240x128xf32, #tpu.memory_space<vmem_shared>>)
      %dma_start3A_321 = arith.constant 0 : i32
      %dma_start3A_322 = arith.constant 0 : i32
      %dma_start3A_323 = tpu.memref_slice %arg2[%dma_start3A_321, %dma_start3A_322] : memref<10000x128xf32, #tpu.memory_space<hbm>> -> memref<10000x128xf32, #tpu.memory_space<hbm>>
      tpu.enqueue_indirect_dma source(%dma_start3A_323 : memref<10000x128xf32, #tpu.memory_space<hbm>>) target(%arg15 : memref<128x128xf32, #tpu.memory_space<vmem>>) offsets(%arg9 : memref<128xi32, #tpu.memory_space<vmem>>) semaphore(%arg19 : memref<!tpu.dma_semaphore, #tpu.memory_space<semaphore_mem>>)
      %add3A_324 = arith.constant 2 : i32
      %add3A_325 = arith.addi %add3A_309, %add3A_324 : i32
      %min3A_326 = arith.constant 79 : i32
      %min3A_327 = arith.minsi %add3A_325, %min3A_326 : i32
      %add3A_328 = arith.addi %mul3A_2, %min3A_327 : i32
      %mul3A_329 = arith.constant 128 : i32
      %mul3A_330 = arith.muli %add3A_328, %mul3A_329 : i32
      %dma_start3A_331 = tpu.memref_slice %arg3[%mul3A_330] : memref<327680xi32, #tpu.memory_space<hbm>> -> memref<128xi32, #tpu.memory_space<hbm>>
      %dma_start3A_332 = tpu.memref_slice %arg3[%mul3A_330] : memref<327680xi32, #tpu.memory_space<hbm>> -> memref<128xi32, #tpu.memory_space<hbm>>
      tpu.enqueue_dma source(%dma_start3A_332 : memref<128xi32, #tpu.memory_space<hbm>>) target(%arg7 : memref<128xi32, #tpu.memory_space<vmem>>) target_semaphore(%arg17 : memref<!tpu.dma_semaphore, #tpu.memory_space<semaphore_mem>>)
      %dma_start3A_333 = tpu.memref_slice %arg4[%mul3A_330] : memref<327680xi32, #tpu.memory_space<hbm>> -> memref<128xi32, #tpu.memory_space<hbm>>
      %dma_start3A_334 = tpu.memref_slice %arg4[%mul3A_330] : memref<327680xi32, #tpu.memory_space<hbm>> -> memref<128xi32, #tpu.memory_space<hbm>>
      tpu.enqueue_dma source(%dma_start3A_334 : memref<128xi32, #tpu.memory_space<hbm>>) target(%arg11 : memref<128xi32, #tpu.memory_space<vmem>>) target_semaphore(%arg17 : memref<!tpu.dma_semaphore, #tpu.memory_space<semaphore_mem>>)
      %dma_wait3A_335 = arith.constant 0 : i32
      %dma_wait3A_336 = arith.constant 0 : i32
      %dma_wait3A_337 = tpu.memref_slice %arg2[%dma_wait3A_335, %dma_wait3A_336] : memref<10000x128xf32, #tpu.memory_space<hbm>> -> memref<10000x128xf32, #tpu.memory_space<hbm>>
      tpu.wait_indirect_dma semaphore(%arg18 : memref<!tpu.dma_semaphore, #tpu.memory_space<semaphore_mem>>) src(%dma_wait3A_337 : memref<10000x128xf32, #tpu.memory_space<hbm>>) dst(%arg14 : memref<128x128xf32, #tpu.memory_space<vmem>>)
      %dma_start3A_338 = arith.constant 0 : i32
      %dma_start3A_339 = arith.constant 0 : i32
      %dma_start3A_340 = tpu.memref_slice %arg16[%dma_start3A_338, %dma_start3A_339] : memref<10240x128xf32, #tpu.memory_space<vmem_shared>> -> memref<10240x128xf32, #tpu.memory_space<vmem_shared>>
      tpu.enqueue_indirect_dma source(%arg14 : memref<128x128xf32, #tpu.memory_space<vmem>>) target(%dma_start3A_340 : memref<10240x128xf32, #tpu.memory_space<vmem_shared>>) offsets(%arg12 : memref<128xi32, #tpu.memory_space<vmem>>) semaphore(%arg20 : memref<!tpu.dma_semaphore, #tpu.memory_space<semaphore_mem>>) {add = true}
    }
    %while3A_164 = arith.constant 1 : i32
    scf.for %while3A_200 = %while3A_162 to %while3A_158 step %while3A_164  : i32 {
      %mul3A_201 = arith.constant 4 : i32
      %mul3A_202 = arith.muli %mul3A_201, %while3A_200 : i32
      %add3A_203 = arith.constant 0 : i32
      %add3A_204 = arith.addi %mul3A_202, %add3A_203 : i32
      %dma_wait3A_205 = arith.constant 0 : i32
      %dma_wait3A_206 = tpu.memref_slice %arg3[%dma_wait3A_205] : memref<327680xi32, #tpu.memory_space<hbm>> -> memref<128xi32, #tpu.memory_space<hbm>>
      %dma_wait3A_207 = arith.constant 0 : i32
      %dma_wait3A_208 = tpu.memref_slice %arg3[%dma_wait3A_207] : memref<327680xi32, #tpu.memory_space<hbm>> -> memref<128xi32, #tpu.memory_space<hbm>>
      tpu.wait_dma2 semaphore(%arg17 : memref<!tpu.dma_semaphore, #tpu.memory_space<semaphore_mem>>) src(%dma_wait3A_208 : memref<128xi32, #tpu.memory_space<hbm>>) dst(%arg6 : memref<128xi32, #tpu.memory_space<vmem>>)
      %dma_wait3A_209 = arith.constant 0 : i32
      %dma_wait3A_210 = tpu.memref_slice %arg4[%dma_wait3A_209] : memref<327680xi32, #tpu.memory_space<hbm>> -> memref<128xi32, #tpu.memory_space<hbm>>
      %dma_wait3A_211 = arith.constant 0 : i32
      %dma_wait3A_212 = tpu.memref_slice %arg4[%dma_wait3A_211] : memref<327680xi32, #tpu.memory_space<hbm>> -> memref<128xi32, #tpu.memory_space<hbm>>
      tpu.wait_dma2 semaphore(%arg17 : memref<!tpu.dma_semaphore, #tpu.memory_space<semaphore_mem>>) src(%dma_wait3A_212 : memref<128xi32, #tpu.memory_space<hbm>>) dst(%arg10 : memref<128xi32, #tpu.memory_space<vmem>>)
      %dma_wait3A_213 = arith.constant 0 : i32
      %dma_wait3A_214 = arith.constant 0 : i32
      %dma_wait3A_215 = tpu.memref_slice %arg16[%dma_wait3A_213, %dma_wait3A_214] : memref<10240x128xf32, #tpu.memory_space<vmem_shared>> -> memref<10240x128xf32, #tpu.memory_space<vmem_shared>>
      tpu.wait_indirect_dma semaphore(%arg20 : memref<!tpu.dma_semaphore, #tpu.memory_space<semaphore_mem>>) src(%arg14 : memref<128x128xf32, #tpu.memory_space<vmem>>) dst(%dma_wait3A_215 : memref<10240x128xf32, #tpu.memory_space<vmem_shared>>)
      %dma_start3A_216 = arith.constant 0 : i32
      %dma_start3A_217 = arith.constant 0 : i32
      %dma_start3A_218 = tpu.memref_slice %arg2[%dma_start3A_216, %dma_start3A_217] : memref<10000x128xf32, #tpu.memory_space<hbm>> -> memref<10000x128xf32, #tpu.memory_space<hbm>>
      tpu.enqueue_indirect_dma source(%dma_start3A_218 : memref<10000x128xf32, #tpu.memory_space<hbm>>) target(%arg14 : memref<128x128xf32, #tpu.memory_space<vmem>>) offsets(%arg6 : memref<128xi32, #tpu.memory_space<vmem>>) semaphore(%arg18 : memref<!tpu.dma_semaphore, #tpu.memory_space<semaphore_mem>>)
      %add3A_219 = arith.constant 2 : i32
      %add3A_220 = arith.addi %add3A_204, %add3A_219 : i32
      %min3A_221 = arith.constant 79 : i32
      %min3A_222 = arith.minsi %add3A_220, %min3A_221 : i32
      %add3A_223 = arith.addi %mul3A_2, %min3A_222 : i32
      %mul3A_224 = arith.constant 128 : i32
      %mul3A_225 = arith.muli %add3A_223, %mul3A_224 : i32
      %dma_start3A_226 = tpu.memref_slice %arg3[%mul3A_225] : memref<327680xi32, #tpu.memory_space<hbm>> -> memref<128xi32, #tpu.memory_space<hbm>>
      %dma_start3A_227 = tpu.memref_slice %arg3[%mul3A_225] : memref<327680xi32, #tpu.memory_space<hbm>> -> memref<128xi32, #tpu.memory_space<hbm>>
      tpu.enqueue_dma source(%dma_start3A_227 : memref<128xi32, #tpu.memory_space<hbm>>) target(%arg8 : memref<128xi32, #tpu.memory_space<vmem>>) target_semaphore(%arg17 : memref<!tpu.dma_semaphore, #tpu.memory_space<semaphore_mem>>)
      %dma_start3A_228 = tpu.memref_slice %arg4[%mul3A_225] : memref<327680xi32, #tpu.memory_space<hbm>> -> memref<128xi32, #tpu.memory_space<hbm>>
      %dma_start3A_229 = tpu.memref_slice %arg4[%mul3A_225] : memref<327680xi32, #tpu.memory_space<hbm>> -> memref<128xi32, #tpu.memory_space<hbm>>
      tpu.enqueue_dma source(%dma_start3A_229 : memref<128xi32, #tpu.memory_space<hbm>>) target(%arg12 : memref<128xi32, #tpu.memory_space<vmem>>) target_semaphore(%arg17 : memref<!tpu.dma_semaphore, #tpu.memory_space<semaphore_mem>>)
      %dma_wait3A_230 = arith.constant 0 : i32
      %dma_wait3A_231 = arith.constant 0 : i32
      %dma_wait3A_232 = tpu.memref_slice %arg2[%dma_wait3A_230, %dma_wait3A_231] : memref<10000x128xf32, #tpu.memory_space<hbm>> -> memref<10000x128xf32, #tpu.memory_space<hbm>>
      tpu.wait_indirect_dma semaphore(%arg19 : memref<!tpu.dma_semaphore, #tpu.memory_space<semaphore_mem>>) src(%dma_wait3A_232 : memref<10000x128xf32, #tpu.memory_space<hbm>>) dst(%arg15 : memref<128x128xf32, #tpu.memory_space<vmem>>)
      %dma_start3A_233 = arith.constant 0 : i32
      %dma_start3A_234 = arith.constant 0 : i32
      %dma_start3A_235 = tpu.memref_slice %arg16[%dma_start3A_233, %dma_start3A_234] : memref<10240x128xf32, #tpu.memory_space<vmem_shared>> -> memref<10240x128xf32, #tpu.memory_space<vmem_shared>>
      tpu.enqueue_indirect_dma source(%arg15 : memref<128x128xf32, #tpu.memory_space<vmem>>) target(%dma_start3A_235 : memref<10240x128xf32, #tpu.memory_space<vmem_shared>>) offsets(%arg13 : memref<128xi32, #tpu.memory_space<vmem>>) semaphore(%arg21 : memref<!tpu.dma_semaphore, #tpu.memory_space<semaphore_mem>>) {add = true}
      %mul3A_236 = arith.constant 4 : i32
      %mul3A_237 = arith.muli %mul3A_236, %while3A_200 : i32
      %add3A_238 = arith.constant 1 : i32
      %add3A_239 = arith.addi %mul3A_237, %add3A_238 : i32
      %dma_wait3A_240 = arith.constant 0 : i32
      %dma_wait3A_241 = tpu.memref_slice %arg3[%dma_wait3A_240] : memref<327680xi32, #tpu.memory_space<hbm>> -> memref<128xi32, #tpu.memory_space<hbm>>
      %dma_wait3A_242 = arith.constant 0 : i32
      %dma_wait3A_243 = tpu.memref_slice %arg3[%dma_wait3A_242] : memref<327680xi32, #tpu.memory_space<hbm>> -> memref<128xi32, #tpu.memory_space<hbm>>
      tpu.wait_dma2 semaphore(%arg17 : memref<!tpu.dma_semaphore, #tpu.memory_space<semaphore_mem>>) src(%dma_wait3A_243 : memref<128xi32, #tpu.memory_space<hbm>>) dst(%arg6 : memref<128xi32, #tpu.memory_space<vmem>>)
      %dma_wait3A_244 = arith.constant 0 : i32
      %dma_wait3A_245 = tpu.memref_slice %arg4[%dma_wait3A_244] : memref<327680xi32, #tpu.memory_space<hbm>> -> memref<128xi32, #tpu.memory_space<hbm>>
      %dma_wait3A_246 = arith.constant 0 : i32
      %dma_wait3A_247 = tpu.memref_slice %arg4[%dma_wait3A_246] : memref<327680xi32, #tpu.memory_space<hbm>> -> memref<128xi32, #tpu.memory_space<hbm>>
      tpu.wait_dma2 semaphore(%arg17 : memref<!tpu.dma_semaphore, #tpu.memory_space<semaphore_mem>>) src(%dma_wait3A_247 : memref<128xi32, #tpu.memory_space<hbm>>) dst(%arg10 : memref<128xi32, #tpu.memory_space<vmem>>)
      %dma_wait3A_248 = arith.constant 0 : i32
      %dma_wait3A_249 = arith.constant 0 : i32
      %dma_wait3A_250 = tpu.memref_slice %arg16[%dma_wait3A_248, %dma_wait3A_249] : memref<10240x128xf32, #tpu.memory_space<vmem_shared>> -> memref<10240x128xf32, #tpu.memory_space<vmem_shared>>
      tpu.wait_indirect_dma semaphore(%arg21 : memref<!tpu.dma_semaphore, #tpu.memory_space<semaphore_mem>>) src(%arg15 : memref<128x128xf32, #tpu.memory_space<vmem>>) dst(%dma_wait3A_250 : memref<10240x128xf32, #tpu.memory_space<vmem_shared>>)
      %dma_start3A_251 = arith.constant 0 : i32
      %dma_start3A_252 = arith.constant 0 : i32
      %dma_start3A_253 = tpu.memref_slice %arg2[%dma_start3A_251, %dma_start3A_252] : memref<10000x128xf32, #tpu.memory_space<hbm>> -> memref<10000x128xf32, #tpu.memory_space<hbm>>
      tpu.enqueue_indirect_dma source(%dma_start3A_253 : memref<10000x128xf32, #tpu.memory_space<hbm>>) target(%arg15 : memref<128x128xf32, #tpu.memory_space<vmem>>) offsets(%arg7 : memref<128xi32, #tpu.memory_space<vmem>>) semaphore(%arg19 : memref<!tpu.dma_semaphore, #tpu.memory_space<semaphore_mem>>)
      %add3A_254 = arith.constant 2 : i32
      %add3A_255 = arith.addi %add3A_239, %add3A_254 : i32
      %min3A_256 = arith.constant 79 : i32
      %min3A_257 = arith.minsi %add3A_255, %min3A_256 : i32
      %add3A_258 = arith.addi %mul3A_2, %min3A_257 : i32
      %mul3A_259 = arith.constant 128 : i32
      %mul3A_260 = arith.muli %add3A_258, %mul3A_259 : i32
      %dma_start3A_261 = tpu.memref_slice %arg3[%mul3A_260] : memref<327680xi32, #tpu.memory_space<hbm>> -> memref<128xi32, #tpu.memory_space<hbm>>
      %dma_start3A_262 = tpu.memref_slice %arg3[%mul3A_260] : memref<327680xi32, #tpu.memory_space<hbm>> -> memref<128xi32, #tpu.memory_space<hbm>>
      tpu.enqueue_dma source(%dma_start3A_262 : memref<128xi32, #tpu.memory_space<hbm>>) target(%arg9 : memref<128xi32, #tpu.memory_space<vmem>>) target_semaphore(%arg17 : memref<!tpu.dma_semaphore, #tpu.memory_space<semaphore_mem>>)
      %dma_start3A_263 = tpu.memref_slice %arg4[%mul3A_260] : memref<327680xi32, #tpu.memory_space<hbm>> -> memref<128xi32, #tpu.memory_space<hbm>>
      %dma_start3A_264 = tpu.memref_slice %arg4[%mul3A_260] : memref<327680xi32, #tpu.memory_space<hbm>> -> memref<128xi32, #tpu.memory_space<hbm>>
      tpu.enqueue_dma source(%dma_start3A_264 : memref<128xi32, #tpu.memory_space<hbm>>) target(%arg13 : memref<128xi32, #tpu.memory_space<vmem>>) target_semaphore(%arg17 : memref<!tpu.dma_semaphore, #tpu.memory_space<semaphore_mem>>)
      %dma_wait3A_265 = arith.constant 0 : i32
      %dma_wait3A_266 = arith.constant 0 : i32
      %dma_wait3A_267 = tpu.memref_slice %arg2[%dma_wait3A_265, %dma_wait3A_266] : memref<10000x128xf32, #tpu.memory_space<hbm>> -> memref<10000x128xf32, #tpu.memory_space<hbm>>
      tpu.wait_indirect_dma semaphore(%arg18 : memref<!tpu.dma_semaphore, #tpu.memory_space<semaphore_mem>>) src(%dma_wait3A_267 : memref<10000x128xf32, #tpu.memory_space<hbm>>) dst(%arg14 : memref<128x128xf32, #tpu.memory_space<vmem>>)
      %dma_start3A_268 = arith.constant 0 : i32
      %dma_start3A_269 = arith.constant 0 : i32
      %dma_start3A_270 = tpu.memref_slice %arg16[%dma_start3A_268, %dma_start3A_269] : memref<10240x128xf32, #tpu.memory_space<vmem_shared>> -> memref<10240x128xf32, #tpu.memory_space<vmem_shared>>
      tpu.enqueue_indirect_dma source(%arg14 : memref<128x128xf32, #tpu.memory_space<vmem>>) target(%dma_start3A_270 : memref<10240x128xf32, #tpu.memory_space<vmem_shared>>) offsets(%arg10 : memref<128xi32, #tpu.memory_space<vmem>>) semaphore(%arg20 : memref<!tpu.dma_semaphore, #tpu.memory_space<semaphore_mem>>) {add = true}
      %mul3A_271 = arith.constant 4 : i32
      %mul3A_272 = arith.muli %mul3A_271, %while3A_200 : i32
      %add3A_273 = arith.constant 2 : i32
      %add3A_274 = arith.addi %mul3A_272, %add3A_273 : i32
      %dma_wait3A_275 = arith.constant 0 : i32
      %dma_wait3A_276 = tpu.memref_slice %arg3[%dma_wait3A_275] : memref<327680xi32, #tpu.memory_space<hbm>> -> memref<128xi32, #tpu.memory_space<hbm>>
      %dma_wait3A_277 = arith.constant 0 : i32
      %dma_wait3A_278 = tpu.memref_slice %arg3[%dma_wait3A_277] : memref<327680xi32, #tpu.memory_space<hbm>> -> memref<128xi32, #tpu.memory_space<hbm>>
      tpu.wait_dma2 semaphore(%arg17 : memref<!tpu.dma_semaphore, #tpu.memory_space<semaphore_mem>>) src(%dma_wait3A_278 : memref<128xi32, #tpu.memory_space<hbm>>) dst(%arg6 : memref<128xi32, #tpu.memory_space<vmem>>)
      %dma_wait3A_279 = arith.constant 0 : i32
      %dma_wait3A_280 = tpu.memref_slice %arg4[%dma_wait3A_279] : memref<327680xi32, #tpu.memory_space<hbm>> -> memref<128xi32, #tpu.memory_space<hbm>>
      %dma_wait3A_281 = arith.constant 0 : i32
      %dma_wait3A_282 = tpu.memref_slice %arg4[%dma_wait3A_281] : memref<327680xi32, #tpu.memory_space<hbm>> -> memref<128xi32, #tpu.memory_space<hbm>>
      tpu.wait_dma2 semaphore(%arg17 : memref<!tpu.dma_semaphore, #tpu.memory_space<semaphore_mem>>) src(%dma_wait3A_282 : memref<128xi32, #tpu.memory_space<hbm>>) dst(%arg10 : memref<128xi32, #tpu.memory_space<vmem>>)
      %dma_wait3A_283 = arith.constant 0 : i32
      %dma_wait3A_284 = arith.constant 0 : i32
      %dma_wait3A_285 = tpu.memref_slice %arg16[%dma_wait3A_283, %dma_wait3A_284] : memref<10240x128xf32, #tpu.memory_space<vmem_shared>> -> memref<10240x128xf32, #tpu.memory_space<vmem_shared>>
      tpu.wait_indirect_dma semaphore(%arg20 : memref<!tpu.dma_semaphore, #tpu.memory_space<semaphore_mem>>) src(%arg14 : memref<128x128xf32, #tpu.memory_space<vmem>>) dst(%dma_wait3A_285 : memref<10240x128xf32, #tpu.memory_space<vmem_shared>>)
      %dma_start3A_286 = arith.constant 0 : i32
      %dma_start3A_287 = arith.constant 0 : i32
      %dma_start3A_288 = tpu.memref_slice %arg2[%dma_start3A_286, %dma_start3A_287] : memref<10000x128xf32, #tpu.memory_space<hbm>> -> memref<10000x128xf32, #tpu.memory_space<hbm>>
      tpu.enqueue_indirect_dma source(%dma_start3A_288 : memref<10000x128xf32, #tpu.memory_space<hbm>>) target(%arg14 : memref<128x128xf32, #tpu.memory_space<vmem>>) offsets(%arg8 : memref<128xi32, #tpu.memory_space<vmem>>) semaphore(%arg18 : memref<!tpu.dma_semaphore, #tpu.memory_space<semaphore_mem>>)
      %add3A_289 = arith.constant 2 : i32
      %add3A_290 = arith.addi %add3A_274, %add3A_289 : i32
      %min3A_291 = arith.constant 79 : i32
      %min3A_292 = arith.minsi %add3A_290, %min3A_291 : i32
      %add3A_293 = arith.addi %mul3A_2, %min3A_292 : i32
      %mul3A_294 = arith.constant 128 : i32
      %mul3A_295 = arith.muli %add3A_293, %mul3A_294 : i32
      %dma_start3A_296 = tpu.memref_slice %arg3[%mul3A_295] : memref<327680xi32, #tpu.memory_space<hbm>> -> memref<128xi32, #tpu.memory_space<hbm>>
      %dma_start3A_297 = tpu.memref_slice %arg3[%mul3A_295] : memref<327680xi32, #tpu.memory_space<hbm>> -> memref<128xi32, #tpu.memory_space<hbm>>
      tpu.enqueue_dma source(%dma_start3A_297 : memref<128xi32, #tpu.memory_space<hbm>>) target(%arg6 : memref<128xi32, #tpu.memory_space<vmem>>) target_semaphore(%arg17 : memref<!tpu.dma_semaphore, #tpu.memory_space<semaphore_mem>>)
      %dma_start3A_298 = tpu.memref_slice %arg4[%mul3A_295] : memref<327680xi32, #tpu.memory_space<hbm>> -> memref<128xi32, #tpu.memory_space<hbm>>
      %dma_start3A_299 = tpu.memref_slice %arg4[%mul3A_295] : memref<327680xi32, #tpu.memory_space<hbm>> -> memref<128xi32, #tpu.memory_space<hbm>>
      tpu.enqueue_dma source(%dma_start3A_299 : memref<128xi32, #tpu.memory_space<hbm>>) target(%arg10 : memref<128xi32, #tpu.memory_space<vmem>>) target_semaphore(%arg17 : memref<!tpu.dma_semaphore, #tpu.memory_space<semaphore_mem>>)
      %dma_wait3A_300 = arith.constant 0 : i32
      %dma_wait3A_301 = arith.constant 0 : i32
      %dma_wait3A_302 = tpu.memref_slice %arg2[%dma_wait3A_300, %dma_wait3A_301] : memref<10000x128xf32, #tpu.memory_space<hbm>> -> memref<10000x128xf32, #tpu.memory_space<hbm>>
      tpu.wait_indirect_dma semaphore(%arg19 : memref<!tpu.dma_semaphore, #tpu.memory_space<semaphore_mem>>) src(%dma_wait3A_302 : memref<10000x128xf32, #tpu.memory_space<hbm>>) dst(%arg15 : memref<128x128xf32, #tpu.memory_space<vmem>>)
      %dma_start3A_303 = arith.constant 0 : i32
      %dma_start3A_304 = arith.constant 0 : i32
      %dma_start3A_305 = tpu.memref_slice %arg16[%dma_start3A_303, %dma_start3A_304] : memref<10240x128xf32, #tpu.memory_space<vmem_shared>> -> memref<10240x128xf32, #tpu.memory_space<vmem_shared>>
      tpu.enqueue_indirect_dma source(%arg15 : memref<128x128xf32, #tpu.memory_space<vmem>>) target(%dma_start3A_305 : memref<10240x128xf32, #tpu.memory_space<vmem_shared>>) offsets(%arg11 : memref<128xi32, #tpu.memory_space<vmem>>) semaphore(%arg21 : memref<!tpu.dma_semaphore, #tpu.memory_space<semaphore_mem>>) {add = true}
      %mul3A_306 = arith.constant 4 : i32
      %mul3A_307 = arith.muli %mul3A_306, %while3A_200 : i32
      %add3A_308 = arith.constant 3 : i32
      %add3A_309 = arith.addi %mul3A_307, %add3A_308 : i32
      %dma_wait3A_310 = arith.constant 0 : i32
      %dma_wait3A_311 = tpu.memref_slice %arg3[%dma_wait3A_310] : memref<327680xi32, #tpu.memory_space<hbm>> -> memref<128xi32, #tpu.memory_space<hbm>>
      %dma_wait3A_312 = arith.constant 0 : i32
      %dma_wait3A_313 = tpu.memref_slice %arg3[%dma_wait3A_312] : memref<327680xi32, #tpu.memory_space<hbm>> -> memref<128xi32, #tpu.memory_space<hbm>>
      tpu.wait_dma2 semaphore(%arg17 : memref<!tpu.dma_semaphore, #tpu.memory_space<semaphore_mem>>) src(%dma_wait3A_313 : memref<128xi32, #tpu.memory_space<hbm>>) dst(%arg6 : memref<128xi32, #tpu.memory_space<vmem>>)
      %dma_wait3A_314 = arith.constant 0 : i32
      %dma_wait3A_315 = tpu.memref_slice %arg4[%dma_wait3A_314] : memref<327680xi32, #tpu.memory_space<hbm>> -> memref<128xi32, #tpu.memory_space<hbm>>
      %dma_wait3A_316 = arith.constant 0 : i32
      %dma_wait3A_317 = tpu.memref_slice %arg4[%dma_wait3A_316] : memref<327680xi32, #tpu.memory_space<hbm>> -> memref<128xi32, #tpu.memory_space<hbm>>
      tpu.wait_dma2 semaphore(%arg17 : memref<!tpu.dma_semaphore, #tpu.memory_space<semaphore_mem>>) src(%dma_wait3A_317 : memref<128xi32, #tpu.memory_space<hbm>>) dst(%arg10 : memref<128xi32, #tpu.memory_space<vmem>>)
      %dma_wait3A_318 = arith.constant 0 : i32
      %dma_wait3A_319 = arith.constant 0 : i32
      %dma_wait3A_320 = tpu.memref_slice %arg16[%dma_wait3A_318, %dma_wait3A_319] : memref<10240x128xf32, #tpu.memory_space<vmem_shared>> -> memref<10240x128xf32, #tpu.memory_space<vmem_shared>>
      tpu.wait_indirect_dma semaphore(%arg21 : memref<!tpu.dma_semaphore, #tpu.memory_space<semaphore_mem>>) src(%arg15 : memref<128x128xf32, #tpu.memory_space<vmem>>) dst(%dma_wait3A_320 : memref<10240x128xf32, #tpu.memory_space<vmem_shared>>)
      %dma_start3A_321 = arith.constant 0 : i32
      %dma_start3A_322 = arith.constant 0 : i32
      %dma_start3A_323 = tpu.memref_slice %arg2[%dma_start3A_321, %dma_start3A_322] : memref<10000x128xf32, #tpu.memory_space<hbm>> -> memref<10000x128xf32, #tpu.memory_space<hbm>>
      tpu.enqueue_indirect_dma source(%dma_start3A_323 : memref<10000x128xf32, #tpu.memory_space<hbm>>) target(%arg15 : memref<128x128xf32, #tpu.memory_space<vmem>>) offsets(%arg9 : memref<128xi32, #tpu.memory_space<vmem>>) semaphore(%arg19 : memref<!tpu.dma_semaphore, #tpu.memory_space<semaphore_mem>>)
      %add3A_324 = arith.constant 2 : i32
      %add3A_325 = arith.addi %add3A_309, %add3A_324 : i32
      %min3A_326 = arith.constant 79 : i32
      %min3A_327 = arith.minsi %add3A_325, %min3A_326 : i32
      %add3A_328 = arith.addi %mul3A_2, %min3A_327 : i32
      %mul3A_329 = arith.constant 128 : i32
      %mul3A_330 = arith.muli %add3A_328, %mul3A_329 : i32
      %dma_start3A_331 = tpu.memref_slice %arg3[%mul3A_330] : memref<327680xi32, #tpu.memory_space<hbm>> -> memref<128xi32, #tpu.memory_space<hbm>>
      %dma_start3A_332 = tpu.memref_slice %arg3[%mul3A_330] : memref<327680xi32, #tpu.memory_space<hbm>> -> memref<128xi32, #tpu.memory_space<hbm>>
      tpu.enqueue_dma source(%dma_start3A_332 : memref<128xi32, #tpu.memory_space<hbm>>) target(%arg7 : memref<128xi32, #tpu.memory_space<vmem>>) target_semaphore(%arg17 : memref<!tpu.dma_semaphore, #tpu.memory_space<semaphore_mem>>)
      %dma_start3A_333 = tpu.memref_slice %arg4[%mul3A_330] : memref<327680xi32, #tpu.memory_space<hbm>> -> memref<128xi32, #tpu.memory_space<hbm>>
      %dma_start3A_334 = tpu.memref_slice %arg4[%mul3A_330] : memref<327680xi32, #tpu.memory_space<hbm>> -> memref<128xi32, #tpu.memory_space<hbm>>
      tpu.enqueue_dma source(%dma_start3A_334 : memref<128xi32, #tpu.memory_space<hbm>>) target(%arg11 : memref<128xi32, #tpu.memory_space<vmem>>) target_semaphore(%arg17 : memref<!tpu.dma_semaphore, #tpu.memory_space<semaphore_mem>>)
      %dma_wait3A_335 = arith.constant 0 : i32
      %dma_wait3A_336 = arith.constant 0 : i32
      %dma_wait3A_337 = tpu.memref_slice %arg2[%dma_wait3A_335, %dma_wait3A_336] : memref<10000x128xf32, #tpu.memory_space<hbm>> -> memref<10000x128xf32, #tpu.memory_space<hbm>>
      tpu.wait_indirect_dma semaphore(%arg18 : memref<!tpu.dma_semaphore, #tpu.memory_space<semaphore_mem>>) src(%dma_wait3A_337 : memref<10000x128xf32, #tpu.memory_space<hbm>>) dst(%arg14 : memref<128x128xf32, #tpu.memory_space<vmem>>)
      %dma_start3A_338 = arith.constant 0 : i32
      %dma_start3A_339 = arith.constant 0 : i32
      %dma_start3A_340 = tpu.memref_slice %arg16[%dma_start3A_338, %dma_start3A_339] : memref<10240x128xf32, #tpu.memory_space<vmem_shared>> -> memref<10240x128xf32, #tpu.memory_space<vmem_shared>>
      tpu.enqueue_indirect_dma source(%arg14 : memref<128x128xf32, #tpu.memory_space<vmem>>) target(%dma_start3A_340 : memref<10240x128xf32, #tpu.memory_space<vmem_shared>>) offsets(%arg12 : memref<128xi32, #tpu.memory_space<vmem>>) semaphore(%arg20 : memref<!tpu.dma_semaphore, #tpu.memory_space<semaphore_mem>>) {add = true}
    }
    %dma_wait3A_165 = arith.constant 0 : i32
    %dma_wait3A_166 = arith.constant 0 : i32
    %dma_wait3A_167 = tpu.memref_slice %arg2[%dma_wait3A_165, %dma_wait3A_166] : memref<10000x128xf32, #tpu.memory_space<hbm>> -> memref<10000x128xf32, #tpu.memory_space<hbm>>
    tpu.wait_indirect_dma semaphore(%arg19 : memref<!tpu.dma_semaphore, #tpu.memory_space<semaphore_mem>>) src(%dma_wait3A_167 : memref<10000x128xf32, #tpu.memory_space<hbm>>) dst(%arg15 : memref<128x128xf32, #tpu.memory_space<vmem>>)
    %dma_start3A_168 = arith.constant 0 : i32
    %dma_start3A_169 = arith.constant 0 : i32
    %dma_start3A_170 = tpu.memref_slice %arg16[%dma_start3A_168, %dma_start3A_169] : memref<10240x128xf32, #tpu.memory_space<vmem_shared>> -> memref<10240x128xf32, #tpu.memory_space<vmem_shared>>
    tpu.enqueue_indirect_dma source(%arg15 : memref<128x128xf32, #tpu.memory_space<vmem>>) target(%dma_start3A_170 : memref<10240x128xf32, #tpu.memory_space<vmem_shared>>) offsets(%arg13 : memref<128xi32, #tpu.memory_space<vmem>>) semaphore(%arg21 : memref<!tpu.dma_semaphore, #tpu.memory_space<semaphore_mem>>) {add = true}
    %dma_wait3A_171 = arith.constant 0 : i32
    %dma_wait3A_172 = arith.constant 0 : i32
    %dma_wait3A_173 = tpu.memref_slice %arg16[%dma_wait3A_171, %dma_wait3A_172] : memref<10240x128xf32, #tpu.memory_space<vmem_shared>> -> memref<10240x128xf32, #tpu.memory_space<vmem_shared>>
    tpu.wait_indirect_dma semaphore(%arg20 : memref<!tpu.dma_semaphore, #tpu.memory_space<semaphore_mem>>) src(%arg14 : memref<128x128xf32, #tpu.memory_space<vmem>>) dst(%dma_wait3A_173 : memref<10240x128xf32, #tpu.memory_space<vmem_shared>>)
    %dma_wait3A_174 = arith.constant 0 : i32
    %dma_wait3A_175 = arith.constant 0 : i32
    %dma_wait3A_176 = tpu.memref_slice %arg16[%dma_wait3A_174, %dma_wait3A_175] : memref<10240x128xf32, #tpu.memory_space<vmem_shared>> -> memref<10240x128xf32, #tpu.memory_space<vmem_shared>>
    tpu.wait_indirect_dma semaphore(%arg21 : memref<!tpu.dma_semaphore, #tpu.memory_space<semaphore_mem>>) src(%arg15 : memref<128x128xf32, #tpu.memory_space<vmem>>) dst(%dma_wait3A_176 : memref<10240x128xf32, #tpu.memory_space<vmem_shared>>)
    %dma_wait3A_177 = arith.constant 0 : i32
    %dma_wait3A_178 = tpu.memref_slice %arg3[%dma_wait3A_177] : memref<327680xi32, #tpu.memory_space<hbm>> -> memref<128xi32, #tpu.memory_space<hbm>>
    %dma_wait3A_179 = arith.constant 0 : i32
    %dma_wait3A_180 = tpu.memref_slice %arg3[%dma_wait3A_179] : memref<327680xi32, #tpu.memory_space<hbm>> -> memref<128xi32, #tpu.memory_space<hbm>>
    tpu.wait_dma2 semaphore(%arg17 : memref<!tpu.dma_semaphore, #tpu.memory_space<semaphore_mem>>) src(%dma_wait3A_180 : memref<128xi32, #tpu.memory_space<hbm>>) dst(%arg6 : memref<128xi32, #tpu.memory_space<vmem>>)
    %dma_wait3A_181 = arith.constant 0 : i32
    %dma_wait3A_182 = tpu.memref_slice %arg4[%dma_wait3A_181] : memref<327680xi32, #tpu.memory_space<hbm>> -> memref<128xi32, #tpu.memory_space<hbm>>
    %dma_wait3A_183 = arith.constant 0 : i32
    %dma_wait3A_184 = tpu.memref_slice %arg4[%dma_wait3A_183] : memref<327680xi32, #tpu.memory_space<hbm>> -> memref<128xi32, #tpu.memory_space<hbm>>
    tpu.wait_dma2 semaphore(%arg17 : memref<!tpu.dma_semaphore, #tpu.memory_space<semaphore_mem>>) src(%dma_wait3A_184 : memref<128xi32, #tpu.memory_space<hbm>>) dst(%arg10 : memref<128xi32, #tpu.memory_space<vmem>>)
    %dma_wait3A_185 = arith.constant 0 : i32
    %dma_wait3A_186 = tpu.memref_slice %arg3[%dma_wait3A_185] : memref<327680xi32, #tpu.memory_space<hbm>> -> memref<128xi32, #tpu.memory_space<hbm>>
    %dma_wait3A_187 = arith.constant 0 : i32
    %dma_wait3A_188 = tpu.memref_slice %arg3[%dma_wait3A_187] : memref<327680xi32, #tpu.memory_space<hbm>> -> memref<128xi32, #tpu.memory_space<hbm>>
    tpu.wait_dma2 semaphore(%arg17 : memref<!tpu.dma_semaphore, #tpu.memory_space<semaphore_mem>>) src(%dma_wait3A_188 : memref<128xi32, #tpu.memory_space<hbm>>) dst(%arg6 : memref<128xi32, #tpu.memory_space<vmem>>)
    %dma_wait3A_189 = arith.constant 0 : i32
    %dma_wait3A_190 = tpu.memref_slice %arg4[%dma_wait3A_189] : memref<327680xi32, #tpu.memory_space<hbm>> -> memref<128xi32, #tpu.memory_space<hbm>>
    %dma_wait3A_191 = arith.constant 0 : i32
    %dma_wait3A_192 = tpu.memref_slice %arg4[%dma_wait3A_191] : memref<327680xi32, #tpu.memory_space<hbm>> -> memref<128xi32, #tpu.memory_space<hbm>>
    tpu.wait_dma2 semaphore(%arg17 : memref<!tpu.dma_semaphore, #tpu.memory_space<semaphore_mem>>) src(%dma_wait3A_192 : memref<128xi32, #tpu.memory_space<hbm>>) dst(%arg10 : memref<128xi32, #tpu.memory_space<vmem>>)
    %barrier3A_193 = arith.constant 0 : index
    tpu.barrier barrier_id(%barrier3A_193)
    %lt3A = arith.constant 15 : i32
    %lt3A_194 = arith.cmpi slt, %arg1, %lt3A : i32
    %convert_element_type3A = arith.extui %lt3A_194 : i1 to i32
    %cond3A = arith.constant 0 : i32
    %cond3A_195 = arith.cmpi ne, %convert_element_type3A, %cond3A : i32
    scf.if %cond3A_195 {
      %mul3A_200 = arith.constant 640 : i32
      %mul3A_201 = arith.muli %arg1, %mul3A_200 : i32
      %mul3A_202 = arith.constant 10000 : i32
      %mul3A_203 = arith.muli %arg0, %mul3A_202 : i32
      %mul3A_204 = arith.constant 640 : i32
      %mul3A_205 = arith.muli %arg1, %mul3A_204 : i32
      %add3A_206 = arith.addi %mul3A_203, %mul3A_205 : i32
      "tpu.region"() ({
        %run_scoped3A = tpu.sem_alloc : memref<!tpu.dma_semaphore, #tpu.memory_space<semaphore_mem>>
        %dma_start3A_207 = arith.constant 0 : i32
        %dma_start3A_208 = tpu.memref_slice %arg5[%add3A_206, %dma_start3A_207] : memref<20000x128xf32, #tpu.memory_space<hbm>> -> memref<640x128xf32, #tpu.memory_space<hbm>>
        %dma_start3A_209 = arith.constant 0 : i32
        %dma_start3A_210 = tpu.memref_slice %arg16[%mul3A_201, %dma_start3A_209] : memref<10240x128xf32, #tpu.memory_space<vmem_shared>> -> memref<640x128xf32, #tpu.memory_space<vmem_shared>>
        tpu.enqueue_dma source(%dma_start3A_210 : memref<640x128xf32, #tpu.memory_space<vmem_shared>>) target(%dma_start3A_208 : memref<640x128xf32, #tpu.memory_space<hbm>>) target_semaphore(%run_scoped3A : memref<!tpu.dma_semaphore, #tpu.memory_space<semaphore_mem>>)
        %dma_wait3A_211 = arith.constant 0 : i32
        %dma_wait3A_212 = tpu.memref_slice %arg5[%add3A_206, %dma_wait3A_211] : memref<20000x128xf32, #tpu.memory_space<hbm>> -> memref<640x128xf32, #tpu.memory_space<hbm>>
        %dma_wait3A_213 = arith.constant 0 : i32
        %dma_wait3A_214 = tpu.memref_slice %arg16[%mul3A_201, %dma_wait3A_213] : memref<10240x128xf32, #tpu.memory_space<vmem_shared>> -> memref<640x128xf32, #tpu.memory_space<vmem_shared>>
        tpu.wait_dma2 semaphore(%run_scoped3A : memref<!tpu.dma_semaphore, #tpu.memory_space<semaphore_mem>>) src(%dma_wait3A_214 : memref<640x128xf32, #tpu.memory_space<vmem_shared>>) dst(%dma_wait3A_212 : memref<640x128xf32, #tpu.memory_space<hbm>>)
        tpu.yield
      }) : () -> ()
    } else {
    }
    %eq3A = arith.constant 15 : i32
    %eq3A_196 = arith.cmpi eq, %arg1, %eq3A : i32
    %convert_element_type3A_197 = arith.extui %eq3A_196 : i1 to i32
    %cond3A_198 = arith.constant 0 : i32
    %cond3A_199 = arith.cmpi ne, %convert_element_type3A_197, %cond3A_198 : i32
    scf.if %cond3A_199 {
      %mul3A_200 = arith.constant 10000 : i32
      %mul3A_201 = arith.muli %arg0, %mul3A_200 : i32
      %add3A_202 = arith.constant 9600 : i32
      %add3A_203 = arith.addi %mul3A_201, %add3A_202 : i32
      "tpu.region"() ({
        %run_scoped3A = tpu.sem_alloc : memref<!tpu.dma_semaphore, #tpu.memory_space<semaphore_mem>>
        %dma_start3A_204 = arith.constant 0 : i32
        %dma_start3A_205 = tpu.memref_slice %arg5[%add3A_203, %dma_start3A_204] : memref<20000x128xf32, #tpu.memory_space<hbm>> -> memref<400x128xf32, #tpu.memory_space<hbm>>
        %dma_start3A_206 = arith.constant 9600 : i32
        %dma_start3A_207 = arith.constant 0 : i32
        %dma_start3A_208 = tpu.memref_slice %arg16[%dma_start3A_206, %dma_start3A_207] : memref<10240x128xf32, #tpu.memory_space<vmem_shared>> -> memref<400x128xf32, #tpu.memory_space<vmem_shared>>
        tpu.enqueue_dma source(%dma_start3A_208 : memref<400x128xf32, #tpu.memory_space<vmem_shared>>) target(%dma_start3A_205 : memref<400x128xf32, #tpu.memory_space<hbm>>) target_semaphore(%run_scoped3A : memref<!tpu.dma_semaphore, #tpu.memory_space<semaphore_mem>>)
        %dma_wait3A_209 = arith.constant 0 : i32
        %dma_wait3A_210 = tpu.memref_slice %arg5[%add3A_203, %dma_wait3A_209] : memref<20000x128xf32, #tpu.memory_space<hbm>> -> memref<400x128xf32, #tpu.memory_space<hbm>>
        %dma_wait3A_211 = arith.constant 9600 : i32
        %dma_wait3A_212 = arith.constant 0 : i32
        %dma_wait3A_213 = tpu.memref_slice %arg16[%dma_wait3A_211, %dma_wait3A_212] : memref<10240x128xf32, #tpu.memory_space<vmem_shared>> -> memref<400x128xf32, #tpu.memory_space<vmem_shared>>
        tpu.wait_dma2 semaphore(%run_scoped3A : memref<!tpu.dma_semaphore, #tpu.memory_space<semaphore_mem>>) src(%dma_wait3A_213 : memref<400x128xf32, #tpu.memory_space<vmem_shared>>) dst(%dma_wait3A_210 : memref<400x128xf32, #tpu.memory_space<hbm>>)
        tpu.yield
      }) : () -> ()
    } else {
    }
    return
  }
}

module attributes {stable_mosaic.version = 14 : i64} {
  func.func @body(%arg0: i32, %arg1: memref<1000x128xf32, #tpu.memory_space<vmem>>, %arg2: memref<1000x128xf32, #tpu.memory_space<vmem>>, %arg3: memref<1000x128xf32, #tpu.memory_space<vmem>>, %arg4: memref<128x128xf32, #tpu.memory_space<vmem>>, %arg5: memref<1x128xf32, #tpu.memory_space<vmem>>, %arg6: memref<128x128xf32, #tpu.memory_space<vmem>>, %arg7: memref<1000x128xf32, #tpu.memory_space<vmem>>) attributes {dimension_semantics = [#tpu.dimension_semantics<arbitrary>], iteration_bounds = array<i64: 10>, scalar_prefetch = 0 : i64, scratch_operands = 0 : i64, tpu.core_type = #tpu.core_type<tc>, window_params = [{transform_indices = @transform_0, window_bounds = array<i64: 1000, 128>}, {transform_indices = @transform_1, window_bounds = array<i64: 1000, 128>}, {transform_indices = @transform_2, window_bounds = array<i64: 1000, 128>}, {pipeline_mode = #tpu.pipeline_mode<synchronous>, transform_indices = @transform_3, window_bounds = array<i64: 128, 128>}, {pipeline_mode = #tpu.pipeline_mode<synchronous>, transform_indices = @transform_4, window_bounds = array<i64: 1, 128>}, {pipeline_mode = #tpu.pipeline_mode<synchronous>, transform_indices = @transform_5, window_bounds = array<i64: 128, 128>}, {transform_indices = @transform_6, window_bounds = array<i64: 1000, 128>}]} {
    %get3A = arith.constant 0 : index
    %get3A_0 = arith.constant 0 : index
    %get3A_1 = vector.load %arg1[%get3A, %get3A_0] : memref<1000x128xf32, #tpu.memory_space<vmem>>, vector<1000x128xf32>
    %get3A_2 = arith.constant 0 : index
    %get3A_3 = arith.constant 0 : index
    %get3A_4 = vector.load %arg2[%get3A_2, %get3A_3] : memref<1000x128xf32, #tpu.memory_space<vmem>>, vector<1000x128xf32>
    %add3A = arith.addf %get3A_1, %get3A_4 : vector<1000x128xf32>
    %get3A_5 = arith.constant 0 : index
    %get3A_6 = arith.constant 0 : index
    %get3A_7 = vector.load %arg4[%get3A_5, %get3A_6] : memref<128x128xf32, #tpu.memory_space<vmem>>, vector<128x128xf32>
    %dot_general3A = arith.constant dense<0.000000e+00> : vector<1000x128xf32>
    %dot_general3A_8 = tpu.matmul %add3A, %get3A_7, %dot_general3A {dimension_numbers = #tpu.dot_dimension_numbers<[1], [0], [0], [1], [0, 0, 1, 1], [], []>, transpose_lhs_hint = false} : vector<1000x128xf32>, vector<128x128xf32>, vector<1000x128xf32> -> vector<1000x128xf32>
    %get3A_9 = arith.constant 0 : index
    %get3A_10 = arith.constant 0 : index
    %get3A_11 = vector.load %arg5[%get3A_9, %get3A_10] : memref<1x128xf32, #tpu.memory_space<vmem>>, vector<1x128xf32>
    %add3A_12 = vector.broadcast %get3A_11 : vector<1x128xf32> to vector<1000x128xf32>
    %add3A_13 = arith.addf %dot_general3A_8, %add3A_12 : vector<1000x128xf32>
    %get3A_14 = arith.constant 0 : index
    %get3A_15 = arith.constant 0 : index
    %get3A_16 = vector.load %arg3[%get3A_14, %get3A_15] : memref<1000x128xf32, #tpu.memory_space<vmem>>, vector<1000x128xf32>
    %get3A_17 = arith.constant 0 : index
    %get3A_18 = arith.constant 0 : index
    %get3A_19 = vector.load %arg6[%get3A_17, %get3A_18] : memref<128x128xf32, #tpu.memory_space<vmem>>, vector<128x128xf32>
    %dot_general3A_20 = arith.constant dense<0.000000e+00> : vector<1000x128xf32>
    %dot_general3A_21 = tpu.matmul %get3A_16, %get3A_19, %dot_general3A_20 {dimension_numbers = #tpu.dot_dimension_numbers<[1], [0], [0], [1], [0, 0, 1, 1], [], []>, transpose_lhs_hint = false} : vector<1000x128xf32>, vector<128x128xf32>, vector<1000x128xf32> -> vector<1000x128xf32>
    %add3A_22 = arith.addf %add3A_13, %dot_general3A_21 : vector<1000x128xf32>
    %max3A = arith.constant 0.000000e+00 : f32
    %max3A_23 = vector.broadcast %max3A : f32 to vector<1000x128xf32>
    %max3A_24 = arith.maximumf %add3A_22, %max3A_23 : vector<1000x128xf32>
    %swap3A = arith.constant 0 : index
    %swap3A_25 = arith.constant 0 : index
    %swap3A_26 = vector.load %arg7[%swap3A, %swap3A_25] : memref<1000x128xf32, #tpu.memory_space<vmem>>, vector<1000x128xf32>
    tpu.vector_store %arg7[%swap3A, %swap3A_25], %max3A_24 {strides = array<i32>} : memref<1000x128xf32, #tpu.memory_space<vmem>>, vector<1000x128xf32>,
    return
  }
  func.func @transform_0(%arg0: i32) -> (i32, i32) {
    %c0_i32 = arith.constant 0 : i32
    %c0_i32_0 = arith.constant 0 : i32
    return %arg0, %c0_i32 : i32, i32
  }
  func.func @transform_1(%arg0: i32) -> (i32, i32) {
    %add3A = arith.constant 10 : i32
    %add3A_0 = arith.addi %arg0, %add3A : i32
    %c0_i32 = arith.constant 0 : i32
    %c0_i32_1 = arith.constant 0 : i32
    return %add3A_0, %c0_i32 : i32, i32
  }
  func.func @transform_2(%arg0: i32) -> (i32, i32) {
    %c0_i32 = arith.constant 0 : i32
    %c0_i32_0 = arith.constant 0 : i32
    return %arg0, %c0_i32 : i32, i32
  }
  func.func @transform_3(%arg0: i32) -> (i32, i32) {
    %c0_i32 = arith.constant 0 : i32
    %c0_i32_0 = arith.constant 0 : i32
    %c0_i32_1 = arith.constant 0 : i32
    return %c0_i32, %c0_i32_0 : i32, i32
  }
  func.func @transform_4(%arg0: i32) -> (i32, i32) {
    %c0_i32 = arith.constant 0 : i32
    %c0_i32_0 = arith.constant 0 : i32
    %c0_i32_1 = arith.constant 0 : i32
    return %c0_i32, %c0_i32_0 : i32, i32
  }
  func.func @transform_5(%arg0: i32) -> (i32, i32) {
    %c0_i32 = arith.constant 0 : i32
    %c0_i32_0 = arith.constant 0 : i32
    %c0_i32_1 = arith.constant 0 : i32
    return %c0_i32, %c0_i32_0 : i32, i32
  }
  func.func @transform_6(%arg0: i32) -> (i32, i32) {
    %c0_i32 = arith.constant 0 : i32
    %c0_i32_0 = arith.constant 0 : i32
    return %arg0, %c0_i32 : i32, i32
  }
}

module attributes {stable_mosaic.version = 14 : i64} {
  func.func @body(%arg0: i32, %arg1: memref<400x128xf32, #tpu.memory_space<vmem>>, %arg2: memref<400x128xf32, #tpu.memory_space<vmem>>, %arg3: memref<400x128xf32, #tpu.memory_space<vmem>>, %arg4: memref<128x128xf32, #tpu.memory_space<vmem>>, %arg5: memref<1x128xf32, #tpu.memory_space<vmem>>, %arg6: memref<128x128xf32, #tpu.memory_space<vmem>>, %arg7: memref<128x1xf32, #tpu.memory_space<vmem>>, %arg8: memref<1x1xf32, #tpu.memory_space<vmem>>, %arg9: memref<200x1xf32, #tpu.memory_space<vmem>>, %arg10: memref<200x128xf32, #tpu.memory_space<vmem>>, %arg11: memref<200x128xf32, #tpu.memory_space<vmem>>, %arg12: memref<200x128xf32, #tpu.memory_space<vmem>>) attributes {dimension_semantics = [#tpu.dimension_semantics<arbitrary>], iteration_bounds = array<i64: 25>, scalar_prefetch = 0 : i64, scratch_operands = 0 : i64, tpu.core_type = #tpu.core_type<tc>, window_params = [{transform_indices = @transform_0, window_bounds = array<i64: 400, 128>}, {transform_indices = @transform_1, window_bounds = array<i64: 400, 128>}, {transform_indices = @transform_2, window_bounds = array<i64: 400, 128>}, {pipeline_mode = #tpu.pipeline_mode<synchronous>, transform_indices = @transform_3, window_bounds = array<i64: 128, 128>}, {pipeline_mode = #tpu.pipeline_mode<synchronous>, transform_indices = @transform_4, window_bounds = array<i64: 1, 128>}, {pipeline_mode = #tpu.pipeline_mode<synchronous>, transform_indices = @transform_5, window_bounds = array<i64: 128, 128>}, {pipeline_mode = #tpu.pipeline_mode<synchronous>, transform_indices = @transform_6, window_bounds = array<i64: 128, 1>}, {pipeline_mode = #tpu.pipeline_mode<synchronous>, transform_indices = @transform_7, window_bounds = array<i64: 1, 1>}, {transform_indices = @transform_8, window_bounds = array<i64: 200, 1>}, {transform_indices = @transform_9, window_bounds = array<i64: 200, 128>}, {transform_indices = @transform_10, window_bounds = array<i64: 200, 128>}, {transform_indices = @transform_11, window_bounds = array<i64: 200, 128>}]} {
    %get3A = arith.constant 0 : index
    %get3A_0 = arith.constant 0 : index
    %get3A_1 = vector.load %arg1[%get3A, %get3A_0] : memref<400x128xf32, #tpu.memory_space<vmem>>, vector<400x128xf32>
    %get3A_2 = arith.constant 0 : index
    %get3A_3 = arith.constant 0 : index
    %get3A_4 = vector.load %arg2[%get3A_2, %get3A_3] : memref<400x128xf32, #tpu.memory_space<vmem>>, vector<400x128xf32>
    %add3A = arith.addf %get3A_1, %get3A_4 : vector<400x128xf32>
    %get3A_5 = arith.constant 0 : index
    %get3A_6 = arith.constant 0 : index
    %get3A_7 = vector.load %arg4[%get3A_5, %get3A_6] : memref<128x128xf32, #tpu.memory_space<vmem>>, vector<128x128xf32>
    %dot_general3A = arith.constant dense<0.000000e+00> : vector<400x128xf32>
    %dot_general3A_8 = tpu.matmul %add3A, %get3A_7, %dot_general3A {dimension_numbers = #tpu.dot_dimension_numbers<[1], [0], [0], [1], [0, 0, 1, 1], [], []>, transpose_lhs_hint = false} : vector<400x128xf32>, vector<128x128xf32>, vector<400x128xf32> -> vector<400x128xf32>
    %get3A_9 = arith.constant 0 : index
    %get3A_10 = arith.constant 0 : index
    %get3A_11 = vector.load %arg5[%get3A_9, %get3A_10] : memref<1x128xf32, #tpu.memory_space<vmem>>, vector<1x128xf32>
    %add3A_12 = vector.broadcast %get3A_11 : vector<1x128xf32> to vector<400x128xf32>
    %add3A_13 = arith.addf %dot_general3A_8, %add3A_12 : vector<400x128xf32>
    %get3A_14 = arith.constant 0 : index
    %get3A_15 = arith.constant 0 : index
    %get3A_16 = vector.load %arg3[%get3A_14, %get3A_15] : memref<400x128xf32, #tpu.memory_space<vmem>>, vector<400x128xf32>
    %get3A_17 = arith.constant 0 : index
    %get3A_18 = arith.constant 0 : index
    %get3A_19 = vector.load %arg6[%get3A_17, %get3A_18] : memref<128x128xf32, #tpu.memory_space<vmem>>, vector<128x128xf32>
    %dot_general3A_20 = arith.constant dense<0.000000e+00> : vector<400x128xf32>
    %dot_general3A_21 = tpu.matmul %get3A_16, %get3A_19, %dot_general3A_20 {dimension_numbers = #tpu.dot_dimension_numbers<[1], [0], [0], [1], [0, 0, 1, 1], [], []>, transpose_lhs_hint = false} : vector<400x128xf32>, vector<128x128xf32>, vector<400x128xf32> -> vector<400x128xf32>
    %add3A_22 = arith.addf %add3A_13, %dot_general3A_21 : vector<400x128xf32>
    %max3A = arith.constant 0.000000e+00 : f32
    %max3A_23 = vector.broadcast %max3A : f32 to vector<400x128xf32>
    %max3A_24 = arith.maximumf %add3A_22, %max3A_23 : vector<400x128xf32>
    %reshape3A = vector.shape_cast %max3A_24 : vector<400x128xf32> to vector<200x256xf32>
    %slice3A = vector.extract_strided_slice %reshape3A {offsets = [0, 0], sizes = [200, 128], strides = [1, 1]} : vector<200x256xf32> to vector<200x128xf32>
    %slice3A_25 = vector.extract_strided_slice %reshape3A {offsets = [0, 128], sizes = [200, 128], strides = [1, 1]} : vector<200x256xf32> to vector<200x128xf32>
    %sub3A = arith.subf %slice3A, %slice3A_25 : vector<200x128xf32>
    %integer_pow3A = arith.mulf %sub3A, %sub3A : vector<200x128xf32>
    %add3A_26 = arith.constant 1.000000e-03 : f32
    %add3A_27 = vector.broadcast %add3A_26 : f32 to vector<200x128xf32>
    %add3A_28 = arith.addf %integer_pow3A, %add3A_27 : vector<200x128xf32>
    %sqrt3A = math.sqrt %add3A_28 : vector<200x128xf32>
    %get3A_29 = arith.constant 0 : index
    %get3A_30 = arith.constant 0 : index
    %get3A_31 = vector.load %arg7[%get3A_29, %get3A_30] : memref<128x1xf32, #tpu.memory_space<vmem>>, vector<128x1xf32>
    %dot_general3A_32 = arith.constant dense<0.000000e+00> : vector<200x1xf32>
    %dot_general3A_33 = tpu.matmul %sqrt3A, %get3A_31, %dot_general3A_32 {dimension_numbers = #tpu.dot_dimension_numbers<[1], [0], [0], [1], [0, 0, 1, 1], [], []>, transpose_lhs_hint = false} : vector<200x128xf32>, vector<128x1xf32>, vector<200x1xf32> -> vector<200x1xf32>
    %get3A_34 = arith.constant 0 : index
    %get3A_35 = arith.constant 0 : index
    %get3A_36 = vector.load %arg8[%get3A_34, %get3A_35] : memref<1x1xf32, #tpu.memory_space<vmem>>, vector<1x1xf32>
    %add3A_37 = vector.broadcast %get3A_36 : vector<1x1xf32> to vector<200x1xf32>
    %add3A_38 = arith.addf %dot_general3A_33, %add3A_37 : vector<200x1xf32>
    %neg3A = arith.constant 0.000000e+00 : f32
    %neg3A_39 = vector.broadcast %neg3A : f32 to vector<200x1xf32>
    %neg3A_40 = arith.subf %neg3A_39, %add3A_38 : vector<200x1xf32>
    %exp3A = math.exp %neg3A_40 : vector<200x1xf32>
    %add3A_41 = arith.constant 1.000000e+00 : f32
    %add3A_42 = vector.broadcast %add3A_41 : f32 to vector<200x1xf32>
    %add3A_43 = arith.addf %add3A_42, %exp3A : vector<200x1xf32>
    %div3A = arith.constant 1.000000e+00 : f32
    %div3A_44 = vector.broadcast %div3A : f32 to vector<200x1xf32>
    %div3A_45 = arith.divf %div3A_44, %add3A_43 : vector<200x1xf32>
    %swap3A = arith.constant 0 : index
    %swap3A_46 = arith.constant 0 : index
    %swap3A_47 = vector.load %arg9[%swap3A, %swap3A_46] : memref<200x1xf32, #tpu.memory_space<vmem>>, vector<200x1xf32>
    tpu.vector_store %arg9[%swap3A, %swap3A_46], %div3A_45 {strides = array<i32>} : memref<200x1xf32, #tpu.memory_space<vmem>>, vector<200x1xf32>,
    %swap3A_48 = arith.constant 0 : index
    %swap3A_49 = arith.constant 0 : index
    %swap3A_50 = vector.load %arg10[%swap3A_48, %swap3A_49] : memref<200x128xf32, #tpu.memory_space<vmem>>, vector<200x128xf32>
    tpu.vector_store %arg10[%swap3A_48, %swap3A_49], %sqrt3A {strides = array<i32>} : memref<200x128xf32, #tpu.memory_space<vmem>>, vector<200x128xf32>,
    %swap3A_51 = arith.constant 0 : index
    %swap3A_52 = arith.constant 0 : index
    %swap3A_53 = vector.load %arg11[%swap3A_51, %swap3A_52] : memref<200x128xf32, #tpu.memory_space<vmem>>, vector<200x128xf32>
    tpu.vector_store %arg11[%swap3A_51, %swap3A_52], %slice3A {strides = array<i32>} : memref<200x128xf32, #tpu.memory_space<vmem>>, vector<200x128xf32>,
    %swap3A_54 = arith.constant 0 : index
    %swap3A_55 = arith.constant 0 : index
    %swap3A_56 = vector.load %arg12[%swap3A_54, %swap3A_55] : memref<200x128xf32, #tpu.memory_space<vmem>>, vector<200x128xf32>
    tpu.vector_store %arg12[%swap3A_54, %swap3A_55], %slice3A_25 {strides = array<i32>} : memref<200x128xf32, #tpu.memory_space<vmem>>, vector<200x128xf32>,
    return
  }
  func.func @transform_0(%arg0: i32) -> (i32, i32) {
    %c0_i32 = arith.constant 0 : i32
    %c0_i32_0 = arith.constant 0 : i32
    return %arg0, %c0_i32 : i32, i32
  }
  func.func @transform_1(%arg0: i32) -> (i32, i32) {
    %add3A = arith.constant 25 : i32
    %add3A_0 = arith.addi %arg0, %add3A : i32
    %c0_i32 = arith.constant 0 : i32
    %c0_i32_1 = arith.constant 0 : i32
    return %add3A_0, %c0_i32 : i32, i32
  }
  func.func @transform_2(%arg0: i32) -> (i32, i32) {
    %c0_i32 = arith.constant 0 : i32
    %c0_i32_0 = arith.constant 0 : i32
    return %arg0, %c0_i32 : i32, i32
  }
  func.func @transform_3(%arg0: i32) -> (i32, i32) {
    %c0_i32 = arith.constant 0 : i32
    %c0_i32_0 = arith.constant 0 : i32
    %c0_i32_1 = arith.constant 0 : i32
    return %c0_i32, %c0_i32_0 : i32, i32
  }
  func.func @transform_4(%arg0: i32) -> (i32, i32) {
    %c0_i32 = arith.constant 0 : i32
    %c0_i32_0 = arith.constant 0 : i32
    %c0_i32_1 = arith.constant 0 : i32
    return %c0_i32, %c0_i32_0 : i32, i32
  }
  func.func @transform_5(%arg0: i32) -> (i32, i32) {
    %c0_i32 = arith.constant 0 : i32
    %c0_i32_0 = arith.constant 0 : i32
    %c0_i32_1 = arith.constant 0 : i32
    return %c0_i32, %c0_i32_0 : i32, i32
  }
  func.func @transform_6(%arg0: i32) -> (i32, i32) {
    %c0_i32 = arith.constant 0 : i32
    %c0_i32_0 = arith.constant 0 : i32
    %c0_i32_1 = arith.constant 0 : i32
    return %c0_i32, %c0_i32_0 : i32, i32
  }
  func.func @transform_7(%arg0: i32) -> (i32, i32) {
    %c0_i32 = arith.constant 0 : i32
    %c0_i32_0 = arith.constant 0 : i32
    %c0_i32_1 = arith.constant 0 : i32
    return %c0_i32, %c0_i32_0 : i32, i32
  }
  func.func @transform_8(%arg0: i32) -> (i32, i32) {
    %c0_i32 = arith.constant 0 : i32
    %c0_i32_0 = arith.constant 0 : i32
    return %arg0, %c0_i32 : i32, i32
  }
  func.func @transform_9(%arg0: i32) -> (i32, i32) {
    %c0_i32 = arith.constant 0 : i32
    %c0_i32_0 = arith.constant 0 : i32
    return %arg0, %c0_i32 : i32, i32
  }
  func.func @transform_10(%arg0: i32) -> (i32, i32) {
    %c0_i32 = arith.constant 0 : i32
    %c0_i32_0 = arith.constant 0 : i32
    return %arg0, %c0_i32 : i32, i32
  }
  func.func @transform_11(%arg0: i32) -> (i32, i32) {
    %c0_i32 = arith.constant 0 : i32
    %c0_i32_0 = arith.constant 0 : i32
    return %arg0, %c0_i32 : i32, i32
  }
}

</mosaic_0001>

<sc_bundles>
// kernel: kernel.6.cloned.1.call-start
scs
__scs_entry_jumppad:
0x0: {  	(pc) =	sbr.rel $0x88, $3  }
0x1: {  	(tag) =	ssettag $0x0;
	lr =	simm.s32 $0x1  }
0x2: {  	[smem:$0x3F97] =	sst lr;
	_ =	strace $0xD0000000  }
0x3: {  	_ = 	snop  }
0x4: {  	_ = 	snop  }
0x5: {  	_ = 	snop  }
0x6: {  	_ = 	snop  }
0x7: {  	_ = 	snop  }
__scs_overlays_trampoline_lowered:
0x8: {  	[smem:$0x3FA6] =	sst s0  }
0x9: {  	[smem:$0x3FA7] =	sst s1  }
0xa: {  	[smem:$0x3FA8] =	sst s2  }
0xb: {  	[smem:$0x3FA9] =	sst s3  }
0xc: {  	[smem:$0x3FAA] =	sst s4  }
0xd: {  	[smem:$0x3FAB] =	sst s5  }
0xe: {  	[smem:$0x3FAC] =	sst s6  }
0xf: {  	[smem:$0x3FAD] =	sst s7  }
0x10: {  	[smem:$0x3FAE] =	sst s8  }
0x11: {  	[smem:$0x3FAF] =	sst s9;
	s0 =	simm.s32 @!p0 $0x0  }
0x12: {  	s1 =	sld [smem:$0x3F95];
	s0 =	simm.s32 @p0 $0x1  }
0x13: {  	[smem:$0x3FB0] =	sst s0;
	s0 =	simm.s32 @!p1 $0x0  }
0x14: {  	s2 =	sld [smem:$0x3F94];
	s0 =	simm.s32 @p1 $0x1  }
0x15: {  	[smem:$0x3FB1] =	sst s0;
	s0 =	simm.s32 @!p2 $0x0  }
0x16: {  	s3 =	sld [smem:$0x3FDB];
	s0 =	simm.s32 @p2 $0x1  }
0x17: {  	s4 =	simm.s32 $0x1BF5;
	[smem:$0x3FB3] =	sst s0  }
0x18: {  	s0 =	sld [smem:$0x3F96];
	_ =	swait.ge [sflag:s4], $0x0  }
0x19: {  	s7 =	sld [smem:$0x3F97]  }
0x1a: {  	s8 =	sadd.s32 $0xFFFFE003, lr  }
0x1b: {  	s9 =	sadd.s32 $0xFFFFFEF7, lr;
	s5 =	simm.s32 $0xFFFFFFFF;
	p2 =	slt.u32 s8, $0xFFFFF086  }
0x1c: {  	p1 =	slt.u32 s9, $0xF7A;
	s5 =	simm.s32 @!p2 $0x0  }
0x1d: {  	s5 =	simm.s32 @p1 $0x1;
	p0 =	seq.s32 s7, s2  }
0x1e: {  	s7 =	smul.u32 @!p0 $0xF7A, s2;
	p2 =	seq.s32 @!p0 s5, $0x0  }
0x1f: {  	s9 =	smul.u32 $0xF7A, s1;
	s8 =	simm.s32 @!p0 $0x1BF5;
	p2 =	por !p2, p0  }
0x20: {  	[sflag:s8] =	ssyncset.s32 @!p0 $0xFFFFF086;
	s6 =	sadd.s32 @!p0 s3, s7;
	s7 =	simm.s32 @!p0 $0x108  }
0x21: {  	s3 =	sadd.s32 s3, s9;
	s6 =	sadd.s32 @!p0 $0x88, s6;
	s7 =	simm.s32 @p2 $0x1082  }
0x22: {  	[simem:s7], [sflag:s8] =	dma.local @!p0 [hbm:s6], $0xF7A  }
0x23: {  	s9 =	sor.u32 $0xD0000000, s2;
	s6 =	simm.s32 $0x108;
	_ =	swait.ge @!p0 [sflag:s8], $0x0  }
0x24: {  	s3 =	sadd.s32 $0x88, s3;
	s6 =	simm.s32 @!p1 $0x1082;
	[sflag:s4] =	ssyncset.s32 $0xFFFFF086  }
0x25: {  	[simem:s6], [sflag:s4] =	dma.local [hbm:s3], $0xF7A  }
0x26: {  	[smem:$0x3F97] =	sst s1;
	(tag) =	ssettag s2;
	_ =	strace s9  }
0x27: {  	s1 =	sld [smem:$0x3FA7]  }
0x28: {  	s2 =	sld [smem:$0x3FA8]  }
0x29: {  	s4 =	sld [smem:$0x3FAA]  }
0x2a: {  	p0 =	seq.s32 s5, $0x0;
	s5 =	sld [smem:$0x3FAB]  }
0x2b: {  	s6 =	sld [smem:$0x3FAC]  }
0x2c: {  	s7 =	sld [smem:$0x3FAD]  }
0x2d: {  	s3 =	simm.s32 $0x108;
	s8 =	sld [smem:$0x3FAE]  }
0x2e: {  	s3 =	simm.s32 @!p0 $0x1082;
	s9 =	sld [smem:$0x3FAF]  }
0x2f: {  	lr =	sadd.s32 s0, s3;
	s0 =	sld [smem:$0x3FA6]  }
0x30: {  	s3 =	sld [smem:$0x3FA9]  }
0x31: {  	[smem:$0x3FB2] =	sst s10  }
0x32: {  	s10 =	sld [smem:$0x3FB0];
	_ =	sdelay $0x3  }
0x33: {  	p0 =	seq.s32 s10, $0x1;
	s10 =	sld [smem:$0x3FB2];
	_ =	sdelay $0x3  }
0x34: {  	[smem:$0x3FB2] =	sst s10  }
0x35: {  	s10 =	sld [smem:$0x3FB1];
	_ =	sdelay $0x3  }
0x36: {  	p1 =	seq.s32 s10, $0x1;
	s10 =	sld [smem:$0x3FB2];
	_ =	sdelay $0x3  }
0x37: {  	[smem:$0x3FB2] =	sst s10  }
0x38: {  	s10 =	sld [smem:$0x3FB3]  }
0x39: {  	_ = 	snop;
	(pc) =	sbr.ind lr, $3  }
0x3a: {  	_ = 	snop  }
0x3b: {  	_ = 	snop  }
0x3c: {  	p2 =	seq.s32 s10, $0x1;
	s10 =	sld [smem:$0x3FB2]  }
0x3d: {  	_ =	shalt  }
0x3e: {  	_ =	shalt  }
0x3f: {  	_ =	shalt  }
0x40: {  	_ =	shalt  }
0x41: {  	_ =	shalt  }
0x42: {  	_ =	shalt  }
0x43: {  	_ =	shalt  }
0x44: {  	_ =	shalt  }
0x45: {  	_ =	shalt  }
0x46: {  	_ =	shalt  }
0x47: {  	_ =	shalt  }
0x48: {  	_ =	shalt  }
0x49: {  	_ =	shalt  }
0x4a: {  	_ =	shalt  }
0x4b: {  	_ =	shalt  }
0x4c: {  	_ =	shalt  }
0x4d: {  	_ =	shalt  }
0x4e: {  	_ =	shalt  }
0x4f: {  	_ =	shalt  }
0x50: {  	_ =	shalt  }
0x51: {  	_ =	shalt  }
0x52: {  	_ =	shalt  }
0x53: {  	_ =	shalt  }
0x54: {  	_ =	shalt  }
0x55: {  	_ =	shalt  }
0x56: {  	_ =	shalt  }
0x57: {  	_ =	shalt  }
0x58: {  	_ =	shalt  }
0x59: {  	_ =	shalt  }
0x5a: {  	_ =	shalt  }
0x5b: {  	_ =	shalt  }
0x5c: {  	_ =	shalt  }
0x5d: {  	_ =	shalt  }
0x5e: {  	_ =	shalt  }
0x5f: {  	_ =	shalt  }
0x60: {  	_ =	shalt  }
0x61: {  	_ =	shalt  }
0x62: {  	_ =	shalt  }
0x63: {  	_ =	shalt  }
0x64: {  	_ =	shalt  }
0x65: {  	_ =	shalt  }
0x66: {  	_ =	shalt  }
0x67: {  	_ =	shalt  }
0x68: {  	_ =	shalt  }
0x69: {  	_ =	shalt  }
0x6a: {  	_ =	shalt  }
0x6b: {  	_ =	shalt  }
0x6c: {  	_ =	shalt  }
0x6d: {  	_ =	shalt  }
0x6e: {  	_ =	shalt  }
0x6f: {  	_ =	shalt  }
0x70: {  	_ =	shalt  }
0x71: {  	_ =	shalt  }
0x72: {  	_ =	shalt  }
0x73: {  	_ =	shalt  }
0x74: {  	_ =	shalt  }
0x75: {  	_ =	shalt  }
0x76: {  	_ =	shalt  }
0x77: {  	_ =	shalt  }
0x78: {  	_ =	shalt  }
0x79: {  	_ =	shalt  }
0x7a: {  	_ =	shalt  }
0x7b: {  	_ =	shalt  }
0x7c: {  	_ =	shalt  }
0x7d: {  	_ =	shalt  }
0x7e: {  	_ =	shalt  }
0x7f: {  	_ =	shalt  }
0x80: {  	_ =	shalt  }
0x81: {  	_ =	shalt  }
0x82: {  	_ =	shalt  }
0x83: {  	_ =	shalt  }
0x84: {  	_ =	shalt  }
0x85: {  	_ =	shalt  }
0x86: {  	_ =	shalt  }
0x87: {  	_ =	shalt  }
.Lfunc_end0:
.L_simem_size_0:
called_computation_lowered:
.L_overlay_start_0:
0x88: {  	s2 =	sld [smem:$0x3FD9]  }
0x89: {  	s3 =	sld [smem:$0x3FFE];
	_ =	sdelay $0x1  }
0x8a: {  	s1 =	srdreg.scid  }
0x8b: {  	s0 =	sand.u32 $0x1, s1  }
0x8c: {  	s14 =	sshll.u32 s0, $0xA;
	s2 =	sadd.s32 s3, s2  }
0x8d: {  	s2 =	sadd.s32 s2, s14  }
0x8e: {  	[smem:$0x3FBE] =	sst s2  }
0x8f: {  	_ = 	snop  }
0x90: {  	s2 =	sld [smem:$0x3FD0];
	_ =	sdelay $0x2  }
0x91: {  	s4 =	simm.s32 $0xA;
	s5 =	simm.s32 $0x10;
	s15 =	sld [smem:$0x3FC9]  }
0x92: {  	[smem:s5], [sflag:s4] =	dma.local [hbm:s2], $0x1  }
0x93: {  	_ =	swait.eq [sflag:s4], $0x1  }
0x94: {  	[sflag:s4] =	ssyncset.done $0x0  }
0x95: {  	s16 =	sld [smem:$0x12];
	[sflag:s4] =	ssyncadd.s32 $0xFFFFFFFF  }
0x96: {  	s17 =	sld [smem:$0x13];
	(tm) =	ssettm $0x1  }
0x97: {  	s18 =	sld [smem:$0x3FFB];
	_ =	sdelay $0x3  }
0x98: {  	_ =	strace s18  }
0x99: {  	s5 =	sld [smem:$0x3FFC];
	_ =	sdelay $0x3  }
0x9a: {  	_ =	strace s5  }
0x9b: {  	s5 =	sld [smem:$0x3FFD];
	_ =	sdelay $0x3  }
0x9c: {  	_ =	strace s5  }
0x9d: {  	_ =	strace $0x8FFFFFFF  }
0x9e: {  	s19 =	sld [smem:$0x3FDB];
	_ =	sdelay $0x1  }
0x9f: {  	s6 =	simm.s32 $_scs_section_size  }
0xa0: {  	s7 =	simm.s32 $_size__tile_overlayer_lowered;
	s8 =	simm.s32 $_tile_overlayer_lowered  }
0xa1: {  	s22 =	simm.s32 $0x1BFF;
	s21 =	sshll.u32 s8, $0x1;
	s5 =	sadd.s32 s6, s19  }
0xa2: {  	s9 =	simm.s32 $0x0;
	s20 =	sshll.u32 s7, $0x1;
	s7 =	sadd.s32 s21, s5  }
0xa3: {  	[timem:s9], [sflag:s22] =	dma.local [hbm:s7], s20  }
0xa4: {  	_ =	swait.ge [sflag:s22], s20  }
0xa5: {  	s6 =	ssub.s32 $0x0, s20;
	[sflag:s22] =	ssyncset.done $0x0  }
0xa6: {  	[sflag:s22] =	ssyncadd.s32 s6;
	_ =	sdelay $0x1  }
0xa7: {  	s23 =	simm.s32 $0x1B8B  }
0xa8: {  	_ =	swait.ge [sflag:s23], $0x1  }
0xa9: {  	[sflag:s23] =	ssyncset.done $0x0  }
0xaa: {  	s25 =	simm.s32 $0x1B8E;
	s24 =	sld [smem:$0x3FFE];
	[sflag:s23] =	ssyncadd.s32 $0xFFFFFFFF  }
0xab: {  	s26 =	simm.s32 $execute0_lowered;
	[smem:$0x3FD2] =	sst s25  }
0xac: {  	s7 =	sshll.u32 s26, $0x1;
	_ =	strace $0x80000046;
	[dreg:$0x1] =	wrdreg $0xFFFFFFFF  }
0xad: {  	s28 =	simm.s32 $_size_execute0_lowered;
	s5 =	sadd.s32 s5, s7;
	[dreg:$0x0] =	wrdreg $0x0  }
0xae: {  	s7 =	sshll.u32 s28, $0x1;
	[dreg:$0x2] =	wrdreg s5  }
0xaf: {  	[dreg:$0x3] =	wrdreg s7  }
0xb0: {  	[dreg:$0x4] =	wrdreg $0xC0  }
0xb1: {  	_ =	task [dreg:s9], $0x5FFFF  }
0xb2: {  	[dreg:$0x1] =	wrdreg $0xFFFFFFFF  }
0xb3: {  	[dreg:$0x0] =	wrdreg $0x60  }
0xb4: {  	[dreg:$0x2] =	wrdreg s15  }
0xb5: {  	[dreg:$0x3] =	wrdreg s17  }
0xb6: {  	[dreg:$0x4] =	wrdreg s16  }
0xb7: {  	[dreg:$0x5] =	wrdreg s24  }
0xb8: {  	[dreg:$0x6] =	wrdreg $0x84000  }
0xb9: {  	[dreg:$0x7] =	wrdreg $0x9  }
0xba: {  	_ =	task.clear_ibuf [dreg:s9], $0x8FFFF;
	_ =	strace $0x90000046  }
0xbb: {  	s29 =	simm.s32 $0x9;
	_ =	strace $0x80000048  }
0xbc: {  	_ =	swait.ge [sflag:s29], $0x1  }
0xbd: {  	[sflag:s29] =	ssyncadd.s32 $0xFFFFFFFF  }
0xbe: {  	_ =	strace $0x90000048  }
0xbf: {  	_ =	sfence  }
0xc0: {  	s30 =	sld [smem:$0x0];
	_ =	sdelay $0x2  }
0xc1: {  	s31 =	sshll.u32 s1, $0xD;
	s1 =	sshrl.u32 s1, $0x2  }
0xc2: {  	s3 =	sand.u32 $0x4000, s31;
	s1 =	sadd.s32 s1, s30  }
0xc3: {  	s0 =	sor.u32 s3, s0;
	s1 =	sshll.u32 s1, $0x11  }
0xc4: {  	s0 =	sor.u32 s1, s0  }
0xc5: {  	s0 =	sadd.s32 $0x8F2B, s0  }
0xc6: {  	[sflag:s0] =	ssyncadd.remote.s32 $0x1  }
0xc7: {  	_ =	sfence.sel $0xFFFF  }
0xc8: {  	[dreg:$0x0] =	wrdreg $0xFFFFFFFF;
	(pc) =	sbr.abs _section_cstart, $3  }
0xc9: {  	[dreg:$0x1] =	wrdreg $0xFFFFFFFF  }
0xca: {  	_ =	task.clear_ibuf [dreg:s9], $0x2FFFF;
	_ =	strace $0x9FFFFFFF  }
0xcb: {  	(tm) =	ssettm $0x7FFFFFFF  }
tec
execute0_lowered:
.L_overlay_start_1:
0x0: {  	(tag) =	ssettag $0x1  }
0x1: {  	s1 =	rddreg [dreg:$0x0]  }
0x2: {  	s2 =	rddreg [dreg:$0x1]  }
0x3: {  	s3 =	rddreg [dreg:$0x2];
	s16 =	stileid.u32  }
0x4: {  	s0 =	rddreg [dreg:$0x3];
	s11 =	smul.u32 $0x50000, s16  }
0x5: {  	s4 =	srdreg.scid;
	s23 =	smul.u32 $0x2800, s16  }
0x6: {  	s5 =	rddreg [dreg:$0x4];
	s4 =	sand.u32 $0x1, s4;
	s28 =	smul.u32 $0xFFFFFF60, s16  }
0x7: {  	s6 =	simm.s32 $0x0;
	s31 =	simm.s32 $0x200;
	s13 =	smul.u32 $0x27100, s4  }
0x8: {  	s7 =	sshll.u32 s16, $0x1;
	[smem:$0x7FF] =	sst s6;
	s14 =	smul.u32 $0x138800, s4  }
0x9: {  	s0 =	sadd.s32 $0x2000, s0;
	p0 =	seq.s32 s16, $0xF;
	s25 =	smul.u32 $0xFFFFFFB0, s4  }
0xa: {  	s8 =	ssub.s32 $0x2, s4;
	s7 =	sor.u32 s4, s7;
	s4 =	smul.u32 $0x500, s4  }
0xb: {  	_ =	strace $0x80000047;
	s9 =	sshrl.u32 s8, $0x1;
	s10 =	smul.u32 $0x500, s7  }
0xc: {  	s7 =	smul.u32 $0x50, s7;
	s20 =	sshrl.u32 s11, $0x2;
	s8 =	ssub.s32 s8, s9  }
0xd: {  	s11 =	sadd.s32 s20, s5;
	s26 =	sshrl.u32 s14, $0x3;
	s17 =	sadd.s32 s2, s10  }
0xe: {  	s14 =	sadd.s32 s28, s25;
	s12 =	sadd.s32 s3, s10;
	[dreg:$0x8] =	wrdreg s17  }
0xf: {  	s18 =	sor.u32 $0x10, s10;
	s28 =	sadd.s32 $0x8000, s11;
	[dreg:$0x9] =	wrdreg s12  }
0x10: {  	s21 =	sor.u32 $0x20, s10;
	s19 =	sadd.s32 s2, s18;
	[dreg:$0x19] =	wrdreg s28  }
0x11: {  	s24 =	sor.u32 $0x30, s10;
	s9 =	sadd.s32 s3, s18;
	[dreg:$0xa] =	wrdreg s19  }
0x12: {  	s29 =	sor.u32 $0x40, s10;
	s22 =	sadd.s32 s2, s21;
	[dreg:$0xb] =	wrdreg s9  }
0x13: {  	s10 =	sor.u32 $0x50, s10;
	s12 =	sadd.s32 s3, s21;
	[dreg:$0xc] =	wrdreg s22  }
0x14: {  	s30 =	sadd.s32 $0x10000, s11;
	s15 =	sadd.s32 s2, s24;
	[dreg:$0xd] =	wrdreg s12  }
0x15: {  	s17 =	sor.u32 $0x4, s7;
	s18 =	sadd.s32 s3, s29;
	[dreg:$0xe] =	wrdreg s15  }
0x16: {  	s7 =	sor.u32 $0x5, s7;
	s20 =	sadd.s32 s2, s10;
	[dreg:$0x12] =	wrdreg s18  }
0x17: {  	s21 =	sadd.s32 $0x9C4, s14;
	s14 =	simm.s32 $0x180;
	[dreg:$0x6] =	wrdreg s17  }
0x18: {  	s12 =	sadd.s32 s3, s24;
	s9 =	sadd.s32 s23, s13;
	[dreg:$0x7] =	wrdreg s7  }
0x19: {  	s13 =	sadd.s32 s2, s29;
	s19 =	smul.u32 $0xA00, s16;
	[dreg:$0x13] =	wrdreg s20  }
0x1a: {  	s22 =	sadd.s32 s3, s10;
	s7 =	smin.u32 s21, $0x50;
	s24 =	smax.u32 s8, $0x1  }
0x1b: {  	s29 =	sadd.s32 $0xC000, s11;
	s8 =	simm.s32 $0x6;
	s10 =	simm.s32 $0x100  }
0x1c: {  	s15 =	simm.s32 $0x380;
	s16 =	simm.s32 $0x2;
	[dreg:$0xf] =	wrdreg s12  }
0x1d: {  	s17 =	simm.s32 $0x3;
	s18 =	simm.s32 $0x5;
	[dreg:$0x11] =	wrdreg s13  }
0x1e: {  	s20 =	simm.s32 $0x0;
	s9 =	sadd.s32 s0, s9;
	[dreg:$0x14] =	wrdreg s22  }
0x1f: {  	s0 =	sadd.s32 s0, s26;
	s23 =	sshrl.u32 s7, $0x2;
	[dreg:$0x16] =	wrdreg s24  }
0x20: {  	s26 =	sadd.s32 $0x4000, s11;
	[dreg:$0x1a] =	wrdreg s29;
	s7 =	simm.s32 $0x400  }
0x21: {  	s12 =	simm.s32 $0x300;
	s13 =	simm.s32 $0x4400;
	[dreg:$0x10] =	wrdreg s9  }
0x22: {  	s25 =	sadd.s32 s4, s19;
	s4 =	sadd.s32 $0x12C000, s5;
	s0 =	sadd.s32 $0x25800, s0  }
0x23: {  	s24 =	sadd.s32 $0xFFFFFFFF, s23;
	[dreg:$0x18] =	wrdreg s26;
	s9 =	simm.s32 $0x1  }
0x24: {  	s19 =	simm.s32 $0x4;
	[dreg:$0x15] =	wrdreg s0;
	s0 =	sshrl.u32 @p0 s4, $0x3  }
0x25: {  	v0 =	vimm.f32 $0.0e+00;
	s4 =	simm.s32 $0x280;
	[dreg:$0x17] =	wrdreg s0;
	s0 =	simm.s32 $0x80  }
.LBB2_1:
0x26: {  	s21 =	rddreg [dreg:$0x8]  }
0x27: {  	[tilespmem:s6], [sflag:$0x1] =	stream.linear.gather [hbm4b:s21+s6], $0x80, $0x38;
	[tilespmem:$0x1C400] =	vst v63  }
0x28: {  	s26 =	rddreg [dreg:$0x9]  }
0x29: {  	[tilespmem:s31], [sflag:$0x1] =	stream.linear.gather [hbm4b:s26+s6], $0x80, $0x38;
	[tilespmem:$0x1C400] =	vst v63  }
0x2a: {  	s28 =	rddreg [dreg:$0xa]  }
0x2b: {  	[tilespmem:s0], [sflag:$0x1] =	stream.linear.gather [hbm4b:s28+s6], $0x80, $0x38;
	[tilespmem:$0x1C400] =	vst v63  }
0x2c: {  	s29 =	rddreg [dreg:$0xb];
	s22 =	simm.s32 $0x200;
	s21 =	simm.s32 $0x0  }
0x2d: {  	[tilespmem:s4], [sflag:$0x1] =	stream.linear.gather [hbm4b:s29+s6], $0x80, $0x38;
	[tilespmem:$0x1C400] =	vst v63  }
.LBB2_2:
0x2e: {  	p1 =	sne.s32 s22, $0xFE00;
	[tilespmem:s21+$0x470] =	vst v0  }
0x2f: {  	[tilespmem:s21+$0x400] =	vst v0  }
0x30: {  	[tilespmem:s21+$0x410] =	vst v0  }
.Ltmp0:
0x31: {  	[tilespmem:s21+$0x420] =	vst v0;
	(pc) =	sbr.rel @p1 .LBB2_2-.Ltmp0, $4  }
0x32: {  	[tilespmem:s21+$0x430] =	vst v0  }
0x33: {  	[tilespmem:s21+$0x440] =	vst v0  }
0x34: {  	[tilespmem:s21+$0x450] =	vst v0  }
0x35: {  	[tilespmem:s21+$0x460] =	vst v0;
	s21 =	sshra.s32 s22, $0x2;
	s22 =	sadd.s32 $0x200, s22  }
0x36: {  	[tilespmem:s21+$0x470] =	vst v0  }
0x37: {  	[tilespmem:s21+$0x400] =	vst v0  }
0x38: {  	[tilespmem:s21+$0x410] =	vst v0  }
0x39: {  	[tilespmem:s21+$0x420] =	vst v0  }
0x3a: {  	[tilespmem:s21+$0x430] =	vst v0  }
0x3b: {  	[tilespmem:s21+$0x440] =	vst v0  }
0x3c: {  	[tilespmem:s21+$0x450] =	vst v0  }
0x3d: {  	[tilespmem:s21+$0x460] =	vst v0  }
0x3e: {  	[spmem:s11] =	stream.linear.scatter [tilespmem:s7], [sflag:$0x6], $0x4000, $0x38;
	[tilespmem:$0x1C400] =	vst v63  }
0x3f: {  	_ =	swait.ge [sflag:s8], $0x4000  }
0x40: {  	[sflag:s8] =	ssyncset.done $0x0  }
0x41: {  	s26 =	rddreg [dreg:$0x18];
	[sflag:s8] =	ssyncadd.s32 $0xFFFFC000  }
0x42: {  	[spmem:s26] =	stream.linear.scatter [tilespmem:s7], [sflag:$0x6], $0x4000, $0x38;
	[tilespmem:$0x1C400] =	vst v63  }
0x43: {  	_ =	swait.ge [sflag:s8], $0x4000  }
0x44: {  	[sflag:s8] =	ssyncset.done $0x0  }
0x45: {  	s29 =	rddreg [dreg:$0x19];
	[sflag:s8] =	ssyncadd.s32 $0xFFFFC000  }
0x46: {  	[spmem:s29] =	stream.linear.scatter [tilespmem:s7], [sflag:$0x6], $0x4000, $0x38;
	[tilespmem:$0x1C400] =	vst v63  }
0x47: {  	_ =	swait.ge [sflag:s8], $0x4000  }
0x48: {  	[sflag:s8] =	ssyncset.done $0x0  }
0x49: {  	s22 =	rddreg [dreg:$0x1a];
	[sflag:s8] =	ssyncadd.s32 $0xFFFFC000  }
0x4a: {  	[spmem:s22] =	stream.linear.scatter [tilespmem:s7], [sflag:$0x6], $0x4000, $0x38;
	[tilespmem:$0x1C400] =	vst v63  }
0x4b: {  	_ =	swait.ge [sflag:s8], $0x4000  }
0x4c: {  	[sflag:s8] =	ssyncset.done $0x0  }
0x4d: {  	[sflag:s8] =	ssyncadd.s32 $0xFFFFC000  }
0x4e: {  	[spmem:s30] =	stream.linear.scatter [tilespmem:s7], [sflag:$0x6], $0x4000, $0x38;
	[tilespmem:$0x1C400] =	vst v63  }
0x4f: {  	_ =	swait.ge [sflag:s8], $0x4000  }
0x50: {  	[sflag:s8] =	ssyncset.done $0x0  }
0x51: {  	[sflag:s8] =	ssyncadd.s32 $0xFFFFC000  }
0x52: {  	[bflag:$0x0] =	sbarrier.arrive $0xFFFF  }
0x53: {  	_ =	swait.ge [sflag:s9], $0x80  }
0x54: {  	[sflag:s9] =	ssyncset.done $0x0  }
0x55: {  	[sflag:s9] =	ssyncadd.s32 $0xFFFFFF80  }
0x56: {  	_ =	swait.ge [sflag:s9], $0x80  }
0x57: {  	[sflag:s9] =	ssyncset.done $0x0  }
0x58: {  	[sflag:s9] =	ssyncadd.s32 $0xFFFFFF80  }
0x59: {  	[tilespmem:s7], [sflag:$0x2] =	stream.indirect.gather [hbm4b:s1+s0], $0x80, s6, s0, $0xb8;
	[tilespmem:$0x1C400] =	vst v63  }
0x5a: {  	s23 =	rddreg [dreg:$0xc]  }
0x5b: {  	[tilespmem:s10], [sflag:$0x1] =	stream.linear.gather [hbm4b:s23+s6], $0x80, $0x38;
	[tilespmem:$0x1C400] =	vst v63  }
0x5c: {  	s26 =	rddreg [dreg:$0xd]  }
0x5d: {  	[tilespmem:s12], [sflag:$0x1] =	stream.linear.gather [hbm4b:s26+s6], $0x80, $0x38;
	[tilespmem:$0x1C400] =	vst v63  }
0x5e: {  	_ =	swait.ge [sflag:s9], $0x80  }
0x5f: {  	[sflag:s9] =	ssyncset.done $0x0  }
0x60: {  	[sflag:s9] =	ssyncadd.s32 $0xFFFFFF80  }
0x61: {  	_ =	swait.ge [sflag:s9], $0x80  }
0x62: {  	[sflag:s9] =	ssyncset.done $0x0  }
0x63: {  	[sflag:s9] =	ssyncadd.s32 $0xFFFFFF80  }
0x64: {  	[tilespmem:s13], [sflag:$0x3] =	stream.indirect.gather [hbm4b:s1+s0], $0x80, s0, s0, $0xb8;
	[tilespmem:$0x1C400] =	vst v63  }
0x65: {  	s29 =	rddreg [dreg:$0xe]  }
0x66: {  	[tilespmem:s14], [sflag:$0x1] =	stream.linear.gather [hbm4b:s29+s6], $0x80, $0x38;
	[tilespmem:$0x1C400] =	vst v63  }
0x67: {  	s22 =	rddreg [dreg:$0xf]  }
0x68: {  	[tilespmem:s15], [sflag:$0x1] =	stream.linear.gather [hbm4b:s22+s6], $0x80, $0x38;
	[tilespmem:$0x1C400] =	vst v63  }
0x69: {  	_ =	swait.ge [sflag:s16], $0x4000  }
0x6a: {  	[sflag:s16] =	ssyncset.done $0x0  }
0x6b: {  	[sflag:s16] =	ssyncadd.s32 $0xFFFFC000  }
0x6c: {  	[spmem:s5] =	stream.indirect.scatter.add.f32 [tilespmem:s7], [sflag:$0x4], $0x80, s31, s0, $0xb8;
	[tilespmem:$0x1C400] =	vst v63  }
0x6d: {  	_ =	swait.ge [sflag:s9], $0x80  }
0x6e: {  	[sflag:s9] =	ssyncset.done $0x0  }
0x6f: {  	[sflag:s9] =	ssyncadd.s32 $0xFFFFFF80  }
0x70: {  	_ =	swait.ge [sflag:s9], $0x80  }
0x71: {  	[sflag:s9] =	ssyncset.done $0x0  }
0x72: {  	s28 =	simm.s32 $0x4;
	[sflag:s9] =	ssyncadd.s32 $0xFFFFFF80  }
0x73: {  	_ =	swait.ge [sflag:s28], $0x4000  }
0x74: {  	[sflag:s28] =	ssyncset.done $0x0  }
0x75: {  	[sflag:s28] =	ssyncadd.s32 $0xFFFFC000  }
0x76: {  	[tilespmem:s7], [sflag:$0x2] =	stream.indirect.gather [hbm4b:s1+s0], $0x80, s10, s0, $0xb8;
	[tilespmem:$0x1C400] =	vst v63  }
0x77: {  	s23 =	rddreg [dreg:$0x11]  }
0x78: {  	[tilespmem:s6], [sflag:$0x1] =	stream.linear.gather [hbm4b:s23+s6], $0x80, $0x38;
	[tilespmem:$0x1C400] =	vst v63  }
0x79: {  	s26 =	rddreg [dreg:$0x12]  }
0x7a: {  	[tilespmem:s31], [sflag:$0x1] =	stream.linear.gather [hbm4b:s26+s6], $0x80, $0x38;
	[tilespmem:$0x1C400] =	vst v63  }
0x7b: {  	_ =	swait.ge [sflag:s17], $0x4000  }
0x7c: {  	[sflag:s17] =	ssyncset.done $0x0  }
0x7d: {  	[sflag:s17] =	ssyncadd.s32 $0xFFFFC000  }
0x7e: {  	[spmem:s5] =	stream.indirect.scatter.add.f32 [tilespmem:s13], [sflag:$0x5], $0x80, s4, s0, $0xb8;
	[tilespmem:$0x1C400] =	vst v63  }
0x7f: {  	_ =	swait.ge [sflag:s9], $0x80  }
0x80: {  	[sflag:s9] =	ssyncset.done $0x0  }
0x81: {  	[sflag:s9] =	ssyncadd.s32 $0xFFFFFF80  }
0x82: {  	_ =	swait.ge [sflag:s9], $0x80  }
0x83: {  	[sflag:s9] =	ssyncset.done $0x0  }
0x84: {  	[sflag:s9] =	ssyncadd.s32 $0xFFFFFF80  }
0x85: {  	_ =	swait.ge [sflag:s18], $0x4000  }
0x86: {  	[sflag:s18] =	ssyncset.done $0x0  }
0x87: {  	[sflag:s18] =	ssyncadd.s32 $0xFFFFC000  }
0x88: {  	[tilespmem:s13], [sflag:$0x3] =	stream.indirect.gather [hbm4b:s1+s0], $0x80, s14, s0, $0xb8;
	[tilespmem:$0x1C400] =	vst v63  }
0x89: {  	s29 =	rddreg [dreg:$0x13]  }
0x8a: {  	[tilespmem:s0], [sflag:$0x1] =	stream.linear.gather [hbm4b:s29+s6], $0x80, $0x38;
	[tilespmem:$0x1C400] =	vst v63  }
0x8b: {  	s22 =	rddreg [dreg:$0x14]  }
0x8c: {  	[tilespmem:s4], [sflag:$0x1] =	stream.linear.gather [hbm4b:s22+s6], $0x80, $0x38;
	[tilespmem:$0x1C400] =	vst v63  }
0x8d: {  	_ =	swait.ge [sflag:s16], $0x4000  }
0x8e: {  	[sflag:s16] =	ssyncset.done $0x0  }
0x8f: {  	[sflag:s16] =	ssyncadd.s32 $0xFFFFC000  }
0x90: {  	[spmem:s5] =	stream.indirect.scatter.add.f32 [tilespmem:s7], [sflag:$0x4], $0x80, s12, s0, $0xb8;
	[tilespmem:$0x1C400] =	vst v63  }
0x91: {  	_ =	swait.ge [sflag:s9], $0x80  }
0x92: {  	[sflag:s9] =	ssyncset.done $0x0  }
0x93: {  	[sflag:s9] =	ssyncadd.s32 $0xFFFFFF80  }
0x94: {  	_ =	swait.ge [sflag:s9], $0x80  }
0x95: {  	[sflag:s9] =	ssyncset.done $0x0  }
0x96: {  	[sflag:s9] =	ssyncadd.s32 $0xFFFFFF80  }
0x97: {  	_ =	swait.ge [sflag:s19], $0x4000  }
0x98: {  	s23 =	sadd.s32 $0x60, s25;
	[sflag:s19] =	ssyncset.done $0x0  }
0x99: {  	s21 =	sand.u32 $0x1FFFFFE0, s23;
	[sflag:s19] =	ssyncadd.s32 $0xFFFFC000  }
0x9a: {  	[tilespmem:s7], [sflag:$0x2] =	stream.indirect.gather [hbm4b:s1+s0], $0x80, s6, s0, $0xb8;
	[tilespmem:$0x1C400] =	vst v63  }
0x9b: {  	s22 =	sadd.s32 s2, s21  }
0x9c: {  	[tilespmem:s10], [sflag:$0x1] =	stream.linear.gather [hbm4b:s22+s6], $0x80, $0x38;
	[tilespmem:$0x1C400] =	vst v63  }
0x9d: {  	s21 =	sadd.s32 s3, s21  }
0x9e: {  	[tilespmem:s12], [sflag:$0x1] =	stream.linear.gather [hbm4b:s21+s6], $0x80, $0x38;
	[tilespmem:$0x1C400] =	vst v63  }
0x9f: {  	_ =	swait.ge [sflag:s17], $0x4000  }
0xa0: {  	[sflag:s17] =	ssyncset.done $0x0  }
0xa1: {  	[sflag:s17] =	ssyncadd.s32 $0xFFFFC000  }
0xa2: {  	[spmem:s5] =	stream.indirect.scatter.add.f32 [tilespmem:s13], [sflag:$0x5], $0x80, s15, s0, $0xb8;
	[tilespmem:$0x1C400] =	vst v63  }
0xa3: {  	_ =	swait.ge [sflag:s9], $0x80  }
0xa4: {  	[sflag:s9] =	ssyncset.done $0x0  }
0xa5: {  	[sflag:s9] =	ssyncadd.s32 $0xFFFFFF80  }
0xa6: {  	_ =	swait.ge [sflag:s9], $0x80  }
0xa7: {  	[sflag:s9] =	ssyncset.done $0x0  }
0xa8: {  	[sflag:s9] =	ssyncadd.s32 $0xFFFFFF80  }
0xa9: {  	_ =	swait.ge [sflag:s18], $0x4000  }
0xaa: {  	s26 =	sadd.s32 $0x70, s25;
	[sflag:s18] =	ssyncset.done $0x0  }
0xab: {  	s21 =	sand.u32 $0x1FFFFFF0, s26;
	[sflag:s18] =	ssyncadd.s32 $0xFFFFC000  }
0xac: {  	[tilespmem:s13], [sflag:$0x3] =	stream.indirect.gather [hbm4b:s1+s0], $0x80, s0, s0, $0xb8;
	[tilespmem:$0x1C400] =	vst v63  }
0xad: {  	s29 =	sadd.s32 s2, s21  }
0xae: {  	[tilespmem:s14], [sflag:$0x1] =	stream.linear.gather [hbm4b:s29+s6], $0x80, $0x38;
	[tilespmem:$0x1C400] =	vst v63  }
0xaf: {  	p3 =	sne.s32 s24, $0x1;
	p1 =	por $0x1, $0x1;
	s21 =	sadd.s32 s3, s21  }
0xb0: {  	[tilespmem:s15], [sflag:$0x1] =	stream.linear.gather [hbm4b:s21+s6], $0x80, $0x38;
	[tilespmem:$0x1C400] =	vst v63  }
.Ltmp1:
0xb1: {  	p4 =	por $0x1, $0x1;
	_ =	swait.ge [sflag:s16], $0x4000;
	(pc) =	sbr.rel @!p3 .LBB2_5-.Ltmp1, $4  }
0xb2: {  	p2 =	por p1, p1;
	p1 =	por p4, p4;
	[sflag:s16] =	ssyncset.done $0x0  }
0xb3: {  	s23 =	simm.s32 $0x4;
	s22 =	sadd.s32 $0xFFFFFFFF, s24;
	[sflag:s16] =	ssyncadd.s32 $0xFFFFC000  }
0xb4: {  	[spmem:s5] =	stream.indirect.scatter.add.f32 [tilespmem:s7], [sflag:$0x4], $0x80, s31, s0, $0xb8;
	[tilespmem:$0x1C400] =	vst v63  }
0xb5: {  	s26 =	simm.s32 $0x4;
	s21 =	smov.u32 s25;
	_ =	swait.ge [sflag:s9], $0x80  }
.LBB2_4:
0xb6: {  	[sflag:s9] =	ssyncset.done $0x0  }
0xb7: {  	[sflag:s9] =	ssyncadd.s32 $0xFFFFFF80  }
0xb8: {  	_ =	swait.ge [sflag:s9], $0x80  }
0xb9: {  	[sflag:s9] =	ssyncset.done $0x0  }
0xba: {  	[sflag:s9] =	ssyncadd.s32 $0xFFFFFF80  }
0xbb: {  	s26 =	smov.u32 s28;
	_ =	swait.ge [sflag:s19], $0x4000  }
0xbc: {  	s26 =	simm.s32 @!p2 $0x4B;
	[sflag:s19] =	ssyncset.done $0x0;
	s29 =	rddreg [dreg:$0x6]  }
0xbd: {  	[sflag:s19] =	ssyncadd.s32 $0xFFFFC000;
	s26 =	sadd.s32 s29, s26  }
0xbe: {  	[tilespmem:s7], [sflag:$0x2] =	stream.indirect.gather [hbm4b:s1+s0], $0x80, s10, s0, $0xb8;
	[tilespmem:$0x1C400] =	vst v63  }
0xbf: {  	s26 =	sshll.u32 s26, $0x4  }
0xc0: {  	s26 =	sand.u32 $0x1FFFFFF0, s26  }
0xc1: {  	s29 =	sadd.s32 s2, s26  }
0xc2: {  	[tilespmem:s6], [sflag:$0x1] =	stream.linear.gather [hbm4b:s29+s6], $0x80, $0x38;
	[tilespmem:$0x1C400] =	vst v63  }
0xc3: {  	s26 =	sadd.s32 s3, s26  }
0xc4: {  	[tilespmem:s31], [sflag:$0x1] =	stream.linear.gather [hbm4b:s26+s6], $0x80, $0x38;
	[tilespmem:$0x1C400] =	vst v63  }
0xc5: {  	_ =	swait.ge [sflag:s17], $0x4000  }
0xc6: {  	[sflag:s17] =	ssyncset.done $0x0  }
0xc7: {  	[sflag:s17] =	ssyncadd.s32 $0xFFFFC000  }
0xc8: {  	[spmem:s5] =	stream.indirect.scatter.add.f32 [tilespmem:s13], [sflag:$0x5], $0x80, s4, s0, $0xb8;
	[tilespmem:$0x1C400] =	vst v63  }
0xc9: {  	_ =	swait.ge [sflag:s9], $0x80  }
0xca: {  	[sflag:s9] =	ssyncset.done $0x0  }
0xcb: {  	[sflag:s9] =	ssyncadd.s32 $0xFFFFFF80  }
0xcc: {  	_ =	swait.ge [sflag:s9], $0x80  }
0xcd: {  	[sflag:s9] =	ssyncset.done $0x0  }
0xce: {  	[sflag:s9] =	ssyncadd.s32 $0xFFFFFF80  }
0xcf: {  	_ =	swait.ge [sflag:s18], $0x4000  }
0xd0: {  	s28 =	simm.s32 @!p1 $0x4A;
	s29 =	rddreg [dreg:$0x7]  }
0xd1: {  	[sflag:s18] =	ssyncset.done $0x0;
	s28 =	sadd.s32 s29, s28  }
0xd2: {  	[sflag:s18] =	ssyncadd.s32 $0xFFFFC000;
	s28 =	sshll.u32 s28, $0x4  }
0xd3: {  	[tilespmem:s13], [sflag:$0x3] =	stream.indirect.gather [hbm4b:s1+s0], $0x80, s14, s0, $0xb8;
	[tilespmem:$0x1C400] =	vst v63  }
0xd4: {  	s28 =	sand.u32 $0x1FFFFFF0, s28  }
0xd5: {  	s29 =	sadd.s32 s2, s28  }
0xd6: {  	[tilespmem:s0], [sflag:$0x1] =	stream.linear.gather [hbm4b:s29+s6], $0x80, $0x38;
	[tilespmem:$0x1C400] =	vst v63  }
0xd7: {  	s28 =	sadd.s32 s3, s28  }
0xd8: {  	[tilespmem:s4], [sflag:$0x1] =	stream.linear.gather [hbm4b:s28+s6], $0x80, $0x38;
	[tilespmem:$0x1C400] =	vst v63  }
0xd9: {  	_ =	swait.ge [sflag:s16], $0x4000  }
0xda: {  	[sflag:s16] =	ssyncset.done $0x0  }
0xdb: {  	[sflag:s16] =	ssyncadd.s32 $0xFFFFC000  }
0xdc: {  	[spmem:s5] =	stream.indirect.scatter.add.f32 [tilespmem:s7], [sflag:$0x4], $0x80, s12, s0, $0xb8;
	[tilespmem:$0x1C400] =	vst v63  }
0xdd: {  	_ =	swait.ge [sflag:s9], $0x80  }
0xde: {  	[sflag:s9] =	ssyncset.done $0x0  }
0xdf: {  	[sflag:s9] =	ssyncadd.s32 $0xFFFFFF80  }
0xe0: {  	_ =	swait.ge [sflag:s9], $0x80  }
0xe1: {  	[sflag:s9] =	ssyncset.done $0x0  }
0xe2: {  	[sflag:s9] =	ssyncadd.s32 $0xFFFFFF80  }
0xe3: {  	s21 =	sadd.s32 $0x40, s21;
	_ =	swait.ge [sflag:s19], $0x4000  }
0xe4: {  	s28 =	sadd.s32 $0x60, s21;
	[sflag:s19] =	ssyncset.done $0x0  }
0xe5: {  	s28 =	sand.u32 $0x1FFFFFE0, s28;
	[sflag:s19] =	ssyncadd.s32 $0xFFFFC000  }
0xe6: {  	[tilespmem:s7], [sflag:$0x2] =	stream.indirect.gather [hbm4b:s1+s0], $0x80, s6, s0, $0xb8;
	[tilespmem:$0x1C400] =	vst v63  }
0xe7: {  	s29 =	sadd.s32 s2, s28  }
0xe8: {  	[tilespmem:s10], [sflag:$0x1] =	stream.linear.gather [hbm4b:s29+s6], $0x80, $0x38;
	[tilespmem:$0x1C400] =	vst v63  }
0xe9: {  	s28 =	sadd.s32 s3, s28  }
0xea: {  	[tilespmem:s12], [sflag:$0x1] =	stream.linear.gather [hbm4b:s28+s6], $0x80, $0x38;
	[tilespmem:$0x1C400] =	vst v63  }
0xeb: {  	_ =	swait.ge [sflag:s17], $0x4000  }
0xec: {  	[sflag:s17] =	ssyncset.done $0x0  }
0xed: {  	[sflag:s17] =	ssyncadd.s32 $0xFFFFC000  }
0xee: {  	[spmem:s5] =	stream.indirect.scatter.add.f32 [tilespmem:s13], [sflag:$0x5], $0x80, s15, s0, $0xb8;
	[tilespmem:$0x1C400] =	vst v63  }
0xef: {  	_ =	swait.ge [sflag:s9], $0x80  }
0xf0: {  	[sflag:s9] =	ssyncset.done $0x0  }
0xf1: {  	[sflag:s9] =	ssyncadd.s32 $0xFFFFFF80  }
0xf2: {  	_ =	swait.ge [sflag:s9], $0x80  }
0xf3: {  	[sflag:s9] =	ssyncset.done $0x0  }
0xf4: {  	[sflag:s9] =	ssyncadd.s32 $0xFFFFFF80  }
0xf5: {  	_ =	swait.ge [sflag:s18], $0x4000  }
0xf6: {  	s28 =	sadd.s32 $0x70, s21;
	[sflag:s18] =	ssyncset.done $0x0  }
0xf7: {  	s28 =	sand.u32 $0x1FFFFFF0, s28;
	[sflag:s18] =	ssyncadd.s32 $0xFFFFC000  }
0xf8: {  	[tilespmem:s13], [sflag:$0x3] =	stream.indirect.gather [hbm4b:s1+s0], $0x80, s0, s0, $0xb8;
	[tilespmem:$0x1C400] =	vst v63  }
0xf9: {  	s29 =	sadd.s32 s2, s28  }
0xfa: {  	[tilespmem:s14], [sflag:$0x1] =	stream.linear.gather [hbm4b:s29+s6], $0x80, $0x38;
	[tilespmem:$0x1C400] =	vst v63  }
0xfb: {  	s23 =	sadd.s32 $0x4, s23;
	p3 =	sne.s32 s22, $0x1;
	s28 =	sadd.s32 s3, s28  }
0xfc: {  	[tilespmem:s15], [sflag:$0x1] =	stream.linear.gather [hbm4b:s28+s6], $0x80, $0x38;
	[tilespmem:$0x1C400] =	vst v63  }
.Ltmp2:
0xfd: {  	s22 =	sadd.s32 $0xFFFFFFFF, s22;
	_ =	swait.ge [sflag:s16], $0x4000;
	(pc) =	sbr.rel @p3 .LBB2_4-.Ltmp2, $4  }
0xfe: {  	p5 =	slt.s32 s23, $0x4B;
	p4 =	slt.s32 s23, $0x4A;
	[sflag:s16] =	ssyncset.done $0x0  }
0xff: {  	p2 =	por p5, p5;
	s26 =	smov.u32 s23;
	[sflag:s16] =	ssyncadd.s32 $0xFFFFC000  }
0x100: {  	[spmem:s5] =	stream.indirect.scatter.add.f32 [tilespmem:s7], [sflag:$0x4], $0x80, s31, s0, $0xb8;
	[tilespmem:$0x1C400] =	vst v63  }
0x101: {  	p1 =	por p4, p4;
	s28 =	smov.u32 s26;
	_ =	swait.ge [sflag:s9], $0x80  }
.LBB2_5:
0x102: {  	[sflag:s9] =	ssyncset.done $0x0  }
0x103: {  	[sflag:s9] =	ssyncadd.s32 $0xFFFFFF80  }
0x104: {  	_ =	swait.ge [sflag:s9], $0x80  }
0x105: {  	[sflag:s9] =	ssyncset.done $0x0  }
0x106: {  	[sflag:s9] =	ssyncadd.s32 $0xFFFFFF80  }
0x107: {  	s22 =	smov.u32 s26;
	_ =	swait.ge [sflag:s19], $0x4000  }
0x108: {  	s22 =	simm.s32 @!p2 $0x4B;
	[sflag:s19] =	ssyncset.done $0x0;
	s21 =	rddreg [dreg:$0x6]  }
0x109: {  	[sflag:s19] =	ssyncadd.s32 $0xFFFFC000;
	s21 =	sadd.s32 s21, s22  }
0x10a: {  	[tilespmem:s7], [sflag:$0x2] =	stream.indirect.gather [hbm4b:s1+s0], $0x80, s10, s0, $0xb8;
	[tilespmem:$0x1C400] =	vst v63  }
0x10b: {  	s21 =	sshll.u32 s21, $0x4  }
0x10c: {  	s21 =	sand.u32 $0x1FFFFFF0, s21  }
0x10d: {  	s29 =	sadd.s32 s2, s21  }
0x10e: {  	[tilespmem:s6], [sflag:$0x1] =	stream.linear.gather [hbm4b:s29+s6], $0x80, $0x38;
	[tilespmem:$0x1C400] =	vst v63  }
0x10f: {  	s21 =	sadd.s32 s3, s21  }
0x110: {  	[tilespmem:s31], [sflag:$0x1] =	stream.linear.gather [hbm4b:s21+s6], $0x80, $0x38;
	[tilespmem:$0x1C400] =	vst v63  }
0x111: {  	_ =	swait.ge [sflag:s17], $0x4000  }
0x112: {  	[sflag:s17] =	ssyncset.done $0x0  }
0x113: {  	[sflag:s17] =	ssyncadd.s32 $0xFFFFC000  }
0x114: {  	[spmem:s5] =	stream.indirect.scatter.add.f32 [tilespmem:s13], [sflag:$0x5], $0x80, s4, s0, $0xb8;
	[tilespmem:$0x1C400] =	vst v63  }
0x115: {  	_ =	swait.ge [sflag:s9], $0x80  }
0x116: {  	[sflag:s9] =	ssyncset.done $0x0  }
0x117: {  	[sflag:s9] =	ssyncadd.s32 $0xFFFFFF80  }
0x118: {  	_ =	swait.ge [sflag:s9], $0x80  }
0x119: {  	[sflag:s9] =	ssyncset.done $0x0  }
0x11a: {  	[sflag:s9] =	ssyncadd.s32 $0xFFFFFF80  }
0x11b: {  	_ =	swait.ge [sflag:s18], $0x4000  }
0x11c: {  	s26 =	simm.s32 @!p1 $0x4A;
	s23 =	rddreg [dreg:$0x7]  }
0x11d: {  	[sflag:s18] =	ssyncset.done $0x0;
	s21 =	sadd.s32 s23, s26  }
0x11e: {  	[sflag:s18] =	ssyncadd.s32 $0xFFFFC000;
	s21 =	sshll.u32 s21, $0x4  }
0x11f: {  	[tilespmem:s13], [sflag:$0x3] =	stream.indirect.gather [hbm4b:s1+s0], $0x80, s14, s0, $0xb8;
	[tilespmem:$0x1C400] =	vst v63  }
0x120: {  	s21 =	sand.u32 $0x1FFFFFF0, s21  }
0x121: {  	s28 =	sadd.s32 s2, s21  }
0x122: {  	[tilespmem:s0], [sflag:$0x1] =	stream.linear.gather [hbm4b:s28+s6], $0x80, $0x38;
	[tilespmem:$0x1C400] =	vst v63  }
0x123: {  	s21 =	sadd.s32 s3, s21  }
0x124: {  	[tilespmem:s4], [sflag:$0x1] =	stream.linear.gather [hbm4b:s21+s6], $0x80, $0x38;
	[tilespmem:$0x1C400] =	vst v63  }
0x125: {  	_ =	swait.ge [sflag:s16], $0x4000  }
0x126: {  	[sflag:s16] =	ssyncset.done $0x0  }
0x127: {  	[sflag:s16] =	ssyncadd.s32 $0xFFFFC000  }
0x128: {  	[spmem:s5] =	stream.indirect.scatter.add.f32 [tilespmem:s7], [sflag:$0x4], $0x80, s12, s0, $0xb8;
	[tilespmem:$0x1C400] =	vst v63  }
0x129: {  	_ =	swait.ge [sflag:s17], $0x4000  }
0x12a: {  	[sflag:s17] =	ssyncset.done $0x0  }
0x12b: {  	[sflag:s17] =	ssyncadd.s32 $0xFFFFC000  }
0x12c: {  	[spmem:s5] =	stream.indirect.scatter.add.f32 [tilespmem:s13], [sflag:$0x5], $0x80, s15, s0, $0xb8;
	[tilespmem:$0x1C400] =	vst v63  }
0x12d: {  	_ =	swait.ge [sflag:s19], $0x4000  }
0x12e: {  	[sflag:s19] =	ssyncset.done $0x0  }
0x12f: {  	[sflag:s19] =	ssyncadd.s32 $0xFFFFC000  }
0x130: {  	_ =	swait.ge [sflag:s18], $0x4000  }
0x131: {  	[sflag:s18] =	ssyncset.done $0x0  }
0x132: {  	[sflag:s18] =	ssyncadd.s32 $0xFFFFC000  }
0x133: {  	_ =	swait.ge [sflag:s9], $0x80  }
0x134: {  	[sflag:s9] =	ssyncset.done $0x0  }
0x135: {  	[sflag:s9] =	ssyncadd.s32 $0xFFFFFF80  }
0x136: {  	_ =	swait.ge [sflag:s9], $0x80  }
0x137: {  	[sflag:s9] =	ssyncset.done $0x0  }
0x138: {  	[sflag:s9] =	ssyncadd.s32 $0xFFFFFF80  }
0x139: {  	_ =	swait.ge [sflag:s9], $0x80  }
0x13a: {  	[sflag:s9] =	ssyncset.done $0x0  }
0x13b: {  	[sflag:s9] =	ssyncadd.s32 $0xFFFFFF80  }
0x13c: {  	_ =	swait.ge [sflag:s9], $0x80  }
0x13d: {  	[sflag:s9] =	ssyncset.done $0x0  }
0x13e: {  	[sflag:s9] =	ssyncadd.s32 $0xFFFFFF80  }
0x13f: {  	[bflag:$0x0] =	sbarrier.arrive $0xFFFF  }
0x140: {  	s22 =	rddreg [dreg:$0x15]  }
0x141: {  	s21 =	simm.s32 @p0 $0x1FC6;
	s23 =	rddreg [dreg:$0x17]  }
0x142: {  	[hbm:s22], [sflag:s21] =	dma.local @p0 [spmem:s23], $0x1900  }
0x143: {  	s21 =	simm.s32 @p0 $0x6  }
0x144: {  	s22 =	stileid.u32;
	_ =	swait.ge @p0 [sflag:s21], $0x1900  }
0x145: {  	s22 =	sshll.u32 @!p0 s22, $0x6;
	[sflag:s21] =	ssyncset.done @p0 $0x0;
	s23 =	rddreg [dreg:$0x10]  }
0x146: {  	[sflag:s21] =	ssyncadd.s32 @p0 $0xFFFFE700;
	s21 =	sor.u32 @!p0 $0x1C06, s22;
	s22 =	sshrl.u32 @!p0 s11, $0x3  }
0x147: {  	[hbm:s23], [sflag:s21] =	dma.local @!p0 [spmem:s22], $0x2800  }
0x148: {  	s21 =	simm.s32 @!p0 $0x6  }
0x149: {  	_ =	swait.ge @!p0 [sflag:s21], $0x2800  }
0x14a: {  	s20 =	sadd.s32 $0x1, s20;
	s29 =	rddreg [dreg:$0x16]  }
0x14b: {  	p1 =	sne.s32 s20, s29  }
.Ltmp3:
0x14c: {  	_ = 	snop;
	(pc) =	sbr.rel @p1 .LBB2_1-.Ltmp3, $3  }
0x14d: {  	_ =	sdelay $0x1  }
0x14e: {  	[sflag:s21] =	ssyncset.done @!p0 $0x0  }
0x14f: {  	[sflag:s21] =	ssyncadd.s32 @!p0 $0xFFFFD800  }
0x150: {  	_ =	sfence.sel $0x180000  }
0x151: {  	[bflag:$0x0] =	sbarrier.arrive $0xFFFF  }
0x152: {  	_ =	strace $0x90000047  }
0x153: {  	s0 =	stileid.u32;
	[bflag:$0x2] =	sbarrier.arrive $0xFFFF  }
0x154: {  	p0 =	sne.s32 s0, $0x0;
	s0 =	rddreg [dreg:$0x5]  }
0x155: {  	s0 =	sadd.s32 @!p0 $0x100000, s0  }
0x156: {  	[sflag:s0] =	ssyncadd.tile.s32 @!p0 $0x1;
	_ =	shalt  }
.Lfunc_end2:
_tile_overlayer_lowered:
.L_overlay_start_2:
0x157: {  	(tag) =	ssettag $0x2  }
0x158: {  	s0 =	rddreg [dreg:$0x0];
	s2 =	stileid.u32  }
0x159: {  	s1 =	rddreg [dreg:$0x1];
	p0 =	sne.s32 s2, $0x0  }
0x15a: {  	s3 =	rddreg [dreg:$0x2];
	[bflag:$0x3] =	sbarrier.arrive $0xFFFF;
	s2 =	simm.s32 @!p0 $0x1C06  }
0x15b: {  	[timem:s3], [sflag:s2] =	dma.local @!p0 [hbm:s0], s1  }
0x15c: {  	s0 =	simm.s32 @!p0 $0x6  }
0x15d: {  	_ =	swait.ge @!p0 [sflag:s0], s1  }
0x15e: {  	s1 =	ssub.s32 @!p0 $0x0, s1;
	[sflag:s0] =	ssyncset.done @!p0 $0x0  }
0x15f: {  	[sflag:s0] =	ssyncadd.s32 @!p0 s1  }
0x160: {  	[bflag:$0x3] =	sbarrier.arrive $0xFFFF  }
0x161: {  	_ =	shalt  }

// kernel: kernel.9.cloned.1.call-start
scs
__scs_entry_jumppad:
0x0: {  	(pc) =	sbr.rel $0x88, $3  }
0x1: {  	(tag) =	ssettag $0x0;
	lr =	simm.s32 $0x1  }
0x2: {  	[smem:$0x3F97] =	sst lr;
	_ =	strace $0xD0000000  }
0x3: {  	_ = 	snop  }
0x4: {  	_ = 	snop  }
0x5: {  	_ = 	snop  }
0x6: {  	_ = 	snop  }
0x7: {  	_ = 	snop  }
__scs_overlays_trampoline_lowered:
0x8: {  	[smem:$0x3FA6] =	sst s0  }
0x9: {  	[smem:$0x3FA7] =	sst s1  }
0xa: {  	[smem:$0x3FA8] =	sst s2  }
0xb: {  	[smem:$0x3FA9] =	sst s3  }
0xc: {  	[smem:$0x3FAA] =	sst s4  }
0xd: {  	[smem:$0x3FAB] =	sst s5  }
0xe: {  	[smem:$0x3FAC] =	sst s6  }
0xf: {  	[smem:$0x3FAD] =	sst s7  }
0x10: {  	[smem:$0x3FAE] =	sst s8  }
0x11: {  	[smem:$0x3FAF] =	sst s9;
	s0 =	simm.s32 @!p0 $0x0  }
0x12: {  	s1 =	sld [smem:$0x3F95];
	s0 =	simm.s32 @p0 $0x1  }
0x13: {  	[smem:$0x3FB0] =	sst s0;
	s0 =	simm.s32 @!p1 $0x0  }
0x14: {  	s2 =	sld [smem:$0x3F94];
	s0 =	simm.s32 @p1 $0x1  }
0x15: {  	[smem:$0x3FB1] =	sst s0;
	s0 =	simm.s32 @!p2 $0x0  }
0x16: {  	s3 =	sld [smem:$0x3FDB];
	s0 =	simm.s32 @p2 $0x1  }
0x17: {  	s4 =	simm.s32 $0x1BF5;
	[smem:$0x3FB3] =	sst s0  }
0x18: {  	s0 =	sld [smem:$0x3F96];
	_ =	swait.ge [sflag:s4], $0x0  }
0x19: {  	s7 =	sld [smem:$0x3F97]  }
0x1a: {  	s8 =	sadd.s32 $0xFFFFE003, lr  }
0x1b: {  	s9 =	sadd.s32 $0xFFFFFEF7, lr;
	s5 =	simm.s32 $0xFFFFFFFF;
	p2 =	slt.u32 s8, $0xFFFFF086  }
0x1c: {  	p1 =	slt.u32 s9, $0xF7A;
	s5 =	simm.s32 @!p2 $0x0  }
0x1d: {  	s5 =	simm.s32 @p1 $0x1;
	p0 =	seq.s32 s7, s2  }
0x1e: {  	s7 =	smul.u32 @!p0 $0xF7A, s2;
	p2 =	seq.s32 @!p0 s5, $0x0  }
0x1f: {  	s9 =	smul.u32 $0xF7A, s1;
	s8 =	simm.s32 @!p0 $0x1BF5;
	p2 =	por !p2, p0  }
0x20: {  	[sflag:s8] =	ssyncset.s32 @!p0 $0xFFFFF086;
	s6 =	sadd.s32 @!p0 s3, s7;
	s7 =	simm.s32 @!p0 $0x108  }
0x21: {  	s3 =	sadd.s32 s3, s9;
	s6 =	sadd.s32 @!p0 $0x88, s6;
	s7 =	simm.s32 @p2 $0x1082  }
0x22: {  	[simem:s7], [sflag:s8] =	dma.local @!p0 [hbm:s6], $0xF7A  }
0x23: {  	s9 =	sor.u32 $0xD0000000, s2;
	s6 =	simm.s32 $0x108;
	_ =	swait.ge @!p0 [sflag:s8], $0x0  }
0x24: {  	s3 =	sadd.s32 $0x88, s3;
	s6 =	simm.s32 @!p1 $0x1082;
	[sflag:s4] =	ssyncset.s32 $0xFFFFF086  }
0x25: {  	[simem:s6], [sflag:s4] =	dma.local [hbm:s3], $0xF7A  }
0x26: {  	[smem:$0x3F97] =	sst s1;
	(tag) =	ssettag s2;
	_ =	strace s9  }
0x27: {  	s1 =	sld [smem:$0x3FA7]  }
0x28: {  	s2 =	sld [smem:$0x3FA8]  }
0x29: {  	s4 =	sld [smem:$0x3FAA]  }
0x2a: {  	p0 =	seq.s32 s5, $0x0;
	s5 =	sld [smem:$0x3FAB]  }
0x2b: {  	s6 =	sld [smem:$0x3FAC]  }
0x2c: {  	s7 =	sld [smem:$0x3FAD]  }
0x2d: {  	s3 =	simm.s32 $0x108;
	s8 =	sld [smem:$0x3FAE]  }
0x2e: {  	s3 =	simm.s32 @!p0 $0x1082;
	s9 =	sld [smem:$0x3FAF]  }
0x2f: {  	lr =	sadd.s32 s0, s3;
	s0 =	sld [smem:$0x3FA6]  }
0x30: {  	s3 =	sld [smem:$0x3FA9]  }
0x31: {  	[smem:$0x3FB2] =	sst s10  }
0x32: {  	s10 =	sld [smem:$0x3FB0];
	_ =	sdelay $0x3  }
0x33: {  	p0 =	seq.s32 s10, $0x1;
	s10 =	sld [smem:$0x3FB2];
	_ =	sdelay $0x3  }
0x34: {  	[smem:$0x3FB2] =	sst s10  }
0x35: {  	s10 =	sld [smem:$0x3FB1];
	_ =	sdelay $0x3  }
0x36: {  	p1 =	seq.s32 s10, $0x1;
	s10 =	sld [smem:$0x3FB2];
	_ =	sdelay $0x3  }
0x37: {  	[smem:$0x3FB2] =	sst s10  }
0x38: {  	s10 =	sld [smem:$0x3FB3]  }
0x39: {  	_ = 	snop;
	(pc) =	sbr.ind lr, $3  }
0x3a: {  	_ = 	snop  }
0x3b: {  	_ = 	snop  }
0x3c: {  	p2 =	seq.s32 s10, $0x1;
	s10 =	sld [smem:$0x3FB2]  }
0x3d: {  	_ =	shalt  }
0x3e: {  	_ =	shalt  }
0x3f: {  	_ =	shalt  }
0x40: {  	_ =	shalt  }
0x41: {  	_ =	shalt  }
0x42: {  	_ =	shalt  }
0x43: {  	_ =	shalt  }
0x44: {  	_ =	shalt  }
0x45: {  	_ =	shalt  }
0x46: {  	_ =	shalt  }
0x47: {  	_ =	shalt  }
0x48: {  	_ =	shalt  }
0x49: {  	_ =	shalt  }
0x4a: {  	_ =	shalt  }
0x4b: {  	_ =	shalt  }
0x4c: {  	_ =	shalt  }
0x4d: {  	_ =	shalt  }
0x4e: {  	_ =	shalt  }
0x4f: {  	_ =	shalt  }
0x50: {  	_ =	shalt  }
0x51: {  	_ =	shalt  }
0x52: {  	_ =	shalt  }
0x53: {  	_ =	shalt  }
0x54: {  	_ =	shalt  }
0x55: {  	_ =	shalt  }
0x56: {  	_ =	shalt  }
0x57: {  	_ =	shalt  }
0x58: {  	_ =	shalt  }
0x59: {  	_ =	shalt  }
0x5a: {  	_ =	shalt  }
0x5b: {  	_ =	shalt  }
0x5c: {  	_ =	shalt  }
0x5d: {  	_ =	shalt  }
0x5e: {  	_ =	shalt  }
0x5f: {  	_ =	shalt  }
0x60: {  	_ =	shalt  }
0x61: {  	_ =	shalt  }
0x62: {  	_ =	shalt  }
0x63: {  	_ =	shalt  }
0x64: {  	_ =	shalt  }
0x65: {  	_ =	shalt  }
0x66: {  	_ =	shalt  }
0x67: {  	_ =	shalt  }
0x68: {  	_ =	shalt  }
0x69: {  	_ =	shalt  }
0x6a: {  	_ =	shalt  }
0x6b: {  	_ =	shalt  }
0x6c: {  	_ =	shalt  }
0x6d: {  	_ =	shalt  }
0x6e: {  	_ =	shalt  }
0x6f: {  	_ =	shalt  }
0x70: {  	_ =	shalt  }
0x71: {  	_ =	shalt  }
0x72: {  	_ =	shalt  }
0x73: {  	_ =	shalt  }
0x74: {  	_ =	shalt  }
0x75: {  	_ =	shalt  }
0x76: {  	_ =	shalt  }
0x77: {  	_ =	shalt  }
0x78: {  	_ =	shalt  }
0x79: {  	_ =	shalt  }
0x7a: {  	_ =	shalt  }
0x7b: {  	_ =	shalt  }
0x7c: {  	_ =	shalt  }
0x7d: {  	_ =	shalt  }
0x7e: {  	_ =	shalt  }
0x7f: {  	_ =	shalt  }
0x80: {  	_ =	shalt  }
0x81: {  	_ =	shalt  }
0x82: {  	_ =	shalt  }
0x83: {  	_ =	shalt  }
0x84: {  	_ =	shalt  }
0x85: {  	_ =	shalt  }
0x86: {  	_ =	shalt  }
0x87: {  	_ =	shalt  }
.Lfunc_end0:
.L_simem_size_0:
called_computation.1_lowered:
.L_overlay_start_0:
0x88: {  	s2 =	sld [smem:$0x3FD9]  }
0x89: {  	s3 =	sld [smem:$0x3FFE];
	_ =	sdelay $0x1  }
0x8a: {  	s1 =	srdreg.scid  }
0x8b: {  	s0 =	sand.u32 $0x1, s1  }
0x8c: {  	s14 =	sshll.u32 s0, $0xA;
	s2 =	sadd.s32 s3, s2  }
0x8d: {  	s2 =	sadd.s32 s2, s14  }
0x8e: {  	[smem:$0x3FBE] =	sst s2  }
0x8f: {  	_ = 	snop  }
0x90: {  	s2 =	sld [smem:$0x3FD0];
	_ =	sdelay $0x2  }
0x91: {  	s15 =	simm.s32 $0xA;
	s4 =	simm.s32 $0x10  }
0x92: {  	[smem:s4], [sflag:s15] =	dma.local [hbm:s2], $0x1  }
0x93: {  	_ =	swait.eq [sflag:s15], $0x1  }
0x94: {  	[sflag:s15] =	ssyncset.done $0x0  }
0x95: {  	s16 =	sld [smem:$0x12];
	[sflag:s15] =	ssyncadd.s32 $0xFFFFFFFF  }
0x96: {  	s17 =	sld [smem:$0x13];
	(tm) =	ssettm $0x1  }
0x97: {  	s18 =	sld [smem:$0x3FFB];
	_ =	sdelay $0x3  }
0x98: {  	_ =	strace s18  }
0x99: {  	s4 =	sld [smem:$0x3FFC];
	_ =	sdelay $0x3  }
0x9a: {  	_ =	strace s4  }
0x9b: {  	s4 =	sld [smem:$0x3FFD];
	_ =	sdelay $0x3  }
0x9c: {  	_ =	strace s4  }
0x9d: {  	_ =	strace $0x8FFFFFFF  }
0x9e: {  	s19 =	sld [smem:$0x3FDB];
	_ =	sdelay $0x1  }
0x9f: {  	s5 =	simm.s32 $_scs_section_size  }
0xa0: {  	s6 =	simm.s32 $_size__tile_overlayer_lowered;
	s7 =	simm.s32 $_tile_overlayer_lowered  }
0xa1: {  	s22 =	simm.s32 $0x1BFF;
	s21 =	sshll.u32 s7, $0x1;
	s4 =	sadd.s32 s5, s19  }
0xa2: {  	s8 =	simm.s32 $0x0;
	s20 =	sshll.u32 s6, $0x1;
	s6 =	sadd.s32 s21, s4  }
0xa3: {  	[timem:s8], [sflag:s22] =	dma.local [hbm:s6], s20  }
0xa4: {  	_ =	swait.ge [sflag:s22], s20  }
0xa5: {  	s5 =	ssub.s32 $0x0, s20;
	[sflag:s22] =	ssyncset.done $0x0  }
0xa6: {  	[sflag:s22] =	ssyncadd.s32 s5;
	_ =	sdelay $0x1  }
0xa7: {  	s23 =	simm.s32 $0x1B8B  }
0xa8: {  	_ =	swait.ge [sflag:s23], $0x1  }
0xa9: {  	[sflag:s23] =	ssyncset.done $0x0  }
0xaa: {  	s25 =	simm.s32 $0x1B8E;
	s24 =	sld [smem:$0x3FFE];
	[sflag:s23] =	ssyncadd.s32 $0xFFFFFFFF  }
0xab: {  	s26 =	simm.s32 $execute0_lowered;
	[smem:$0x3FD2] =	sst s25  }
0xac: {  	s6 =	sshll.u32 s26, $0x1;
	_ =	strace $0x80000049;
	[dreg:$0x1] =	wrdreg $0xFFFFFFFF  }
0xad: {  	s28 =	simm.s32 $_size_execute0_lowered;
	s4 =	sadd.s32 s4, s6;
	[dreg:$0x0] =	wrdreg $0x0  }
0xae: {  	s6 =	sshll.u32 s28, $0x1;
	[dreg:$0x2] =	wrdreg s4  }
0xaf: {  	[dreg:$0x3] =	wrdreg s6  }
0xb0: {  	[dreg:$0x4] =	wrdreg $0xC0  }
0xb1: {  	_ =	task [dreg:s8], $0x5FFFF  }
0xb2: {  	[dreg:$0x1] =	wrdreg $0xFFFFFFFF  }
0xb3: {  	[dreg:$0x0] =	wrdreg $0x60  }
0xb4: {  	[dreg:$0x2] =	wrdreg s24  }
0xb5: {  	[dreg:$0x3] =	wrdreg s17  }
0xb6: {  	[dreg:$0x4] =	wrdreg s16  }
0xb7: {  	[dreg:$0x5] =	wrdreg $0x84000  }
0xb8: {  	[dreg:$0x6] =	wrdreg $0x9  }
0xb9: {  	_ =	task.clear_ibuf [dreg:s8], $0x7FFFF;
	_ =	strace $0x90000049  }
0xba: {  	s29 =	simm.s32 $0x9;
	_ =	strace $0x8000004B  }
0xbb: {  	_ =	swait.ge [sflag:s29], $0x1  }
0xbc: {  	[sflag:s29] =	ssyncadd.s32 $0xFFFFFFFF  }
0xbd: {  	_ =	strace $0x9000004B  }
0xbe: {  	_ =	sfence  }
0xbf: {  	s30 =	sld [smem:$0x0];
	_ =	sdelay $0x2  }
0xc0: {  	s31 =	sshll.u32 s1, $0xD;
	s1 =	sshrl.u32 s1, $0x2  }
0xc1: {  	s3 =	sand.u32 $0x4000, s31;
	s1 =	sadd.s32 s1, s30  }
0xc2: {  	s0 =	sor.u32 s3, s0;
	s1 =	sshll.u32 s1, $0x11  }
0xc3: {  	s0 =	sor.u32 s1, s0  }
0xc4: {  	s0 =	sadd.s32 $0x8F2B, s0  }
0xc5: {  	[sflag:s0] =	ssyncadd.remote.s32 $0x1  }
0xc6: {  	_ =	sfence.sel $0xFFFF  }
0xc7: {  	[dreg:$0x0] =	wrdreg $0xFFFFFFFF;
	(pc) =	sbr.abs _section_cstart, $3  }
0xc8: {  	[dreg:$0x1] =	wrdreg $0xFFFFFFFF  }
0xc9: {  	_ =	task.clear_ibuf [dreg:s8], $0x2FFFF;
	_ =	strace $0x9FFFFFFF  }
0xca: {  	(tm) =	ssettm $0x7FFFFFFF  }
0xcb: {  	_ =	shalt  }
tec
execute0_lowered:
.L_overlay_start_1:
0x0: {  	(tag) =	ssettag $0x1  }
0x1: {  	s0 =	rddreg [dreg:$0x0]  }
0x2: {  	s1 =	rddreg [dreg:$0x1]  }
0x3: {  	s2 =	rddreg [dreg:$0x2];
	s16 =	stileid.u32  }
0x4: {  	s4 =	rddreg [dreg:$0x3];
	s11 =	smul.u32 $0x50000, s16  }
0x5: {  	s3 =	srdreg.scid;
	s23 =	smul.u32 $0x2800, s16  }
0x6: {  	s5 =	simm.s32 $0x0;
	s3 =	sand.u32 $0x1, s3;
	s28 =	smul.u32 $0xFFFFFF60, s16  }
0x7: {  	s31 =	simm.s32 $0x200;
	[smem:$0x7FF] =	sst s5;
	s13 =	smul.u32 $0x27100, s3  }
0x8: {  	s6 =	sshll.u32 s16, $0x1;
	p0 =	seq.s32 s16, $0xF;
	s14 =	smul.u32 $0x138800, s3  }
0x9: {  	_ =	strace $0x8000004A;
	s7 =	ssub.s32 $0x2, s3;
	s25 =	smul.u32 $0xFFFFFFB0, s3  }
0xa: {  	s8 =	sor.u32 s3, s6;
	s6 =	sadd.s32 $0x2000, s0;
	s3 =	smul.u32 $0x500, s3  }
0xb: {  	s0 =	sadd.s32 $0x29200, s0;
	s9 =	sshrl.u32 s7, $0x1;
	s10 =	smul.u32 $0x500, s8  }
0xc: {  	s8 =	smul.u32 $0x50, s8;
	s20 =	sshrl.u32 s11, $0x2;
	s7 =	ssub.s32 s7, s9  }
0xd: {  	s11 =	sadd.s32 s20, s4;
	s26 =	sshrl.u32 s14, $0x3;
	s20 =	smul.u32 $0xA00, s16  }
0xe: {  	s14 =	simm.s32 $0x180;
	s16 =	simm.s32 $0x2;
	s17 =	sadd.s32 s1, s10  }
0xf: {  	s18 =	sor.u32 $0x10, s10;
	s12 =	sadd.s32 s2, s10;
	s21 =	sor.u32 $0x20, s10  }
0x10: {  	s24 =	sor.u32 $0x30, s10;
	s29 =	sor.u32 $0x40, s10;
	[dreg:$0x7] =	wrdreg s17  }
0x11: {  	s10 =	sor.u32 $0x50, s10;
	s7 =	smax.u32 s7, $0x1;
	[dreg:$0x8] =	wrdreg s12  }
0x12: {  	s30 =	sadd.s32 $0x10000, s11;
	s19 =	sadd.s32 s1, s18;
	[dreg:$0x15] =	wrdreg s7  }
0x13: {  	s9 =	sadd.s32 s2, s18;
	s22 =	sadd.s32 s1, s21;
	[dreg:$0x9] =	wrdreg s19  }
0x14: {  	s12 =	sadd.s32 s2, s21;
	s15 =	sadd.s32 s1, s24;
	[dreg:$0xa] =	wrdreg s9  }
0x15: {  	s17 =	sadd.s32 s28, s25;
	s18 =	sor.u32 $0x4, s8;
	[dreg:$0xb] =	wrdreg s22  }
0x16: {  	s8 =	sor.u32 $0x5, s8;
	s21 =	sadd.s32 s1, s10;
	[dreg:$0xc] =	wrdreg s12  }
0x17: {  	s25 =	sadd.s32 s3, s20;
	s3 =	sadd.s32 $0x12C000, s4;
	[dreg:$0xd] =	wrdreg s15  }
0x18: {  	s28 =	sadd.s32 $0x8000, s11;
	s7 =	simm.s32 $0x400;
	[dreg:$0x5] =	wrdreg s18  }
0x19: {  	s20 =	simm.s32 $0x0;
	s12 =	sadd.s32 s2, s24;
	[dreg:$0x6] =	wrdreg s8  }
0x1a: {  	s9 =	sadd.s32 s23, s13;
	s13 =	sadd.s32 s1, s29;
	[dreg:$0x12] =	wrdreg s21  }
0x1b: {  	s19 =	sadd.s32 s2, s29;
	s22 =	sadd.s32 $0x9C4, s17;
	[dreg:$0x18] =	wrdreg s28  }
0x1c: {  	s23 =	sadd.s32 s2, s10;
	s29 =	sadd.s32 $0xC000, s11;
	[dreg:$0xe] =	wrdreg s12  }
0x1d: {  	s10 =	simm.s32 $0x100;
	s15 =	simm.s32 $0x380;
	[dreg:$0x10] =	wrdreg s13  }
0x1e: {  	s17 =	simm.s32 $0x3;
	s18 =	simm.s32 $0x5;
	[dreg:$0x11] =	wrdreg s19  }
0x1f: {  	s9 =	sadd.s32 s0, s9;
	s0 =	sadd.s32 s0, s26;
	[dreg:$0x13] =	wrdreg s23  }
0x20: {  	s8 =	smin.u32 s22, $0x50;
	s26 =	sadd.s32 $0x4000, s11;
	[dreg:$0x19] =	wrdreg s29  }
0x21: {  	s12 =	simm.s32 $0x300;
	s13 =	simm.s32 $0x4400;
	s19 =	simm.s32 $0x4  }
0x22: {  	[dreg:$0xf] =	wrdreg s9;
	s0 =	sadd.s32 $0x25800, s0;
	s24 =	sshrl.u32 s8, $0x2  }
0x23: {  	[dreg:$0x17] =	wrdreg s26;
	s8 =	simm.s32 $0x6;
	s9 =	simm.s32 $0x1  }
0x24: {  	[dreg:$0x14] =	wrdreg s0;
	s24 =	sadd.s32 $0xFFFFFFFF, s24;
	s0 =	sshrl.u32 @p0 s3, $0x3  }
0x25: {  	v0 =	vimm.f32 $0.0e+00;
	s3 =	simm.s32 $0x280;
	[dreg:$0x16] =	wrdreg s0;
	s0 =	simm.s32 $0x80  }
.LBB2_1:
0x26: {  	s21 =	rddreg [dreg:$0x7]  }
0x27: {  	[tilespmem:s5], [sflag:$0x1] =	stream.linear.gather [hbm4b:s21+s5], $0x80, $0x38;
	[tilespmem:$0x1C400] =	vst v63  }
0x28: {  	s26 =	rddreg [dreg:$0x8]  }
0x29: {  	[tilespmem:s31], [sflag:$0x1] =	stream.linear.gather [hbm4b:s26+s5], $0x80, $0x38;
	[tilespmem:$0x1C400] =	vst v63  }
0x2a: {  	s28 =	rddreg [dreg:$0x9]  }
0x2b: {  	[tilespmem:s0], [sflag:$0x1] =	stream.linear.gather [hbm4b:s28+s5], $0x80, $0x38;
	[tilespmem:$0x1C400] =	vst v63  }
0x2c: {  	s29 =	rddreg [dreg:$0xa];
	s22 =	simm.s32 $0x200;
	s21 =	simm.s32 $0x0  }
0x2d: {  	[tilespmem:s3], [sflag:$0x1] =	stream.linear.gather [hbm4b:s29+s5], $0x80, $0x38;
	[tilespmem:$0x1C400] =	vst v63  }
.LBB2_2:
0x2e: {  	p1 =	sne.s32 s22, $0xFE00;
	[tilespmem:s21+$0x470] =	vst v0  }
0x2f: {  	[tilespmem:s21+$0x400] =	vst v0  }
0x30: {  	[tilespmem:s21+$0x410] =	vst v0  }
.Ltmp0:
0x31: {  	[tilespmem:s21+$0x420] =	vst v0;
	(pc) =	sbr.rel @p1 .LBB2_2-.Ltmp0, $4  }
0x32: {  	[tilespmem:s21+$0x430] =	vst v0  }
0x33: {  	[tilespmem:s21+$0x440] =	vst v0  }
0x34: {  	[tilespmem:s21+$0x450] =	vst v0  }
0x35: {  	[tilespmem:s21+$0x460] =	vst v0;
	s21 =	sshra.s32 s22, $0x2;
	s22 =	sadd.s32 $0x200, s22  }
0x36: {  	[tilespmem:s21+$0x470] =	vst v0  }
0x37: {  	[tilespmem:s21+$0x400] =	vst v0  }
0x38: {  	[tilespmem:s21+$0x410] =	vst v0  }
0x39: {  	[tilespmem:s21+$0x420] =	vst v0  }
0x3a: {  	[tilespmem:s21+$0x430] =	vst v0  }
0x3b: {  	[tilespmem:s21+$0x440] =	vst v0  }
0x3c: {  	[tilespmem:s21+$0x450] =	vst v0  }
0x3d: {  	[tilespmem:s21+$0x460] =	vst v0  }
0x3e: {  	[spmem:s11] =	stream.linear.scatter [tilespmem:s7], [sflag:$0x6], $0x4000, $0x38;
	[tilespmem:$0x1C400] =	vst v63  }
0x3f: {  	_ =	swait.ge [sflag:s8], $0x4000  }
0x40: {  	[sflag:s8] =	ssyncset.done $0x0  }
0x41: {  	s26 =	rddreg [dreg:$0x17];
	[sflag:s8] =	ssyncadd.s32 $0xFFFFC000  }
0x42: {  	[spmem:s26] =	stream.linear.scatter [tilespmem:s7], [sflag:$0x6], $0x4000, $0x38;
	[tilespmem:$0x1C400] =	vst v63  }
0x43: {  	_ =	swait.ge [sflag:s8], $0x4000  }
0x44: {  	[sflag:s8] =	ssyncset.done $0x0  }
0x45: {  	s29 =	rddreg [dreg:$0x18];
	[sflag:s8] =	ssyncadd.s32 $0xFFFFC000  }
0x46: {  	[spmem:s29] =	stream.linear.scatter [tilespmem:s7], [sflag:$0x6], $0x4000, $0x38;
	[tilespmem:$0x1C400] =	vst v63  }
0x47: {  	_ =	swait.ge [sflag:s8], $0x4000  }
0x48: {  	[sflag:s8] =	ssyncset.done $0x0  }
0x49: {  	s22 =	rddreg [dreg:$0x19];
	[sflag:s8] =	ssyncadd.s32 $0xFFFFC000  }
0x4a: {  	[spmem:s22] =	stream.linear.scatter [tilespmem:s7], [sflag:$0x6], $0x4000, $0x38;
	[tilespmem:$0x1C400] =	vst v63  }
0x4b: {  	_ =	swait.ge [sflag:s8], $0x4000  }
0x4c: {  	[sflag:s8] =	ssyncset.done $0x0  }
0x4d: {  	[sflag:s8] =	ssyncadd.s32 $0xFFFFC000  }
0x4e: {  	[spmem:s30] =	stream.linear.scatter [tilespmem:s7], [sflag:$0x6], $0x4000, $0x38;
	[tilespmem:$0x1C400] =	vst v63  }
0x4f: {  	_ =	swait.ge [sflag:s8], $0x4000  }
0x50: {  	[sflag:s8] =	ssyncset.done $0x0  }
0x51: {  	[sflag:s8] =	ssyncadd.s32 $0xFFFFC000  }
0x52: {  	[bflag:$0x0] =	sbarrier.arrive $0xFFFF  }
0x53: {  	_ =	swait.ge [sflag:s9], $0x80  }
0x54: {  	[sflag:s9] =	ssyncset.done $0x0  }
0x55: {  	[sflag:s9] =	ssyncadd.s32 $0xFFFFFF80  }
0x56: {  	_ =	swait.ge [sflag:s9], $0x80  }
0x57: {  	[sflag:s9] =	ssyncset.done $0x0  }
0x58: {  	[sflag:s9] =	ssyncadd.s32 $0xFFFFFF80  }
0x59: {  	[tilespmem:s7], [sflag:$0x2] =	stream.indirect.gather [hbm4b:s6+s0], $0x80, s5, s0, $0xb8;
	[tilespmem:$0x1C400] =	vst v63  }
0x5a: {  	s23 =	rddreg [dreg:$0xb]  }
0x5b: {  	[tilespmem:s10], [sflag:$0x1] =	stream.linear.gather [hbm4b:s23+s5], $0x80, $0x38;
	[tilespmem:$0x1C400] =	vst v63  }
0x5c: {  	s26 =	rddreg [dreg:$0xc]  }
0x5d: {  	[tilespmem:s12], [sflag:$0x1] =	stream.linear.gather [hbm4b:s26+s5], $0x80, $0x38;
	[tilespmem:$0x1C400] =	vst v63  }
0x5e: {  	_ =	swait.ge [sflag:s9], $0x80  }
0x5f: {  	[sflag:s9] =	ssyncset.done $0x0  }
0x60: {  	[sflag:s9] =	ssyncadd.s32 $0xFFFFFF80  }
0x61: {  	_ =	swait.ge [sflag:s9], $0x80  }
0x62: {  	[sflag:s9] =	ssyncset.done $0x0  }
0x63: {  	[sflag:s9] =	ssyncadd.s32 $0xFFFFFF80  }
0x64: {  	[tilespmem:s13], [sflag:$0x3] =	stream.indirect.gather [hbm4b:s6+s0], $0x80, s0, s0, $0xb8;
	[tilespmem:$0x1C400] =	vst v63  }
0x65: {  	s29 =	rddreg [dreg:$0xd]  }
0x66: {  	[tilespmem:s14], [sflag:$0x1] =	stream.linear.gather [hbm4b:s29+s5], $0x80, $0x38;
	[tilespmem:$0x1C400] =	vst v63  }
0x67: {  	s22 =	rddreg [dreg:$0xe]  }
0x68: {  	[tilespmem:s15], [sflag:$0x1] =	stream.linear.gather [hbm4b:s22+s5], $0x80, $0x38;
	[tilespmem:$0x1C400] =	vst v63  }
0x69: {  	_ =	swait.ge [sflag:s16], $0x4000  }
0x6a: {  	[sflag:s16] =	ssyncset.done $0x0  }
0x6b: {  	[sflag:s16] =	ssyncadd.s32 $0xFFFFC000  }
0x6c: {  	[spmem:s4] =	stream.indirect.scatter.add.f32 [tilespmem:s7], [sflag:$0x4], $0x80, s31, s0, $0xb8;
	[tilespmem:$0x1C400] =	vst v63  }
0x6d: {  	_ =	swait.ge [sflag:s9], $0x80  }
0x6e: {  	[sflag:s9] =	ssyncset.done $0x0  }
0x6f: {  	[sflag:s9] =	ssyncadd.s32 $0xFFFFFF80  }
0x70: {  	_ =	swait.ge [sflag:s9], $0x80  }
0x71: {  	[sflag:s9] =	ssyncset.done $0x0  }
0x72: {  	s28 =	simm.s32 $0x4;
	[sflag:s9] =	ssyncadd.s32 $0xFFFFFF80  }
0x73: {  	_ =	swait.ge [sflag:s28], $0x4000  }
0x74: {  	[sflag:s28] =	ssyncset.done $0x0  }
0x75: {  	[sflag:s28] =	ssyncadd.s32 $0xFFFFC000  }
0x76: {  	[tilespmem:s7], [sflag:$0x2] =	stream.indirect.gather [hbm4b:s6+s0], $0x80, s10, s0, $0xb8;
	[tilespmem:$0x1C400] =	vst v63  }
0x77: {  	s23 =	rddreg [dreg:$0x10]  }
0x78: {  	[tilespmem:s5], [sflag:$0x1] =	stream.linear.gather [hbm4b:s23+s5], $0x80, $0x38;
	[tilespmem:$0x1C400] =	vst v63  }
0x79: {  	s26 =	rddreg [dreg:$0x11]  }
0x7a: {  	[tilespmem:s31], [sflag:$0x1] =	stream.linear.gather [hbm4b:s26+s5], $0x80, $0x38;
	[tilespmem:$0x1C400] =	vst v63  }
0x7b: {  	_ =	swait.ge [sflag:s17], $0x4000  }
0x7c: {  	[sflag:s17] =	ssyncset.done $0x0  }
0x7d: {  	[sflag:s17] =	ssyncadd.s32 $0xFFFFC000  }
0x7e: {  	[spmem:s4] =	stream.indirect.scatter.add.f32 [tilespmem:s13], [sflag:$0x5], $0x80, s3, s0, $0xb8;
	[tilespmem:$0x1C400] =	vst v63  }
0x7f: {  	_ =	swait.ge [sflag:s9], $0x80  }
0x80: {  	[sflag:s9] =	ssyncset.done $0x0  }
0x81: {  	[sflag:s9] =	ssyncadd.s32 $0xFFFFFF80  }
0x82: {  	_ =	swait.ge [sflag:s9], $0x80  }
0x83: {  	[sflag:s9] =	ssyncset.done $0x0  }
0x84: {  	[sflag:s9] =	ssyncadd.s32 $0xFFFFFF80  }
0x85: {  	_ =	swait.ge [sflag:s18], $0x4000  }
0x86: {  	[sflag:s18] =	ssyncset.done $0x0  }
0x87: {  	[sflag:s18] =	ssyncadd.s32 $0xFFFFC000  }
0x88: {  	[tilespmem:s13], [sflag:$0x3] =	stream.indirect.gather [hbm4b:s6+s0], $0x80, s14, s0, $0xb8;
	[tilespmem:$0x1C400] =	vst v63  }
0x89: {  	s29 =	rddreg [dreg:$0x12]  }
0x8a: {  	[tilespmem:s0], [sflag:$0x1] =	stream.linear.gather [hbm4b:s29+s5], $0x80, $0x38;
	[tilespmem:$0x1C400] =	vst v63  }
0x8b: {  	s22 =	rddreg [dreg:$0x13]  }
0x8c: {  	[tilespmem:s3], [sflag:$0x1] =	stream.linear.gather [hbm4b:s22+s5], $0x80, $0x38;
	[tilespmem:$0x1C400] =	vst v63  }
0x8d: {  	_ =	swait.ge [sflag:s16], $0x4000  }
0x8e: {  	[sflag:s16] =	ssyncset.done $0x0  }
0x8f: {  	[sflag:s16] =	ssyncadd.s32 $0xFFFFC000  }
0x90: {  	[spmem:s4] =	stream.indirect.scatter.add.f32 [tilespmem:s7], [sflag:$0x4], $0x80, s12, s0, $0xb8;
	[tilespmem:$0x1C400] =	vst v63  }
0x91: {  	_ =	swait.ge [sflag:s9], $0x80  }
0x92: {  	[sflag:s9] =	ssyncset.done $0x0  }
0x93: {  	[sflag:s9] =	ssyncadd.s32 $0xFFFFFF80  }
0x94: {  	_ =	swait.ge [sflag:s9], $0x80  }
0x95: {  	[sflag:s9] =	ssyncset.done $0x0  }
0x96: {  	[sflag:s9] =	ssyncadd.s32 $0xFFFFFF80  }
0x97: {  	_ =	swait.ge [sflag:s19], $0x4000  }
0x98: {  	s23 =	sadd.s32 $0x60, s25;
	[sflag:s19] =	ssyncset.done $0x0  }
0x99: {  	s21 =	sand.u32 $0x1FFFFFE0, s23;
	[sflag:s19] =	ssyncadd.s32 $0xFFFFC000  }
0x9a: {  	[tilespmem:s7], [sflag:$0x2] =	stream.indirect.gather [hbm4b:s6+s0], $0x80, s5, s0, $0xb8;
	[tilespmem:$0x1C400] =	vst v63  }
0x9b: {  	s22 =	sadd.s32 s1, s21  }
0x9c: {  	[tilespmem:s10], [sflag:$0x1] =	stream.linear.gather [hbm4b:s22+s5], $0x80, $0x38;
	[tilespmem:$0x1C400] =	vst v63  }
0x9d: {  	s21 =	sadd.s32 s2, s21  }
0x9e: {  	[tilespmem:s12], [sflag:$0x1] =	stream.linear.gather [hbm4b:s21+s5], $0x80, $0x38;
	[tilespmem:$0x1C400] =	vst v63  }
0x9f: {  	_ =	swait.ge [sflag:s17], $0x4000  }
0xa0: {  	[sflag:s17] =	ssyncset.done $0x0  }
0xa1: {  	[sflag:s17] =	ssyncadd.s32 $0xFFFFC000  }
0xa2: {  	[spmem:s4] =	stream.indirect.scatter.add.f32 [tilespmem:s13], [sflag:$0x5], $0x80, s15, s0, $0xb8;
	[tilespmem:$0x1C400] =	vst v63  }
0xa3: {  	_ =	swait.ge [sflag:s9], $0x80  }
0xa4: {  	[sflag:s9] =	ssyncset.done $0x0  }
0xa5: {  	[sflag:s9] =	ssyncadd.s32 $0xFFFFFF80  }
0xa6: {  	_ =	swait.ge [sflag:s9], $0x80  }
0xa7: {  	[sflag:s9] =	ssyncset.done $0x0  }
0xa8: {  	[sflag:s9] =	ssyncadd.s32 $0xFFFFFF80  }
0xa9: {  	_ =	swait.ge [sflag:s18], $0x4000  }
0xaa: {  	s26 =	sadd.s32 $0x70, s25;
	[sflag:s18] =	ssyncset.done $0x0  }
0xab: {  	s21 =	sand.u32 $0x1FFFFFF0, s26;
	[sflag:s18] =	ssyncadd.s32 $0xFFFFC000  }
0xac: {  	[tilespmem:s13], [sflag:$0x3] =	stream.indirect.gather [hbm4b:s6+s0], $0x80, s0, s0, $0xb8;
	[tilespmem:$0x1C400] =	vst v63  }
0xad: {  	s29 =	sadd.s32 s1, s21  }
0xae: {  	[tilespmem:s14], [sflag:$0x1] =	stream.linear.gather [hbm4b:s29+s5], $0x80, $0x38;
	[tilespmem:$0x1C400] =	vst v63  }
0xaf: {  	p3 =	sne.s32 s24, $0x1;
	p1 =	por $0x1, $0x1;
	s21 =	sadd.s32 s2, s21  }
0xb0: {  	[tilespmem:s15], [sflag:$0x1] =	stream.linear.gather [hbm4b:s21+s5], $0x80, $0x38;
	[tilespmem:$0x1C400] =	vst v63  }
.Ltmp1:
0xb1: {  	p4 =	por $0x1, $0x1;
	_ =	swait.ge [sflag:s16], $0x4000;
	(pc) =	sbr.rel @!p3 .LBB2_5-.Ltmp1, $4  }
0xb2: {  	p2 =	por p1, p1;
	p1 =	por p4, p4;
	[sflag:s16] =	ssyncset.done $0x0  }
0xb3: {  	s23 =	simm.s32 $0x4;
	s22 =	sadd.s32 $0xFFFFFFFF, s24;
	[sflag:s16] =	ssyncadd.s32 $0xFFFFC000  }
0xb4: {  	[spmem:s4] =	stream.indirect.scatter.add.f32 [tilespmem:s7], [sflag:$0x4], $0x80, s31, s0, $0xb8;
	[tilespmem:$0x1C400] =	vst v63  }
0xb5: {  	s26 =	simm.s32 $0x4;
	s21 =	smov.u32 s25;
	_ =	swait.ge [sflag:s9], $0x80  }
.LBB2_4:
0xb6: {  	[sflag:s9] =	ssyncset.done $0x0  }
0xb7: {  	[sflag:s9] =	ssyncadd.s32 $0xFFFFFF80  }
0xb8: {  	_ =	swait.ge [sflag:s9], $0x80  }
0xb9: {  	[sflag:s9] =	ssyncset.done $0x0  }
0xba: {  	[sflag:s9] =	ssyncadd.s32 $0xFFFFFF80  }
0xbb: {  	s26 =	smov.u32 s28;
	_ =	swait.ge [sflag:s19], $0x4000  }
0xbc: {  	s26 =	simm.s32 @!p2 $0x4B;
	[sflag:s19] =	ssyncset.done $0x0;
	s29 =	rddreg [dreg:$0x5]  }
0xbd: {  	[sflag:s19] =	ssyncadd.s32 $0xFFFFC000;
	s26 =	sadd.s32 s29, s26  }
0xbe: {  	[tilespmem:s7], [sflag:$0x2] =	stream.indirect.gather [hbm4b:s6+s0], $0x80, s10, s0, $0xb8;
	[tilespmem:$0x1C400] =	vst v63  }
0xbf: {  	s26 =	sshll.u32 s26, $0x4  }
0xc0: {  	s26 =	sand.u32 $0x1FFFFFF0, s26  }
0xc1: {  	s29 =	sadd.s32 s1, s26  }
0xc2: {  	[tilespmem:s5], [sflag:$0x1] =	stream.linear.gather [hbm4b:s29+s5], $0x80, $0x38;
	[tilespmem:$0x1C400] =	vst v63  }
0xc3: {  	s26 =	sadd.s32 s2, s26  }
0xc4: {  	[tilespmem:s31], [sflag:$0x1] =	stream.linear.gather [hbm4b:s26+s5], $0x80, $0x38;
	[tilespmem:$0x1C400] =	vst v63  }
0xc5: {  	_ =	swait.ge [sflag:s17], $0x4000  }
0xc6: {  	[sflag:s17] =	ssyncset.done $0x0  }
0xc7: {  	[sflag:s17] =	ssyncadd.s32 $0xFFFFC000  }
0xc8: {  	[spmem:s4] =	stream.indirect.scatter.add.f32 [tilespmem:s13], [sflag:$0x5], $0x80, s3, s0, $0xb8;
	[tilespmem:$0x1C400] =	vst v63  }
0xc9: {  	_ =	swait.ge [sflag:s9], $0x80  }
0xca: {  	[sflag:s9] =	ssyncset.done $0x0  }
0xcb: {  	[sflag:s9] =	ssyncadd.s32 $0xFFFFFF80  }
0xcc: {  	_ =	swait.ge [sflag:s9], $0x80  }
0xcd: {  	[sflag:s9] =	ssyncset.done $0x0  }
0xce: {  	[sflag:s9] =	ssyncadd.s32 $0xFFFFFF80  }
0xcf: {  	_ =	swait.ge [sflag:s18], $0x4000  }
0xd0: {  	s28 =	simm.s32 @!p1 $0x4A;
	s29 =	rddreg [dreg:$0x6]  }
0xd1: {  	[sflag:s18] =	ssyncset.done $0x0;
	s28 =	sadd.s32 s29, s28  }
0xd2: {  	[sflag:s18] =	ssyncadd.s32 $0xFFFFC000;
	s28 =	sshll.u32 s28, $0x4  }
0xd3: {  	[tilespmem:s13], [sflag:$0x3] =	stream.indirect.gather [hbm4b:s6+s0], $0x80, s14, s0, $0xb8;
	[tilespmem:$0x1C400] =	vst v63  }
0xd4: {  	s28 =	sand.u32 $0x1FFFFFF0, s28  }
0xd5: {  	s29 =	sadd.s32 s1, s28  }
0xd6: {  	[tilespmem:s0], [sflag:$0x1] =	stream.linear.gather [hbm4b:s29+s5], $0x80, $0x38;
	[tilespmem:$0x1C400] =	vst v63  }
0xd7: {  	s28 =	sadd.s32 s2, s28  }
0xd8: {  	[tilespmem:s3], [sflag:$0x1] =	stream.linear.gather [hbm4b:s28+s5], $0x80, $0x38;
	[tilespmem:$0x1C400] =	vst v63  }
0xd9: {  	_ =	swait.ge [sflag:s16], $0x4000  }
0xda: {  	[sflag:s16] =	ssyncset.done $0x0  }
0xdb: {  	[sflag:s16] =	ssyncadd.s32 $0xFFFFC000  }
0xdc: {  	[spmem:s4] =	stream.indirect.scatter.add.f32 [tilespmem:s7], [sflag:$0x4], $0x80, s12, s0, $0xb8;
	[tilespmem:$0x1C400] =	vst v63  }
0xdd: {  	_ =	swait.ge [sflag:s9], $0x80  }
0xde: {  	[sflag:s9] =	ssyncset.done $0x0  }
0xdf: {  	[sflag:s9] =	ssyncadd.s32 $0xFFFFFF80  }
0xe0: {  	_ =	swait.ge [sflag:s9], $0x80  }
0xe1: {  	[sflag:s9] =	ssyncset.done $0x0  }
0xe2: {  	[sflag:s9] =	ssyncadd.s32 $0xFFFFFF80  }
0xe3: {  	s21 =	sadd.s32 $0x40, s21;
	_ =	swait.ge [sflag:s19], $0x4000  }
0xe4: {  	s28 =	sadd.s32 $0x60, s21;
	[sflag:s19] =	ssyncset.done $0x0  }
0xe5: {  	s28 =	sand.u32 $0x1FFFFFE0, s28;
	[sflag:s19] =	ssyncadd.s32 $0xFFFFC000  }
0xe6: {  	[tilespmem:s7], [sflag:$0x2] =	stream.indirect.gather [hbm4b:s6+s0], $0x80, s5, s0, $0xb8;
	[tilespmem:$0x1C400] =	vst v63  }
0xe7: {  	s29 =	sadd.s32 s1, s28  }
0xe8: {  	[tilespmem:s10], [sflag:$0x1] =	stream.linear.gather [hbm4b:s29+s5], $0x80, $0x38;
	[tilespmem:$0x1C400] =	vst v63  }
0xe9: {  	s28 =	sadd.s32 s2, s28  }
0xea: {  	[tilespmem:s12], [sflag:$0x1] =	stream.linear.gather [hbm4b:s28+s5], $0x80, $0x38;
	[tilespmem:$0x1C400] =	vst v63  }
0xeb: {  	_ =	swait.ge [sflag:s17], $0x4000  }
0xec: {  	[sflag:s17] =	ssyncset.done $0x0  }
0xed: {  	[sflag:s17] =	ssyncadd.s32 $0xFFFFC000  }
0xee: {  	[spmem:s4] =	stream.indirect.scatter.add.f32 [tilespmem:s13], [sflag:$0x5], $0x80, s15, s0, $0xb8;
	[tilespmem:$0x1C400] =	vst v63  }
0xef: {  	_ =	swait.ge [sflag:s9], $0x80  }
0xf0: {  	[sflag:s9] =	ssyncset.done $0x0  }
0xf1: {  	[sflag:s9] =	ssyncadd.s32 $0xFFFFFF80  }
0xf2: {  	_ =	swait.ge [sflag:s9], $0x80  }
0xf3: {  	[sflag:s9] =	ssyncset.done $0x0  }
0xf4: {  	[sflag:s9] =	ssyncadd.s32 $0xFFFFFF80  }
0xf5: {  	_ =	swait.ge [sflag:s18], $0x4000  }
0xf6: {  	s28 =	sadd.s32 $0x70, s21;
	[sflag:s18] =	ssyncset.done $0x0  }
0xf7: {  	s28 =	sand.u32 $0x1FFFFFF0, s28;
	[sflag:s18] =	ssyncadd.s32 $0xFFFFC000  }
0xf8: {  	[tilespmem:s13], [sflag:$0x3] =	stream.indirect.gather [hbm4b:s6+s0], $0x80, s0, s0, $0xb8;
	[tilespmem:$0x1C400] =	vst v63  }
0xf9: {  	s29 =	sadd.s32 s1, s28  }
0xfa: {  	[tilespmem:s14], [sflag:$0x1] =	stream.linear.gather [hbm4b:s29+s5], $0x80, $0x38;
	[tilespmem:$0x1C400] =	vst v63  }
0xfb: {  	s23 =	sadd.s32 $0x4, s23;
	p3 =	sne.s32 s22, $0x1;
	s28 =	sadd.s32 s2, s28  }
0xfc: {  	[tilespmem:s15], [sflag:$0x1] =	stream.linear.gather [hbm4b:s28+s5], $0x80, $0x38;
	[tilespmem:$0x1C400] =	vst v63  }
.Ltmp2:
0xfd: {  	s22 =	sadd.s32 $0xFFFFFFFF, s22;
	_ =	swait.ge [sflag:s16], $0x4000;
	(pc) =	sbr.rel @p3 .LBB2_4-.Ltmp2, $4  }
0xfe: {  	p5 =	slt.s32 s23, $0x4B;
	p4 =	slt.s32 s23, $0x4A;
	[sflag:s16] =	ssyncset.done $0x0  }
0xff: {  	p2 =	por p5, p5;
	s26 =	smov.u32 s23;
	[sflag:s16] =	ssyncadd.s32 $0xFFFFC000  }
0x100: {  	[spmem:s4] =	stream.indirect.scatter.add.f32 [tilespmem:s7], [sflag:$0x4], $0x80, s31, s0, $0xb8;
	[tilespmem:$0x1C400] =	vst v63  }
0x101: {  	p1 =	por p4, p4;
	s28 =	smov.u32 s26;
	_ =	swait.ge [sflag:s9], $0x80  }
.LBB2_5:
0x102: {  	[sflag:s9] =	ssyncset.done $0x0  }
0x103: {  	[sflag:s9] =	ssyncadd.s32 $0xFFFFFF80  }
0x104: {  	_ =	swait.ge [sflag:s9], $0x80  }
0x105: {  	[sflag:s9] =	ssyncset.done $0x0  }
0x106: {  	[sflag:s9] =	ssyncadd.s32 $0xFFFFFF80  }
0x107: {  	s22 =	smov.u32 s26;
	_ =	swait.ge [sflag:s19], $0x4000  }
0x108: {  	s22 =	simm.s32 @!p2 $0x4B;
	[sflag:s19] =	ssyncset.done $0x0;
	s21 =	rddreg [dreg:$0x5]  }
0x109: {  	[sflag:s19] =	ssyncadd.s32 $0xFFFFC000;
	s21 =	sadd.s32 s21, s22  }
0x10a: {  	[tilespmem:s7], [sflag:$0x2] =	stream.indirect.gather [hbm4b:s6+s0], $0x80, s10, s0, $0xb8;
	[tilespmem:$0x1C400] =	vst v63  }
0x10b: {  	s21 =	sshll.u32 s21, $0x4  }
0x10c: {  	s21 =	sand.u32 $0x1FFFFFF0, s21  }
0x10d: {  	s29 =	sadd.s32 s1, s21  }
0x10e: {  	[tilespmem:s5], [sflag:$0x1] =	stream.linear.gather [hbm4b:s29+s5], $0x80, $0x38;
	[tilespmem:$0x1C400] =	vst v63  }
0x10f: {  	s21 =	sadd.s32 s2, s21  }
0x110: {  	[tilespmem:s31], [sflag:$0x1] =	stream.linear.gather [hbm4b:s21+s5], $0x80, $0x38;
	[tilespmem:$0x1C400] =	vst v63  }
0x111: {  	_ =	swait.ge [sflag:s17], $0x4000  }
0x112: {  	[sflag:s17] =	ssyncset.done $0x0  }
0x113: {  	[sflag:s17] =	ssyncadd.s32 $0xFFFFC000  }
0x114: {  	[spmem:s4] =	stream.indirect.scatter.add.f32 [tilespmem:s13], [sflag:$0x5], $0x80, s3, s0, $0xb8;
	[tilespmem:$0x1C400] =	vst v63  }
0x115: {  	_ =	swait.ge [sflag:s9], $0x80  }
0x116: {  	[sflag:s9] =	ssyncset.done $0x0  }
0x117: {  	[sflag:s9] =	ssyncadd.s32 $0xFFFFFF80  }
0x118: {  	_ =	swait.ge [sflag:s9], $0x80  }
0x119: {  	[sflag:s9] =	ssyncset.done $0x0  }
0x11a: {  	[sflag:s9] =	ssyncadd.s32 $0xFFFFFF80  }
0x11b: {  	_ =	swait.ge [sflag:s18], $0x4000  }
0x11c: {  	s26 =	simm.s32 @!p1 $0x4A;
	s23 =	rddreg [dreg:$0x6]  }
0x11d: {  	[sflag:s18] =	ssyncset.done $0x0;
	s21 =	sadd.s32 s23, s26  }
0x11e: {  	[sflag:s18] =	ssyncadd.s32 $0xFFFFC000;
	s21 =	sshll.u32 s21, $0x4  }
0x11f: {  	[tilespmem:s13], [sflag:$0x3] =	stream.indirect.gather [hbm4b:s6+s0], $0x80, s14, s0, $0xb8;
	[tilespmem:$0x1C400] =	vst v63  }
0x120: {  	s21 =	sand.u32 $0x1FFFFFF0, s21  }
0x121: {  	s28 =	sadd.s32 s1, s21  }
0x122: {  	[tilespmem:s0], [sflag:$0x1] =	stream.linear.gather [hbm4b:s28+s5], $0x80, $0x38;
	[tilespmem:$0x1C400] =	vst v63  }
0x123: {  	s21 =	sadd.s32 s2, s21  }
0x124: {  	[tilespmem:s3], [sflag:$0x1] =	stream.linear.gather [hbm4b:s21+s5], $0x80, $0x38;
	[tilespmem:$0x1C400] =	vst v63  }
0x125: {  	_ =	swait.ge [sflag:s16], $0x4000  }
0x126: {  	[sflag:s16] =	ssyncset.done $0x0  }
0x127: {  	[sflag:s16] =	ssyncadd.s32 $0xFFFFC000  }
0x128: {  	[spmem:s4] =	stream.indirect.scatter.add.f32 [tilespmem:s7], [sflag:$0x4], $0x80, s12, s0, $0xb8;
	[tilespmem:$0x1C400] =	vst v63  }
0x129: {  	_ =	swait.ge [sflag:s17], $0x4000  }
0x12a: {  	[sflag:s17] =	ssyncset.done $0x0  }
0x12b: {  	[sflag:s17] =	ssyncadd.s32 $0xFFFFC000  }
0x12c: {  	[spmem:s4] =	stream.indirect.scatter.add.f32 [tilespmem:s13], [sflag:$0x5], $0x80, s15, s0, $0xb8;
	[tilespmem:$0x1C400] =	vst v63  }
0x12d: {  	_ =	swait.ge [sflag:s19], $0x4000  }
0x12e: {  	[sflag:s19] =	ssyncset.done $0x0  }
0x12f: {  	[sflag:s19] =	ssyncadd.s32 $0xFFFFC000  }
0x130: {  	_ =	swait.ge [sflag:s18], $0x4000  }
0x131: {  	[sflag:s18] =	ssyncset.done $0x0  }
0x132: {  	[sflag:s18] =	ssyncadd.s32 $0xFFFFC000  }
0x133: {  	_ =	swait.ge [sflag:s9], $0x80  }
0x134: {  	[sflag:s9] =	ssyncset.done $0x0  }
0x135: {  	[sflag:s9] =	ssyncadd.s32 $0xFFFFFF80  }
0x136: {  	_ =	swait.ge [sflag:s9], $0x80  }
0x137: {  	[sflag:s9] =	ssyncset.done $0x0  }
0x138: {  	[sflag:s9] =	ssyncadd.s32 $0xFFFFFF80  }
0x139: {  	_ =	swait.ge [sflag:s9], $0x80  }
0x13a: {  	[sflag:s9] =	ssyncset.done $0x0  }
0x13b: {  	[sflag:s9] =	ssyncadd.s32 $0xFFFFFF80  }
0x13c: {  	_ =	swait.ge [sflag:s9], $0x80  }
0x13d: {  	[sflag:s9] =	ssyncset.done $0x0  }
0x13e: {  	[sflag:s9] =	ssyncadd.s32 $0xFFFFFF80  }
0x13f: {  	[bflag:$0x0] =	sbarrier.arrive $0xFFFF  }
0x140: {  	s22 =	rddreg [dreg:$0x14]  }
0x141: {  	s21 =	simm.s32 @p0 $0x1FC6;
	s23 =	rddreg [dreg:$0x16]  }
0x142: {  	[hbm:s22], [sflag:s21] =	dma.local @p0 [spmem:s23], $0x1900  }
0x143: {  	s21 =	simm.s32 @p0 $0x6  }
0x144: {  	s22 =	stileid.u32;
	_ =	swait.ge @p0 [sflag:s21], $0x1900  }
0x145: {  	s22 =	sshll.u32 @!p0 s22, $0x6;
	[sflag:s21] =	ssyncset.done @p0 $0x0;
	s23 =	rddreg [dreg:$0xf]  }
0x146: {  	[sflag:s21] =	ssyncadd.s32 @p0 $0xFFFFE700;
	s21 =	sor.u32 @!p0 $0x1C06, s22;
	s22 =	sshrl.u32 @!p0 s11, $0x3  }
0x147: {  	[hbm:s23], [sflag:s21] =	dma.local @!p0 [spmem:s22], $0x2800  }
0x148: {  	s21 =	simm.s32 @!p0 $0x6  }
0x149: {  	_ =	swait.ge @!p0 [sflag:s21], $0x2800  }
0x14a: {  	s20 =	sadd.s32 $0x1, s20;
	s29 =	rddreg [dreg:$0x15]  }
0x14b: {  	p1 =	sne.s32 s20, s29  }
.Ltmp3:
0x14c: {  	_ = 	snop;
	(pc) =	sbr.rel @p1 .LBB2_1-.Ltmp3, $3  }
0x14d: {  	_ =	sdelay $0x1  }
0x14e: {  	[sflag:s21] =	ssyncset.done @!p0 $0x0  }
0x14f: {  	[sflag:s21] =	ssyncadd.s32 @!p0 $0xFFFFD800  }
0x150: {  	_ =	sfence.sel $0x180000  }
0x151: {  	[bflag:$0x0] =	sbarrier.arrive $0xFFFF  }
0x152: {  	_ =	strace $0x9000004A  }
0x153: {  	s0 =	stileid.u32;
	[bflag:$0x2] =	sbarrier.arrive $0xFFFF  }
0x154: {  	p0 =	sne.s32 s0, $0x0;
	s0 =	rddreg [dreg:$0x4]  }
0x155: {  	s0 =	sadd.s32 @!p0 $0x100000, s0  }
0x156: {  	[sflag:s0] =	ssyncadd.tile.s32 @!p0 $0x1;
	_ =	shalt  }
.Lfunc_end2:
_tile_overlayer_lowered:
.L_overlay_start_2:
0x157: {  	(tag) =	ssettag $0x2  }
0x158: {  	s0 =	rddreg [dreg:$0x0];
	s2 =	stileid.u32  }
0x159: {  	s1 =	rddreg [dreg:$0x1];
	p0 =	sne.s32 s2, $0x0  }
0x15a: {  	s3 =	rddreg [dreg:$0x2];
	[bflag:$0x3] =	sbarrier.arrive $0xFFFF;
	s2 =	simm.s32 @!p0 $0x1C06  }
0x15b: {  	[timem:s3], [sflag:s2] =	dma.local @!p0 [hbm:s0], s1  }
0x15c: {  	s0 =	simm.s32 @!p0 $0x6  }
0x15d: {  	_ =	swait.ge @!p0 [sflag:s0], s1  }
0x15e: {  	s1 =	ssub.s32 @!p0 $0x0, s1;
	[sflag:s0] =	ssyncset.done @!p0 $0x0  }
0x15f: {  	[sflag:s0] =	ssyncadd.s32 @!p0 s1  }
0x160: {  	[bflag:$0x3] =	sbarrier.arrive $0xFFFF  }
0x161: {  	_ =	shalt  }

</sc_bundles>
